<compile_context>
chip_gen: v7x
topology: tpu7x:2x2x1
jax: 0.10.2.dev20260603
libtpu: 0.0.44.dev20260713+nightly
codegen_flags: <defaults>
</compile_context>

<pallas_src>
import functools

import jax
import jax.numpy as jnp
from jax import lax
from jax.experimental import pallas as pl
from jax.experimental.pallas import tpu as pltpu
from jax.experimental.pallas import tpu_sc as plsc

B = 16384
DEG = 50
ED = 32
NV = 1000000
NC, NS, L = 2, 16, 16
NW = NC * NS
ROWS_PER_W = B // NW
CHUNK = 32
NCHUNK = ROWS_PER_W // CHUNK


def _sc_side_body(nodes, neibs3, table, out, sidx, nidx, nbuf, sbuf, obuf,
                  sem, sem_s):
    wid = lax.axis_index("s") * NC + lax.axis_index("c")
    inv = jnp.float32(1.0 / DEG)

    def chunk_body(c, _):
        blk = wid * NCHUNK + c
        row0 = blk * CHUNK
        pltpu.sync_copy(nodes.at[pl.ds(row0, CHUNK)], sidx)
        pltpu.sync_copy(neibs3.at[blk], nidx)
        pltpu.make_async_copy(table.at[sidx], sbuf, sem_s).start()

        def fire(r, _):
            pltpu.make_async_copy(table.at[nidx.at[r]], nbuf.at[r], sem).start()
            return 0
        lax.fori_loop(0, CHUNK, fire, 0)

        def drain(r, _):
            pltpu.make_async_copy(table.at[nidx.at[r]], nbuf.at[r], sem).wait()
            return 0
        lax.fori_loop(0, CHUNK, drain, 0)
        pltpu.make_async_copy(table.at[sidx], sbuf, sem_s).wait()

        def row(r, _):
            a00 = nbuf[r, 0, pl.ds(0, L)]
            a10 = nbuf[r, 0, pl.ds(L, L)]
            a01 = nbuf[r, 1, pl.ds(0, L)]
            a11 = nbuf[r, 1, pl.ds(L, L)]
            for n in range(2, DEG, 2):
                a00 = a00 + nbuf[r, n, pl.ds(0, L)]
                a10 = a10 + nbuf[r, n, pl.ds(L, L)]
                a01 = a01 + nbuf[r, n + 1, pl.ds(0, L)]
                a11 = a11 + nbuf[r, n + 1, pl.ds(L, L)]
            obuf[r, pl.ds(0, L)] = sbuf[r, pl.ds(0, L)]
            obuf[r, pl.ds(L, L)] = sbuf[r, pl.ds(L, L)]
            obuf[r, pl.ds(2 * L, L)] = (a00 + a01) * inv
            obuf[r, pl.ds(3 * L, L)] = (a10 + a11) * inv
            return 0
        lax.fori_loop(0, CHUNK, row, 0)

        pltpu.sync_copy(obuf, out.at[pl.ds(row0, CHUNK)])
        return 0

    lax.fori_loop(0, NCHUNK, chunk_body, 0)


@functools.lru_cache(maxsize=1)
def _make_gather_mean():
    return pl.kernel(
        _sc_side_body,
        out_type=jax.ShapeDtypeStruct((B, 2 * ED), jnp.float32),
        mesh=plsc.VectorSubcoreMesh(core_axis_name="c", subcore_axis_name="s",
                                    num_cores=NC, num_subcores=NS),
        scratch_types=[
            pltpu.VMEM((CHUNK,), jnp.int32),
            pltpu.VMEM((CHUNK, DEG), jnp.int32),
            pltpu.VMEM((CHUNK, DEG, ED), jnp.float32),
            pltpu.VMEM((CHUNK, ED), jnp.float32),
            pltpu.VMEM((CHUNK, 2 * ED), jnp.float32),
            pltpu.SemaphoreType.DMA,
            pltpu.SemaphoreType.DMA,
        ],
        compiler_params=pltpu.CompilerParams(use_tc_tiling_on_sc=False),
    )


TW = 16384
NT = (NV + TW - 1) // TW
NVP = NT * TW
SH = (TW // 4).bit_length() - 1


def _tr_body(src_ref, dst_ref):
    d_iota = lax.broadcasted_iota(jnp.int32, (ED, 128), 0)
    l_iota = lax.broadcasted_iota(jnp.int32, (ED, 128), 1)

    def compute(tail):
        ntail = NV - (NT - 1) * TW
        acc = None
        for m in range(4):
            if tail and (TW // 4) * m >= ntail:
                continue
            xc = src_ref[:, (TW // 4) * m:(TW // 4) * (m + 1)]
            if tail:
                col = lax.broadcasted_iota(jnp.int32, (ED, TW // 4), 1)
                xc = jnp.where(col + (TW // 4) * m < ntail, xc, 0.0)
            pm = (l_iota == d_iota + 32 * m).astype(jnp.float32)
            t = lax.dot_general(xc, pm, (((0,), (0,)), ((), ())),
                                preferred_element_type=jnp.float32)
            acc = t if acc is None else acc + t
        return acc

    i = pl.program_id(0)

    @pl.when(i != NT - 1)
    def _():
        dst_ref[...] = compute(False)

    @pl.when(i == NT - 1)
    def _():
        dst_ref[...] = compute(True)


def _linearize_table(t):
    out = pl.pallas_call(
        _tr_body,
        grid=(NT,),
        in_specs=[pl.BlockSpec((ED, TW), lambda i: (0, i))],
        out_specs=pl.BlockSpec((TW // 4, 128), lambda i: (i, 0)),
        out_shape=jax.ShapeDtypeStruct((NVP * ED // 128, 128), jnp.float32),
        compiler_params=pltpu.CompilerParams(fuse_transposed_lhs_in_matmul=True),
    )(t.T)
    return out.reshape(NVP, ED)


def _remap_idx(r):
    return (r & ~(TW - 1)) | ((r & (TW // 4 - 1)) << 2) | ((r >> SH) & 3)


RB = 2048
NB = B // RB


def _tc_body(xu_ref, xv_ref, wut_ref, bu_ref, wvt_ref, bv_ref, out_ref):
    u = jnp.dot(xu_ref[...], wut_ref[...],
                preferred_element_type=jnp.float32) + bu_ref[...]
    v = jnp.dot(xv_ref[...], wvt_ref[...],
                preferred_element_type=jnp.float32) + bv_ref[...]
    out_ref[...] = jnp.sum(u * v, axis=1)[:, None]


def _project_dot(xu, xv, wut, bu2, wvt, bv2):
    out = pl.pallas_call(
        _tc_body,
        grid=(NB,),
        in_specs=[
            pl.BlockSpec((RB, 2 * ED), lambda i: (i, 0)),
            pl.BlockSpec((RB, 2 * ED), lambda i: (i, 0)),
            pl.BlockSpec((2 * ED, ED), lambda i: (0, 0)),
            pl.BlockSpec((1, ED), lambda i: (0, 0)),
            pl.BlockSpec((2 * ED, ED), lambda i: (0, 0)),
            pl.BlockSpec((1, ED), lambda i: (0, 0)),
        ],
        out_specs=pl.BlockSpec((RB, 1), lambda i: (i, 0)),
        out_shape=jax.ShapeDtypeStruct((B, 1), jnp.float32),
    )(xu, xv, wut, bu2, wvt, bv2)
    return out.reshape(B)


def kernel(nodes_u, nodes_v, u_neibs, v_neibs, all_sels, u2e, v2e, Wu, bu, Wv, bv):
    del all_sels
    nodes_u = _remap_idx(nodes_u.astype(jnp.int32))
    nodes_v = _remap_idx(nodes_v.astype(jnp.int32))
    un3 = _remap_idx(u_neibs.astype(jnp.int32)).reshape(NW * NCHUNK, CHUNK, DEG)
    vn3 = _remap_idx(v_neibs.astype(jnp.int32)).reshape(NW * NCHUNK, CHUNK, DEG)
    u2e_lin = _linearize_table(u2e)
    v2e_lin = _linearize_table(v2e)
    gm = _make_gather_mean()
    xu = gm(nodes_u, un3, u2e_lin)
    xv = gm(nodes_v, vn3, v2e_lin)
    return _project_dot(xu, xv, Wu.T, bu[None, :], Wv.T, bv[None, :])

# --- scband reference (transcript-rebuilt; emitter-appended) ---
"""Pipeline reference for scband-probabilstic-surrogate-58454504898834 (READ-ONLY COPY).

The authoritative reference and input builder live on the scoring server;
editing this copy changes nothing except your own understanding.
"""

import jax, jax.numpy as jnp
import numpy as np

NUM_USERS = 1000000
NUM_ITEMS = 1000000
EMBED_DIM = 32
BATCH = 16384
DEG = 50


def setup_inputs(seed: int = 0) -> dict:
    key = jax.random.key(seed)
    k = jax.random.split(key, 10)
    nodes_u = jax.random.randint(k[0], (BATCH,), 0, NUM_USERS)
    nodes_v = jax.random.randint(k[1], (BATCH,), 0, NUM_ITEMS)
    u_neibs = jax.random.randint(k[2], (BATCH, DEG), 0, NUM_USERS)
    v_neibs = jax.random.randint(k[3], (BATCH, DEG), 0, NUM_ITEMS)
    all_sels = jnp.ones((1,), dtype=jnp.float32)  # player_num == 0 -> selection probs unused
    u2e = jax.random.normal(k[4], (NUM_USERS, EMBED_DIM), dtype=jnp.float32) * 0.01
    v2e = jax.random.normal(k[5], (NUM_ITEMS, EMBED_DIM), dtype=jnp.float32) * 0.01
    lim = 1.0 / np.sqrt(2 * EMBED_DIM)
    Wu = jax.random.uniform(k[6], (EMBED_DIM, 2 * EMBED_DIM), minval=-lim, maxval=lim, dtype=jnp.float32)
    bu = jax.random.uniform(k[7], (EMBED_DIM,), minval=-lim, maxval=lim, dtype=jnp.float32)
    Wv = jax.random.uniform(k[8], (EMBED_DIM, 2 * EMBED_DIM), minval=-lim, maxval=lim, dtype=jnp.float32)
    bv = jax.random.uniform(k[9], (EMBED_DIM,), minval=-lim, maxval=lim, dtype=jnp.float32)
    return {"nodes_u": nodes_u, "nodes_v": nodes_v, "u_neibs": u_neibs, "v_neibs": v_neibs,
            "all_sels": all_sels, "u2e": u2e, "v2e": v2e, "Wu": Wu, "bu": bu, "Wv": Wv, "bv": bv}


def reference(nodes_u, nodes_v, u_neibs, v_neibs, all_sels, u2e, v2e, Wu, bu, Wv, bv):
    # User side: gather self + neighbor embeddings, mean-aggregate (sel_vec == 1 since
    # Domain_list is empty / player_num == 0), concat, linear projection.
    u_self = jnp.take(u2e, nodes_u, axis=0)                 # [B, d]
    u_n = jnp.take(u2e, u_neibs, axis=0)                    # [B, D, d] (gather)
    sel_u = jnp.ones(u_neibs.shape, dtype=jnp.float32)      # torch.ones_like(neibs).float()
    u_agg = (u_n * sel_u[..., None]).mean(axis=1)           # nemb.mean(0)
    Uembs = jnp.concatenate([u_self, u_agg], axis=1) @ Wu.T + bu  # ulinear
    # Item side (same structure).
    v_self = jnp.take(v2e, nodes_v, axis=0)
    v_n = jnp.take(v2e, v_neibs, axis=0)
    sel_v = jnp.ones(v_neibs.shape, dtype=jnp.float32)
    v_agg = (v_n * sel_v[..., None]).mean(axis=1)
    Vembs = jnp.concatenate([v_self, v_agg], axis=1) @ Wv.T + bv  # vlinear
    scores = jnp.sum(Uembs * Vembs, axis=1)                 # torch.mul(U,V).sum(1)
    return scores

if __name__ == "__main__":
    import jax
    _d = setup_inputs()
    print(jax.jit(kernel)(*tuple(_d.values())))

</pallas_src>

<mosaic_0001>
#map = affine_map<(d0, d1) -> (0)>
#map1 = affine_map<(d0, d1) -> (0, 0, 0)>
#map2 = affine_map<(d0, d1) -> (0, 0)>
module attributes {stable_mosaic.version = 14 : i64} {
  func.func @_sc_side_body(%arg0: i32, %arg1: i32, %arg2: memref<16384xi32, #tpu.memory_space<hbm>>, %arg3: memref<512x32x50xi32, #tpu.memory_space<hbm>>, %arg4: memref<1015808x32xf32, #tpu.memory_space<hbm>>, %arg5: memref<16384x64xf32, #tpu.memory_space<hbm>>, %arg6: memref<32xi32, #tpu.memory_space<vmem>>, %arg7: memref<32x50xi32, #tpu.memory_space<vmem>>, %arg8: memref<32x50x32xf32, #tpu.memory_space<vmem>>, %arg9: memref<32x32xf32, #tpu.memory_space<vmem>>, %arg10: memref<32x64xf32, #tpu.memory_space<vmem>>, %arg11: memref<!tpu.dma_semaphore, #tpu.memory_space<semaphore_mem>>, %arg12: memref<!tpu.dma_semaphore, #tpu.memory_space<semaphore_mem>>) attributes {dimension_semantics = [#tpu.dimension_semantics<core_parallel>, #tpu.dimension_semantics<subcore_parallel>], iteration_bounds = array<i64: 2, 16>, scalar_prefetch = 0 : i64, scratch_operands = 7 : i64, tpu.core_type = #tpu.core_type<sc_vector_subcore>, window_params = [{transform_indices = #map}, {transform_indices = #map1}, {transform_indices = #map2}, {transform_indices = #map2}]} {
    %mul3A = arith.constant 2 : i32
    %mul3A_0 = arith.muli %arg1, %mul3A : i32
    %add3A = arith.addi %mul3A_0, %arg0 : i32
    %scan3A = arith.constant 2.000000e-02 : f32
    %scan3A_1 = arith.constant 0 : i32
    %scan3A_2 = arith.constant 0 : i32
    %scan3A_3 = arith.constant 16 : i32
    %scan3A_4 = arith.addi %scan3A_2, %scan3A_3 : i32
    %scan3A_5 = arith.constant 1 : i32
    %scan3A_6 = scf.for %scan3A_8 = %scan3A_2 to %scan3A_4 step %scan3A_5 iter_args(%scan3A_9 = %scan3A_1) -> (i32)  : i32 {
      %mul3A_10 = arith.constant 16 : i32
      %mul3A_11 = arith.muli %add3A, %mul3A_10 : i32
      %add3A_12 = arith.addi %mul3A_11, %scan3A_8 : i32
      %mul3A_13 = arith.constant 32 : i32
      %mul3A_14 = arith.muli %add3A_12, %mul3A_13 : i32
      "tpu.region"() ({
        %run_scoped3A = tpu.sem_alloc : memref<!tpu.dma_semaphore, #tpu.memory_space<semaphore_mem>>
        %dma_start3A_41 = tpu.memref_slice %arg2[%mul3A_14] : memref<16384xi32, #tpu.memory_space<hbm>> -> memref<32xi32, #tpu.memory_space<hbm>>
        %dma_start3A_42 = tpu.memref_slice %arg2[%mul3A_14] : memref<16384xi32, #tpu.memory_space<hbm>> -> memref<32xi32, #tpu.memory_space<hbm>>
        tpu.enqueue_dma source(%dma_start3A_42 : memref<32xi32, #tpu.memory_space<hbm>>) target(%arg6 : memref<32xi32, #tpu.memory_space<vmem>>) target_semaphore(%run_scoped3A : memref<!tpu.dma_semaphore, #tpu.memory_space<semaphore_mem>>)
        %dma_wait3A_43 = tpu.memref_slice %arg2[%mul3A_14] : memref<16384xi32, #tpu.memory_space<hbm>> -> memref<32xi32, #tpu.memory_space<hbm>>
        %dma_wait3A_44 = tpu.memref_slice %arg2[%mul3A_14] : memref<16384xi32, #tpu.memory_space<hbm>> -> memref<32xi32, #tpu.memory_space<hbm>>
        tpu.wait_dma2 semaphore(%run_scoped3A : memref<!tpu.dma_semaphore, #tpu.memory_space<semaphore_mem>>) src(%dma_wait3A_44 : memref<32xi32, #tpu.memory_space<hbm>>) dst(%arg6 : memref<32xi32, #tpu.memory_space<vmem>>)
        tpu.yield
      }) : () -> ()
      "tpu.region"() ({
        %run_scoped3A = tpu.sem_alloc : memref<!tpu.dma_semaphore, #tpu.memory_space<semaphore_mem>>
        %dma_start3A_41 = arith.constant 0 : i32
        %dma_start3A_42 = arith.constant 0 : i32
        %dma_start3A_43 = tpu.memref_slice %arg3[%add3A_12, %dma_start3A_41, %dma_start3A_42] : memref<512x32x50xi32, #tpu.memory_space<hbm>> -> memref<1x32x50xi32, #tpu.memory_space<hbm>>
        %dma_start3A_44 = tpu.memref_squeeze %dma_start3A_43 : memref<1x32x50xi32, #tpu.memory_space<hbm>> -> memref<32x50xi32, #tpu.memory_space<hbm>>
        %dma_start3A_45 = arith.constant 0 : i32
        %dma_start3A_46 = arith.constant 0 : i32
        %dma_start3A_47 = tpu.memref_slice %arg3[%add3A_12, %dma_start3A_45, %dma_start3A_46] : memref<512x32x50xi32, #tpu.memory_space<hbm>> -> memref<1x32x50xi32, #tpu.memory_space<hbm>>
        %dma_start3A_48 = tpu.memref_squeeze %dma_start3A_47 : memref<1x32x50xi32, #tpu.memory_space<hbm>> -> memref<32x50xi32, #tpu.memory_space<hbm>>
        tpu.enqueue_dma source(%dma_start3A_48 : memref<32x50xi32, #tpu.memory_space<hbm>>) target(%arg7 : memref<32x50xi32, #tpu.memory_space<vmem>>) target_semaphore(%run_scoped3A : memref<!tpu.dma_semaphore, #tpu.memory_space<semaphore_mem>>)
        %dma_wait3A_49 = arith.constant 0 : i32
        %dma_wait3A_50 = arith.constant 0 : i32
        %dma_wait3A_51 = tpu.memref_slice %arg3[%add3A_12, %dma_wait3A_49, %dma_wait3A_50] : memref<512x32x50xi32, #tpu.memory_space<hbm>> -> memref<1x32x50xi32, #tpu.memory_space<hbm>>
        %dma_wait3A_52 = tpu.memref_squeeze %dma_wait3A_51 : memref<1x32x50xi32, #tpu.memory_space<hbm>> -> memref<32x50xi32, #tpu.memory_space<hbm>>
        %dma_wait3A_53 = arith.constant 0 : i32
        %dma_wait3A_54 = arith.constant 0 : i32
        %dma_wait3A_55 = tpu.memref_slice %arg3[%add3A_12, %dma_wait3A_53, %dma_wait3A_54] : memref<512x32x50xi32, #tpu.memory_space<hbm>> -> memref<1x32x50xi32, #tpu.memory_space<hbm>>
        %dma_wait3A_56 = tpu.memref_squeeze %dma_wait3A_55 : memref<1x32x50xi32, #tpu.memory_space<hbm>> -> memref<32x50xi32, #tpu.memory_space<hbm>>
        tpu.wait_dma2 semaphore(%run_scoped3A : memref<!tpu.dma_semaphore, #tpu.memory_space<semaphore_mem>>) src(%dma_wait3A_56 : memref<32x50xi32, #tpu.memory_space<hbm>>) dst(%arg7 : memref<32x50xi32, #tpu.memory_space<vmem>>)
        tpu.yield
      }) : () -> ()
      %dma_start3A = arith.constant 0 : i32
      %dma_start3A_15 = arith.constant 0 : i32
      %dma_start3A_16 = tpu.memref_slice %arg4[%dma_start3A, %dma_start3A_15] : memref<1015808x32xf32, #tpu.memory_space<hbm>> -> memref<1015808x32xf32, #tpu.memory_space<hbm>>
      tpu.enqueue_indirect_dma source(%dma_start3A_16 : memref<1015808x32xf32, #tpu.memory_space<hbm>>) target(%arg9 : memref<32x32xf32, #tpu.memory_space<vmem>>) offsets(%arg6 : memref<32xi32, #tpu.memory_space<vmem>>) semaphore(%arg12 : memref<!tpu.dma_semaphore, #tpu.memory_space<semaphore_mem>>)
      %scan3A_17 = arith.constant 0 : i32
      %scan3A_18 = arith.constant 0 : i32
      %scan3A_19 = arith.constant 32 : i32
      %scan3A_20 = arith.addi %scan3A_18, %scan3A_19 : i32
      %scan3A_21 = arith.constant 1 : i32
      %scan3A_22 = scf.for %scan3A_41 = %scan3A_18 to %scan3A_20 step %scan3A_21 iter_args(%scan3A_42 = %scan3A_17) -> (i32)  : i32 {
        %dma_start3A_43 = arith.constant 0 : i32
        %dma_start3A_44 = arith.constant 0 : i32
        %dma_start3A_45 = tpu.memref_slice %arg8[%scan3A_41, %dma_start3A_43, %dma_start3A_44] : memref<32x50x32xf32, #tpu.memory_space<vmem>> -> memref<1x50x32xf32, #tpu.memory_space<vmem>>
        %dma_start3A_46 = tpu.memref_squeeze %dma_start3A_45 : memref<1x50x32xf32, #tpu.memory_space<vmem>> -> memref<50x32xf32, #tpu.memory_space<vmem>>
        %dma_start3A_47 = arith.constant 0 : i32
        %dma_start3A_48 = tpu.memref_slice %arg7[%scan3A_41, %dma_start3A_47] : memref<32x50xi32, #tpu.memory_space<vmem>> -> memref<1x50xi32, #tpu.memory_space<vmem>>
        %dma_start3A_49 = tpu.memref_squeeze %dma_start3A_48 : memref<1x50xi32, #tpu.memory_space<vmem>> -> memref<50xi32, #tpu.memory_space<vmem>>
        %dma_start3A_50 = arith.constant 0 : i32
        %dma_start3A_51 = arith.constant 0 : i32
        %dma_start3A_52 = tpu.memref_slice %arg4[%dma_start3A_50, %dma_start3A_51] : memref<1015808x32xf32, #tpu.memory_space<hbm>> -> memref<1015808x32xf32, #tpu.memory_space<hbm>>
        tpu.enqueue_indirect_dma source(%dma_start3A_52 : memref<1015808x32xf32, #tpu.memory_space<hbm>>) target(%dma_start3A_46 : memref<50x32xf32, #tpu.memory_space<vmem>>) offsets(%dma_start3A_49 : memref<50xi32, #tpu.memory_space<vmem>>) semaphore(%arg11 : memref<!tpu.dma_semaphore, #tpu.memory_space<semaphore_mem>>)
        %scan3A_53 = arith.constant 0 : i32
        scf.yield %scan3A_53 : i32
      }
      %scan3A_23 = arith.constant 32 : i32
      %scan3A_24 = arith.constant 0 : i32
      %scan3A_25 = arith.constant 0 : i32
      %scan3A_26 = arith.constant 32 : i32
      %scan3A_27 = arith.addi %scan3A_25, %scan3A_26 : i32
      %scan3A_28 = arith.constant 1 : i32
      %scan3A_29 = scf.for %scan3A_41 = %scan3A_25 to %scan3A_27 step %scan3A_28 iter_args(%scan3A_42 = %scan3A_24) -> (i32)  : i32 {
        %dma_wait3A_43 = arith.constant 0 : i32
        %dma_wait3A_44 = arith.constant 0 : i32
        %dma_wait3A_45 = tpu.memref_slice %arg8[%scan3A_41, %dma_wait3A_43, %dma_wait3A_44] : memref<32x50x32xf32, #tpu.memory_space<vmem>> -> memref<1x50x32xf32, #tpu.memory_space<vmem>>
        %dma_wait3A_46 = tpu.memref_squeeze %dma_wait3A_45 : memref<1x50x32xf32, #tpu.memory_space<vmem>> -> memref<50x32xf32, #tpu.memory_space<vmem>>
        %dma_wait3A_47 = arith.constant 0 : i32
        %dma_wait3A_48 = tpu.memref_slice %arg7[%scan3A_41, %dma_wait3A_47] : memref<32x50xi32, #tpu.memory_space<vmem>> -> memref<1x50xi32, #tpu.memory_space<vmem>>
        %dma_wait3A_49 = tpu.memref_squeeze %dma_wait3A_48 : memref<1x50xi32, #tpu.memory_space<vmem>> -> memref<50xi32, #tpu.memory_space<vmem>>
        %dma_wait3A_50 = arith.constant 0 : i32
        %dma_wait3A_51 = arith.constant 0 : i32
        %dma_wait3A_52 = tpu.memref_slice %arg4[%dma_wait3A_50, %dma_wait3A_51] : memref<1015808x32xf32, #tpu.memory_space<hbm>> -> memref<1015808x32xf32, #tpu.memory_space<hbm>>
        tpu.wait_indirect_dma semaphore(%arg11 : memref<!tpu.dma_semaphore, #tpu.memory_space<semaphore_mem>>) src(%dma_wait3A_52 : memref<1015808x32xf32, #tpu.memory_space<hbm>>) dst(%dma_wait3A_46 : memref<50x32xf32, #tpu.memory_space<vmem>>)
        %scan3A_53 = arith.constant 0 : i32
        scf.yield %scan3A_53 : i32
      }
      %scan3A_30 = arith.constant 32 : i32
      %dma_wait3A = arith.constant 0 : i32
      %dma_wait3A_31 = arith.constant 0 : i32
      %dma_wait3A_32 = tpu.memref_slice %arg4[%dma_wait3A, %dma_wait3A_31] : memref<1015808x32xf32, #tpu.memory_space<hbm>> -> memref<1015808x32xf32, #tpu.memory_space<hbm>>
      tpu.wait_indirect_dma semaphore(%arg12 : memref<!tpu.dma_semaphore, #tpu.memory_space<semaphore_mem>>) src(%dma_wait3A_32 : memref<1015808x32xf32, #tpu.memory_space<hbm>>) dst(%arg9 : memref<32x32xf32, #tpu.memory_space<vmem>>)
      %scan3A_33 = arith.constant 0 : i32
      %scan3A_34 = arith.constant 0 : i32
      %scan3A_35 = arith.constant 32 : i32
      %scan3A_36 = arith.addi %scan3A_34, %scan3A_35 : i32
      %scan3A_37 = arith.constant 1 : i32
      %scan3A_38 = scf.for %scan3A_41 = %scan3A_34 to %scan3A_36 step %scan3A_37 iter_args(%scan3A_42 = %scan3A_33) -> (i32)  : i32 {
        %get3A = arith.constant 0 : i32
        %get3A_43 = arith.index_cast %scan3A_41 : i32 to index
        %get3A_44 = arith.index_cast %get3A : i32 to index
        %get3A_45 = arith.constant 0 : index
        %get3A_46 = tpu.vector_load %arg8[%get3A_43, %get3A_44, %get3A_45] {strides = array<i32>} : memref<32x50x32xf32, #tpu.memory_space<vmem>>, vector<1x1x16xf32>,
        %get3A_47 = vector.shape_cast %get3A_46 : vector<1x1x16xf32> to vector<16xf32>
        %get3A_48 = arith.constant 0 : i32
        %get3A_49 = arith.index_cast %scan3A_41 : i32 to index
        %get3A_50 = arith.index_cast %get3A_48 : i32 to index
        %get3A_51 = arith.constant 16 : index
        %get3A_52 = tpu.vector_load %arg8[%get3A_49, %get3A_50, %get3A_51] {strides = array<i32>} : memref<32x50x32xf32, #tpu.memory_space<vmem>>, vector<1x1x16xf32>,
        %get3A_53 = vector.shape_cast %get3A_52 : vector<1x1x16xf32> to vector<16xf32>
        %get3A_54 = arith.constant 1 : i32
        %get3A_55 = arith.index_cast %scan3A_41 : i32 to index
        %get3A_56 = arith.index_cast %get3A_54 : i32 to index
        %get3A_57 = arith.constant 0 : index
        %get3A_58 = tpu.vector_load %arg8[%get3A_55, %get3A_56, %get3A_57] {strides = array<i32>} : memref<32x50x32xf32, #tpu.memory_space<vmem>>, vector<1x1x16xf32>,
        %get3A_59 = vector.shape_cast %get3A_58 : vector<1x1x16xf32> to vector<16xf32>
        %get3A_60 = arith.constant 1 : i32
        %get3A_61 = arith.index_cast %scan3A_41 : i32 to index
        %get3A_62 = arith.index_cast %get3A_60 : i32 to index
        %get3A_63 = arith.constant 16 : index
        %get3A_64 = tpu.vector_load %arg8[%get3A_61, %get3A_62, %get3A_63] {strides = array<i32>} : memref<32x50x32xf32, #tpu.memory_space<vmem>>, vector<1x1x16xf32>,
        %get3A_65 = vector.shape_cast %get3A_64 : vector<1x1x16xf32> to vector<16xf32>
        %get3A_66 = arith.constant 2 : i32
        %get3A_67 = arith.index_cast %scan3A_41 : i32 to index
        %get3A_68 = arith.index_cast %get3A_66 : i32 to index
        %get3A_69 = arith.constant 0 : index
        %get3A_70 = tpu.vector_load %arg8[%get3A_67, %get3A_68, %get3A_69] {strides = array<i32>} : memref<32x50x32xf32, #tpu.memory_space<vmem>>, vector<1x1x16xf32>,
        %get3A_71 = vector.shape_cast %get3A_70 : vector<1x1x16xf32> to vector<16xf32>
        %add3A_72 = arith.addf %get3A_47, %get3A_71 : vector<16xf32>
        %get3A_73 = arith.constant 2 : i32
        %get3A_74 = arith.index_cast %scan3A_41 : i32 to index
        %get3A_75 = arith.index_cast %get3A_73 : i32 to index
        %get3A_76 = arith.constant 16 : index
        %get3A_77 = tpu.vector_load %arg8[%get3A_74, %get3A_75, %get3A_76] {strides = array<i32>} : memref<32x50x32xf32, #tpu.memory_space<vmem>>, vector<1x1x16xf32>,
        %get3A_78 = vector.shape_cast %get3A_77 : vector<1x1x16xf32> to vector<16xf32>
        %add3A_79 = arith.addf %get3A_53, %get3A_78 : vector<16xf32>
        %get3A_80 = arith.constant 3 : i32
        %get3A_81 = arith.index_cast %scan3A_41 : i32 to index
        %get3A_82 = arith.index_cast %get3A_80 : i32 to index
        %get3A_83 = arith.constant 0 : index
        %get3A_84 = tpu.vector_load %arg8[%get3A_81, %get3A_82, %get3A_83] {strides = array<i32>} : memref<32x50x32xf32, #tpu.memory_space<vmem>>, vector<1x1x16xf32>,
        %get3A_85 = vector.shape_cast %get3A_84 : vector<1x1x16xf32> to vector<16xf32>
        %add3A_86 = arith.addf %get3A_59, %get3A_85 : vector<16xf32>
        %get3A_87 = arith.constant 3 : i32
        %get3A_88 = arith.index_cast %scan3A_41 : i32 to index
        %get3A_89 = arith.index_cast %get3A_87 : i32 to index
        %get3A_90 = arith.constant 16 : index
        %get3A_91 = tpu.vector_load %arg8[%get3A_88, %get3A_89, %get3A_90] {strides = array<i32>} : memref<32x50x32xf32, #tpu.memory_space<vmem>>, vector<1x1x16xf32>,
        %get3A_92 = vector.shape_cast %get3A_91 : vector<1x1x16xf32> to vector<16xf32>
        %add3A_93 = arith.addf %get3A_65, %get3A_92 : vector<16xf32>
        %get3A_94 = arith.constant 4 : i32
        %get3A_95 = arith.index_cast %scan3A_41 : i32 to index
        %get3A_96 = arith.index_cast %get3A_94 : i32 to index
        %get3A_97 = arith.constant 0 : index
        %get3A_98 = tpu.vector_load %arg8[%get3A_95, %get3A_96, %get3A_97] {strides = array<i32>} : memref<32x50x32xf32, #tpu.memory_space<vmem>>, vector<1x1x16xf32>,
        %get3A_99 = vector.shape_cast %get3A_98 : vector<1x1x16xf32> to vector<16xf32>
        %add3A_100 = arith.addf %add3A_72, %get3A_99 : vector<16xf32>
        %get3A_101 = arith.constant 4 : i32
        %get3A_102 = arith.index_cast %scan3A_41 : i32 to index
        %get3A_103 = arith.index_cast %get3A_101 : i32 to index
        %get3A_104 = arith.constant 16 : index
        %get3A_105 = tpu.vector_load %arg8[%get3A_102, %get3A_103, %get3A_104] {strides = array<i32>} : memref<32x50x32xf32, #tpu.memory_space<vmem>>, vector<1x1x16xf32>,
        %get3A_106 = vector.shape_cast %get3A_105 : vector<1x1x16xf32> to vector<16xf32>
        %add3A_107 = arith.addf %add3A_79, %get3A_106 : vector<16xf32>
        %get3A_108 = arith.constant 5 : i32
        %get3A_109 = arith.index_cast %scan3A_41 : i32 to index
        %get3A_110 = arith.index_cast %get3A_108 : i32 to index
        %get3A_111 = arith.constant 0 : index
        %get3A_112 = tpu.vector_load %arg8[%get3A_109, %get3A_110, %get3A_111] {strides = array<i32>} : memref<32x50x32xf32, #tpu.memory_space<vmem>>, vector<1x1x16xf32>,
        %get3A_113 = vector.shape_cast %get3A_112 : vector<1x1x16xf32> to vector<16xf32>
        %add3A_114 = arith.addf %add3A_86, %get3A_113 : vector<16xf32>
        %get3A_115 = arith.constant 5 : i32
        %get3A_116 = arith.index_cast %scan3A_41 : i32 to index
        %get3A_117 = arith.index_cast %get3A_115 : i32 to index
        %get3A_118 = arith.constant 16 : index
        %get3A_119 = tpu.vector_load %arg8[%get3A_116, %get3A_117, %get3A_118] {strides = array<i32>} : memref<32x50x32xf32, #tpu.memory_space<vmem>>, vector<1x1x16xf32>,
        %get3A_120 = vector.shape_cast %get3A_119 : vector<1x1x16xf32> to vector<16xf32>
        %add3A_121 = arith.addf %add3A_93, %get3A_120 : vector<16xf32>
        %get3A_122 = arith.constant 6 : i32
        %get3A_123 = arith.index_cast %scan3A_41 : i32 to index
        %get3A_124 = arith.index_cast %get3A_122 : i32 to index
        %get3A_125 = arith.constant 0 : index
        %get3A_126 = tpu.vector_load %arg8[%get3A_123, %get3A_124, %get3A_125] {strides = array<i32>} : memref<32x50x32xf32, #tpu.memory_space<vmem>>, vector<1x1x16xf32>,
        %get3A_127 = vector.shape_cast %get3A_126 : vector<1x1x16xf32> to vector<16xf32>
        %add3A_128 = arith.addf %add3A_100, %get3A_127 : vector<16xf32>
        %get3A_129 = arith.constant 6 : i32
        %get3A_130 = arith.index_cast %scan3A_41 : i32 to index
        %get3A_131 = arith.index_cast %get3A_129 : i32 to index
        %get3A_132 = arith.constant 16 : index
        %get3A_133 = tpu.vector_load %arg8[%get3A_130, %get3A_131, %get3A_132] {strides = array<i32>} : memref<32x50x32xf32, #tpu.memory_space<vmem>>, vector<1x1x16xf32>,
        %get3A_134 = vector.shape_cast %get3A_133 : vector<1x1x16xf32> to vector<16xf32>
        %add3A_135 = arith.addf %add3A_107, %get3A_134 : vector<16xf32>
        %get3A_136 = arith.constant 7 : i32
        %get3A_137 = arith.index_cast %scan3A_41 : i32 to index
        %get3A_138 = arith.index_cast %get3A_136 : i32 to index
        %get3A_139 = arith.constant 0 : index
        %get3A_140 = tpu.vector_load %arg8[%get3A_137, %get3A_138, %get3A_139] {strides = array<i32>} : memref<32x50x32xf32, #tpu.memory_space<vmem>>, vector<1x1x16xf32>,
        %get3A_141 = vector.shape_cast %get3A_140 : vector<1x1x16xf32> to vector<16xf32>
        %add3A_142 = arith.addf %add3A_114, %get3A_141 : vector<16xf32>
        %get3A_143 = arith.constant 7 : i32
        %get3A_144 = arith.index_cast %scan3A_41 : i32 to index
        %get3A_145 = arith.index_cast %get3A_143 : i32 to index
        %get3A_146 = arith.constant 16 : index
        %get3A_147 = tpu.vector_load %arg8[%get3A_144, %get3A_145, %get3A_146] {strides = array<i32>} : memref<32x50x32xf32, #tpu.memory_space<vmem>>, vector<1x1x16xf32>,
        %get3A_148 = vector.shape_cast %get3A_147 : vector<1x1x16xf32> to vector<16xf32>
        %add3A_149 = arith.addf %add3A_121, %get3A_148 : vector<16xf32>
        %get3A_150 = arith.constant 8 : i32
        %get3A_151 = arith.index_cast %scan3A_41 : i32 to index
        %get3A_152 = arith.index_cast %get3A_150 : i32 to index
        %get3A_153 = arith.constant 0 : index
        %get3A_154 = tpu.vector_load %arg8[%get3A_151, %get3A_152, %get3A_153] {strides = array<i32>} : memref<32x50x32xf32, #tpu.memory_space<vmem>>, vector<1x1x16xf32>,
        %get3A_155 = vector.shape_cast %get3A_154 : vector<1x1x16xf32> to vector<16xf32>
        %add3A_156 = arith.addf %add3A_128, %get3A_155 : vector<16xf32>
        %get3A_157 = arith.constant 8 : i32
        %get3A_158 = arith.index_cast %scan3A_41 : i32 to index
        %get3A_159 = arith.index_cast %get3A_157 : i32 to index
        %get3A_160 = arith.constant 16 : index
        %get3A_161 = tpu.vector_load %arg8[%get3A_158, %get3A_159, %get3A_160] {strides = array<i32>} : memref<32x50x32xf32, #tpu.memory_space<vmem>>, vector<1x1x16xf32>,
        %get3A_162 = vector.shape_cast %get3A_161 : vector<1x1x16xf32> to vector<16xf32>
        %add3A_163 = arith.addf %add3A_135, %get3A_162 : vector<16xf32>
        %get3A_164 = arith.constant 9 : i32
        %get3A_165 = arith.index_cast %scan3A_41 : i32 to index
        %get3A_166 = arith.index_cast %get3A_164 : i32 to index
        %get3A_167 = arith.constant 0 : index
        %get3A_168 = tpu.vector_load %arg8[%get3A_165, %get3A_166, %get3A_167] {strides = array<i32>} : memref<32x50x32xf32, #tpu.memory_space<vmem>>, vector<1x1x16xf32>,
        %get3A_169 = vector.shape_cast %get3A_168 : vector<1x1x16xf32> to vector<16xf32>
        %add3A_170 = arith.addf %add3A_142, %get3A_169 : vector<16xf32>
        %get3A_171 = arith.constant 9 : i32
        %get3A_172 = arith.index_cast %scan3A_41 : i32 to index
        %get3A_173 = arith.index_cast %get3A_171 : i32 to index
        %get3A_174 = arith.constant 16 : index
        %get3A_175 = tpu.vector_load %arg8[%get3A_172, %get3A_173, %get3A_174] {strides = array<i32>} : memref<32x50x32xf32, #tpu.memory_space<vmem>>, vector<1x1x16xf32>,
        %get3A_176 = vector.shape_cast %get3A_175 : vector<1x1x16xf32> to vector<16xf32>
        %add3A_177 = arith.addf %add3A_149, %get3A_176 : vector<16xf32>
        %get3A_178 = arith.constant 10 : i32
        %get3A_179 = arith.index_cast %scan3A_41 : i32 to index
        %get3A_180 = arith.index_cast %get3A_178 : i32 to index
        %get3A_181 = arith.constant 0 : index
        %get3A_182 = tpu.vector_load %arg8[%get3A_179, %get3A_180, %get3A_181] {strides = array<i32>} : memref<32x50x32xf32, #tpu.memory_space<vmem>>, vector<1x1x16xf32>,
        %get3A_183 = vector.shape_cast %get3A_182 : vector<1x1x16xf32> to vector<16xf32>
        %add3A_184 = arith.addf %add3A_156, %get3A_183 : vector<16xf32>
        %get3A_185 = arith.constant 10 : i32
        %get3A_186 = arith.index_cast %scan3A_41 : i32 to index
        %get3A_187 = arith.index_cast %get3A_185 : i32 to index
        %get3A_188 = arith.constant 16 : index
        %get3A_189 = tpu.vector_load %arg8[%get3A_186, %get3A_187, %get3A_188] {strides = array<i32>} : memref<32x50x32xf32, #tpu.memory_space<vmem>>, vector<1x1x16xf32>,
        %get3A_190 = vector.shape_cast %get3A_189 : vector<1x1x16xf32> to vector<16xf32>
        %add3A_191 = arith.addf %add3A_163, %get3A_190 : vector<16xf32>
        %get3A_192 = arith.constant 11 : i32
        %get3A_193 = arith.index_cast %scan3A_41 : i32 to index
        %get3A_194 = arith.index_cast %get3A_192 : i32 to index
        %get3A_195 = arith.constant 0 : index
        %get3A_196 = tpu.vector_load %arg8[%get3A_193, %get3A_194, %get3A_195] {strides = array<i32>} : memref<32x50x32xf32, #tpu.memory_space<vmem>>, vector<1x1x16xf32>,
        %get3A_197 = vector.shape_cast %get3A_196 : vector<1x1x16xf32> to vector<16xf32>
        %add3A_198 = arith.addf %add3A_170, %get3A_197 : vector<16xf32>
        %get3A_199 = arith.constant 11 : i32
        %get3A_200 = arith.index_cast %scan3A_41 : i32 to index
        %get3A_201 = arith.index_cast %get3A_199 : i32 to index
        %get3A_202 = arith.constant 16 : index
        %get3A_203 = tpu.vector_load %arg8[%get3A_200, %get3A_201, %get3A_202] {strides = array<i32>} : memref<32x50x32xf32, #tpu.memory_space<vmem>>, vector<1x1x16xf32>,
        %get3A_204 = vector.shape_cast %get3A_203 : vector<1x1x16xf32> to vector<16xf32>
        %add3A_205 = arith.addf %add3A_177, %get3A_204 : vector<16xf32>
        %get3A_206 = arith.constant 12 : i32
        %get3A_207 = arith.index_cast %scan3A_41 : i32 to index
        %get3A_208 = arith.index_cast %get3A_206 : i32 to index
        %get3A_209 = arith.constant 0 : index
        %get3A_210 = tpu.vector_load %arg8[%get3A_207, %get3A_208, %get3A_209] {strides = array<i32>} : memref<32x50x32xf32, #tpu.memory_space<vmem>>, vector<1x1x16xf32>,
        %get3A_211 = vector.shape_cast %get3A_210 : vector<1x1x16xf32> to vector<16xf32>
        %add3A_212 = arith.addf %add3A_184, %get3A_211 : vector<16xf32>
        %get3A_213 = arith.constant 12 : i32
        %get3A_214 = arith.index_cast %scan3A_41 : i32 to index
        %get3A_215 = arith.index_cast %get3A_213 : i32 to index
        %get3A_216 = arith.constant 16 : index
        %get3A_217 = tpu.vector_load %arg8[%get3A_214, %get3A_215, %get3A_216] {strides = array<i32>} : memref<32x50x32xf32, #tpu.memory_space<vmem>>, vector<1x1x16xf32>,
        %get3A_218 = vector.shape_cast %get3A_217 : vector<1x1x16xf32> to vector<16xf32>
        %add3A_219 = arith.addf %add3A_191, %get3A_218 : vector<16xf32>
        %get3A_220 = arith.constant 13 : i32
        %get3A_221 = arith.index_cast %scan3A_41 : i32 to index
        %get3A_222 = arith.index_cast %get3A_220 : i32 to index
        %get3A_223 = arith.constant 0 : index
        %get3A_224 = tpu.vector_load %arg8[%get3A_221, %get3A_222, %get3A_223] {strides = array<i32>} : memref<32x50x32xf32, #tpu.memory_space<vmem>>, vector<1x1x16xf32>,
        %get3A_225 = vector.shape_cast %get3A_224 : vector<1x1x16xf32> to vector<16xf32>
        %add3A_226 = arith.addf %add3A_198, %get3A_225 : vector<16xf32>
        %get3A_227 = arith.constant 13 : i32
        %get3A_228 = arith.index_cast %scan3A_41 : i32 to index
        %get3A_229 = arith.index_cast %get3A_227 : i32 to index
        %get3A_230 = arith.constant 16 : index
        %get3A_231 = tpu.vector_load %arg8[%get3A_228, %get3A_229, %get3A_230] {strides = array<i32>} : memref<32x50x32xf32, #tpu.memory_space<vmem>>, vector<1x1x16xf32>,
        %get3A_232 = vector.shape_cast %get3A_231 : vector<1x1x16xf32> to vector<16xf32>
        %add3A_233 = arith.addf %add3A_205, %get3A_232 : vector<16xf32>
        %get3A_234 = arith.constant 14 : i32
        %get3A_235 = arith.index_cast %scan3A_41 : i32 to index
        %get3A_236 = arith.index_cast %get3A_234 : i32 to index
        %get3A_237 = arith.constant 0 : index
        %get3A_238 = tpu.vector_load %arg8[%get3A_235, %get3A_236, %get3A_237] {strides = array<i32>} : memref<32x50x32xf32, #tpu.memory_space<vmem>>, vector<1x1x16xf32>,
        %get3A_239 = vector.shape_cast %get3A_238 : vector<1x1x16xf32> to vector<16xf32>
        %add3A_240 = arith.addf %add3A_212, %get3A_239 : vector<16xf32>
        %get3A_241 = arith.constant 14 : i32
        %get3A_242 = arith.index_cast %scan3A_41 : i32 to index
        %get3A_243 = arith.index_cast %get3A_241 : i32 to index
        %get3A_244 = arith.constant 16 : index
        %get3A_245 = tpu.vector_load %arg8[%get3A_242, %get3A_243, %get3A_244] {strides = array<i32>} : memref<32x50x32xf32, #tpu.memory_space<vmem>>, vector<1x1x16xf32>,
        %get3A_246 = vector.shape_cast %get3A_245 : vector<1x1x16xf32> to vector<16xf32>
        %add3A_247 = arith.addf %add3A_219, %get3A_246 : vector<16xf32>
        %get3A_248 = arith.constant 15 : i32
        %get3A_249 = arith.index_cast %scan3A_41 : i32 to index
        %get3A_250 = arith.index_cast %get3A_248 : i32 to index
        %get3A_251 = arith.constant 0 : index
        %get3A_252 = tpu.vector_load %arg8[%get3A_249, %get3A_250, %get3A_251] {strides = array<i32>} : memref<32x50x32xf32, #tpu.memory_space<vmem>>, vector<1x1x16xf32>,
        %get3A_253 = vector.shape_cast %get3A_252 : vector<1x1x16xf32> to vector<16xf32>
        %add3A_254 = arith.addf %add3A_226, %get3A_253 : vector<16xf32>
        %get3A_255 = arith.constant 15 : i32
        %get3A_256 = arith.index_cast %scan3A_41 : i32 to index
        %get3A_257 = arith.index_cast %get3A_255 : i32 to index
        %get3A_258 = arith.constant 16 : index
        %get3A_259 = tpu.vector_load %arg8[%get3A_256, %get3A_257, %get3A_258] {strides = array<i32>} : memref<32x50x32xf32, #tpu.memory_space<vmem>>, vector<1x1x16xf32>,
        %get3A_260 = vector.shape_cast %get3A_259 : vector<1x1x16xf32> to vector<16xf32>
        %add3A_261 = arith.addf %add3A_233, %get3A_260 : vector<16xf32>
        %get3A_262 = arith.constant 16 : i32
        %get3A_263 = arith.index_cast %scan3A_41 : i32 to index
        %get3A_264 = arith.index_cast %get3A_262 : i32 to index
        %get3A_265 = arith.constant 0 : index
        %get3A_266 = tpu.vector_load %arg8[%get3A_263, %get3A_264, %get3A_265] {strides = array<i32>} : memref<32x50x32xf32, #tpu.memory_space<vmem>>, vector<1x1x16xf32>,
        %get3A_267 = vector.shape_cast %get3A_266 : vector<1x1x16xf32> to vector<16xf32>
        %add3A_268 = arith.addf %add3A_240, %get3A_267 : vector<16xf32>
        %get3A_269 = arith.constant 16 : i32
        %get3A_270 = arith.index_cast %scan3A_41 : i32 to index
        %get3A_271 = arith.index_cast %get3A_269 : i32 to index
        %get3A_272 = arith.constant 16 : index
        %get3A_273 = tpu.vector_load %arg8[%get3A_270, %get3A_271, %get3A_272] {strides = array<i32>} : memref<32x50x32xf32, #tpu.memory_space<vmem>>, vector<1x1x16xf32>,
        %get3A_274 = vector.shape_cast %get3A_273 : vector<1x1x16xf32> to vector<16xf32>
        %add3A_275 = arith.addf %add3A_247, %get3A_274 : vector<16xf32>
        %get3A_276 = arith.constant 17 : i32
        %get3A_277 = arith.index_cast %scan3A_41 : i32 to index
        %get3A_278 = arith.index_cast %get3A_276 : i32 to index
        %get3A_279 = arith.constant 0 : index
        %get3A_280 = tpu.vector_load %arg8[%get3A_277, %get3A_278, %get3A_279] {strides = array<i32>} : memref<32x50x32xf32, #tpu.memory_space<vmem>>, vector<1x1x16xf32>,
        %get3A_281 = vector.shape_cast %get3A_280 : vector<1x1x16xf32> to vector<16xf32>
        %add3A_282 = arith.addf %add3A_254, %get3A_281 : vector<16xf32>
        %get3A_283 = arith.constant 17 : i32
        %get3A_284 = arith.index_cast %scan3A_41 : i32 to index
        %get3A_285 = arith.index_cast %get3A_283 : i32 to index
        %get3A_286 = arith.constant 16 : index
        %get3A_287 = tpu.vector_load %arg8[%get3A_284, %get3A_285, %get3A_286] {strides = array<i32>} : memref<32x50x32xf32, #tpu.memory_space<vmem>>, vector<1x1x16xf32>,
        %get3A_288 = vector.shape_cast %get3A_287 : vector<1x1x16xf32> to vector<16xf32>
        %add3A_289 = arith.addf %add3A_261, %get3A_288 : vector<16xf32>
        %get3A_290 = arith.constant 18 : i32
        %get3A_291 = arith.index_cast %scan3A_41 : i32 to index
        %get3A_292 = arith.index_cast %get3A_290 : i32 to index
        %get3A_293 = arith.constant 0 : index
        %get3A_294 = tpu.vector_load %arg8[%get3A_291, %get3A_292, %get3A_293] {strides = array<i32>} : memref<32x50x32xf32, #tpu.memory_space<vmem>>, vector<1x1x16xf32>,
        %get3A_295 = vector.shape_cast %get3A_294 : vector<1x1x16xf32> to vector<16xf32>
        %add3A_296 = arith.addf %add3A_268, %get3A_295 : vector<16xf32>
        %get3A_297 = arith.constant 18 : i32
        %get3A_298 = arith.index_cast %scan3A_41 : i32 to index
        %get3A_299 = arith.index_cast %get3A_297 : i32 to index
        %get3A_300 = arith.constant 16 : index
        %get3A_301 = tpu.vector_load %arg8[%get3A_298, %get3A_299, %get3A_300] {strides = array<i32>} : memref<32x50x32xf32, #tpu.memory_space<vmem>>, vector<1x1x16xf32>,
        %get3A_302 = vector.shape_cast %get3A_301 : vector<1x1x16xf32> to vector<16xf32>
        %add3A_303 = arith.addf %add3A_275, %get3A_302 : vector<16xf32>
        %get3A_304 = arith.constant 19 : i32
        %get3A_305 = arith.index_cast %scan3A_41 : i32 to index
        %get3A_306 = arith.index_cast %get3A_304 : i32 to index
        %get3A_307 = arith.constant 0 : index
        %get3A_308 = tpu.vector_load %arg8[%get3A_305, %get3A_306, %get3A_307] {strides = array<i32>} : memref<32x50x32xf32, #tpu.memory_space<vmem>>, vector<1x1x16xf32>,
        %get3A_309 = vector.shape_cast %get3A_308 : vector<1x1x16xf32> to vector<16xf32>
        %add3A_310 = arith.addf %add3A_282, %get3A_309 : vector<16xf32>
        %get3A_311 = arith.constant 19 : i32
        %get3A_312 = arith.index_cast %scan3A_41 : i32 to index
        %get3A_313 = arith.index_cast %get3A_311 : i32 to index
        %get3A_314 = arith.constant 16 : index
        %get3A_315 = tpu.vector_load %arg8[%get3A_312, %get3A_313, %get3A_314] {strides = array<i32>} : memref<32x50x32xf32, #tpu.memory_space<vmem>>, vector<1x1x16xf32>,
        %get3A_316 = vector.shape_cast %get3A_315 : vector<1x1x16xf32> to vector<16xf32>
        %add3A_317 = arith.addf %add3A_289, %get3A_316 : vector<16xf32>
        %get3A_318 = arith.constant 20 : i32
        %get3A_319 = arith.index_cast %scan3A_41 : i32 to index
        %get3A_320 = arith.index_cast %get3A_318 : i32 to index
        %get3A_321 = arith.constant 0 : index
        %get3A_322 = tpu.vector_load %arg8[%get3A_319, %get3A_320, %get3A_321] {strides = array<i32>} : memref<32x50x32xf32, #tpu.memory_space<vmem>>, vector<1x1x16xf32>,
        %get3A_323 = vector.shape_cast %get3A_322 : vector<1x1x16xf32> to vector<16xf32>
        %add3A_324 = arith.addf %add3A_296, %get3A_323 : vector<16xf32>
        %get3A_325 = arith.constant 20 : i32
        %get3A_326 = arith.index_cast %scan3A_41 : i32 to index
        %get3A_327 = arith.index_cast %get3A_325 : i32 to index
        %get3A_328 = arith.constant 16 : index
        %get3A_329 = tpu.vector_load %arg8[%get3A_326, %get3A_327, %get3A_328] {strides = array<i32>} : memref<32x50x32xf32, #tpu.memory_space<vmem>>, vector<1x1x16xf32>,
        %get3A_330 = vector.shape_cast %get3A_329 : vector<1x1x16xf32> to vector<16xf32>
        %add3A_331 = arith.addf %add3A_303, %get3A_330 : vector<16xf32>
        %get3A_332 = arith.constant 21 : i32
        %get3A_333 = arith.index_cast %scan3A_41 : i32 to index
        %get3A_334 = arith.index_cast %get3A_332 : i32 to index
        %get3A_335 = arith.constant 0 : index
        %get3A_336 = tpu.vector_load %arg8[%get3A_333, %get3A_334, %get3A_335] {strides = array<i32>} : memref<32x50x32xf32, #tpu.memory_space<vmem>>, vector<1x1x16xf32>,
        %get3A_337 = vector.shape_cast %get3A_336 : vector<1x1x16xf32> to vector<16xf32>
        %add3A_338 = arith.addf %add3A_310, %get3A_337 : vector<16xf32>
        %get3A_339 = arith.constant 21 : i32
        %get3A_340 = arith.index_cast %scan3A_41 : i32 to index
        %get3A_341 = arith.index_cast %get3A_339 : i32 to index
        %get3A_342 = arith.constant 16 : index
        %get3A_343 = tpu.vector_load %arg8[%get3A_340, %get3A_341, %get3A_342] {strides = array<i32>} : memref<32x50x32xf32, #tpu.memory_space<vmem>>, vector<1x1x16xf32>,
        %get3A_344 = vector.shape_cast %get3A_343 : vector<1x1x16xf32> to vector<16xf32>
        %add3A_345 = arith.addf %add3A_317, %get3A_344 : vector<16xf32>
        %get3A_346 = arith.constant 22 : i32
        %get3A_347 = arith.index_cast %scan3A_41 : i32 to index
        %get3A_348 = arith.index_cast %get3A_346 : i32 to index
        %get3A_349 = arith.constant 0 : index
        %get3A_350 = tpu.vector_load %arg8[%get3A_347, %get3A_348, %get3A_349] {strides = array<i32>} : memref<32x50x32xf32, #tpu.memory_space<vmem>>, vector<1x1x16xf32>,
        %get3A_351 = vector.shape_cast %get3A_350 : vector<1x1x16xf32> to vector<16xf32>
        %add3A_352 = arith.addf %add3A_324, %get3A_351 : vector<16xf32>
        %get3A_353 = arith.constant 22 : i32
        %get3A_354 = arith.index_cast %scan3A_41 : i32 to index
        %get3A_355 = arith.index_cast %get3A_353 : i32 to index
        %get3A_356 = arith.constant 16 : index
        %get3A_357 = tpu.vector_load %arg8[%get3A_354, %get3A_355, %get3A_356] {strides = array<i32>} : memref<32x50x32xf32, #tpu.memory_space<vmem>>, vector<1x1x16xf32>,
        %get3A_358 = vector.shape_cast %get3A_357 : vector<1x1x16xf32> to vector<16xf32>
        %add3A_359 = arith.addf %add3A_331, %get3A_358 : vector<16xf32>
        %get3A_360 = arith.constant 23 : i32
        %get3A_361 = arith.index_cast %scan3A_41 : i32 to index
        %get3A_362 = arith.index_cast %get3A_360 : i32 to index
        %get3A_363 = arith.constant 0 : index
        %get3A_364 = tpu.vector_load %arg8[%get3A_361, %get3A_362, %get3A_363] {strides = array<i32>} : memref<32x50x32xf32, #tpu.memory_space<vmem>>, vector<1x1x16xf32>,
        %get3A_365 = vector.shape_cast %get3A_364 : vector<1x1x16xf32> to vector<16xf32>
        %add3A_366 = arith.addf %add3A_338, %get3A_365 : vector<16xf32>
        %get3A_367 = arith.constant 23 : i32
        %get3A_368 = arith.index_cast %scan3A_41 : i32 to index
        %get3A_369 = arith.index_cast %get3A_367 : i32 to index
        %get3A_370 = arith.constant 16 : index
        %get3A_371 = tpu.vector_load %arg8[%get3A_368, %get3A_369, %get3A_370] {strides = array<i32>} : memref<32x50x32xf32, #tpu.memory_space<vmem>>, vector<1x1x16xf32>,
        %get3A_372 = vector.shape_cast %get3A_371 : vector<1x1x16xf32> to vector<16xf32>
        %add3A_373 = arith.addf %add3A_345, %get3A_372 : vector<16xf32>
        %get3A_374 = arith.constant 24 : i32
        %get3A_375 = arith.index_cast %scan3A_41 : i32 to index
        %get3A_376 = arith.index_cast %get3A_374 : i32 to index
        %get3A_377 = arith.constant 0 : index
        %get3A_378 = tpu.vector_load %arg8[%get3A_375, %get3A_376, %get3A_377] {strides = array<i32>} : memref<32x50x32xf32, #tpu.memory_space<vmem>>, vector<1x1x16xf32>,
        %get3A_379 = vector.shape_cast %get3A_378 : vector<1x1x16xf32> to vector<16xf32>
        %add3A_380 = arith.addf %add3A_352, %get3A_379 : vector<16xf32>
        %get3A_381 = arith.constant 24 : i32
        %get3A_382 = arith.index_cast %scan3A_41 : i32 to index
        %get3A_383 = arith.index_cast %get3A_381 : i32 to index
        %get3A_384 = arith.constant 16 : index
        %get3A_385 = tpu.vector_load %arg8[%get3A_382, %get3A_383, %get3A_384] {strides = array<i32>} : memref<32x50x32xf32, #tpu.memory_space<vmem>>, vector<1x1x16xf32>,
        %get3A_386 = vector.shape_cast %get3A_385 : vector<1x1x16xf32> to vector<16xf32>
        %add3A_387 = arith.addf %add3A_359, %get3A_386 : vector<16xf32>
        %get3A_388 = arith.constant 25 : i32
        %get3A_389 = arith.index_cast %scan3A_41 : i32 to index
        %get3A_390 = arith.index_cast %get3A_388 : i32 to index
        %get3A_391 = arith.constant 0 : index
        %get3A_392 = tpu.vector_load %arg8[%get3A_389, %get3A_390, %get3A_391] {strides = array<i32>} : memref<32x50x32xf32, #tpu.memory_space<vmem>>, vector<1x1x16xf32>,
        %get3A_393 = vector.shape_cast %get3A_392 : vector<1x1x16xf32> to vector<16xf32>
        %add3A_394 = arith.addf %add3A_366, %get3A_393 : vector<16xf32>
        %get3A_395 = arith.constant 25 : i32
        %get3A_396 = arith.index_cast %scan3A_41 : i32 to index
        %get3A_397 = arith.index_cast %get3A_395 : i32 to index
        %get3A_398 = arith.constant 16 : index
        %get3A_399 = tpu.vector_load %arg8[%get3A_396, %get3A_397, %get3A_398] {strides = array<i32>} : memref<32x50x32xf32, #tpu.memory_space<vmem>>, vector<1x1x16xf32>,
        %get3A_400 = vector.shape_cast %get3A_399 : vector<1x1x16xf32> to vector<16xf32>
        %add3A_401 = arith.addf %add3A_373, %get3A_400 : vector<16xf32>
        %get3A_402 = arith.constant 26 : i32
        %get3A_403 = arith.index_cast %scan3A_41 : i32 to index
        %get3A_404 = arith.index_cast %get3A_402 : i32 to index
        %get3A_405 = arith.constant 0 : index
        %get3A_406 = tpu.vector_load %arg8[%get3A_403, %get3A_404, %get3A_405] {strides = array<i32>} : memref<32x50x32xf32, #tpu.memory_space<vmem>>, vector<1x1x16xf32>,
        %get3A_407 = vector.shape_cast %get3A_406 : vector<1x1x16xf32> to vector<16xf32>
        %add3A_408 = arith.addf %add3A_380, %get3A_407 : vector<16xf32>
        %get3A_409 = arith.constant 26 : i32
        %get3A_410 = arith.index_cast %scan3A_41 : i32 to index
        %get3A_411 = arith.index_cast %get3A_409 : i32 to index
        %get3A_412 = arith.constant 16 : index
        %get3A_413 = tpu.vector_load %arg8[%get3A_410, %get3A_411, %get3A_412] {strides = array<i32>} : memref<32x50x32xf32, #tpu.memory_space<vmem>>, vector<1x1x16xf32>,
        %get3A_414 = vector.shape_cast %get3A_413 : vector<1x1x16xf32> to vector<16xf32>
        %add3A_415 = arith.addf %add3A_387, %get3A_414 : vector<16xf32>
        %get3A_416 = arith.constant 27 : i32
        %get3A_417 = arith.index_cast %scan3A_41 : i32 to index
        %get3A_418 = arith.index_cast %get3A_416 : i32 to index
        %get3A_419 = arith.constant 0 : index
        %get3A_420 = tpu.vector_load %arg8[%get3A_417, %get3A_418, %get3A_419] {strides = array<i32>} : memref<32x50x32xf32, #tpu.memory_space<vmem>>, vector<1x1x16xf32>,
        %get3A_421 = vector.shape_cast %get3A_420 : vector<1x1x16xf32> to vector<16xf32>
        %add3A_422 = arith.addf %add3A_394, %get3A_421 : vector<16xf32>
        %get3A_423 = arith.constant 27 : i32
        %get3A_424 = arith.index_cast %scan3A_41 : i32 to index
        %get3A_425 = arith.index_cast %get3A_423 : i32 to index
        %get3A_426 = arith.constant 16 : index
        %get3A_427 = tpu.vector_load %arg8[%get3A_424, %get3A_425, %get3A_426] {strides = array<i32>} : memref<32x50x32xf32, #tpu.memory_space<vmem>>, vector<1x1x16xf32>,
        %get3A_428 = vector.shape_cast %get3A_427 : vector<1x1x16xf32> to vector<16xf32>
        %add3A_429 = arith.addf %add3A_401, %get3A_428 : vector<16xf32>
        %get3A_430 = arith.constant 28 : i32
        %get3A_431 = arith.index_cast %scan3A_41 : i32 to index
        %get3A_432 = arith.index_cast %get3A_430 : i32 to index
        %get3A_433 = arith.constant 0 : index
        %get3A_434 = tpu.vector_load %arg8[%get3A_431, %get3A_432, %get3A_433] {strides = array<i32>} : memref<32x50x32xf32, #tpu.memory_space<vmem>>, vector<1x1x16xf32>,
        %get3A_435 = vector.shape_cast %get3A_434 : vector<1x1x16xf32> to vector<16xf32>
        %add3A_436 = arith.addf %add3A_408, %get3A_435 : vector<16xf32>
        %get3A_437 = arith.constant 28 : i32
        %get3A_438 = arith.index_cast %scan3A_41 : i32 to index
        %get3A_439 = arith.index_cast %get3A_437 : i32 to index
        %get3A_440 = arith.constant 16 : index
        %get3A_441 = tpu.vector_load %arg8[%get3A_438, %get3A_439, %get3A_440] {strides = array<i32>} : memref<32x50x32xf32, #tpu.memory_space<vmem>>, vector<1x1x16xf32>,
        %get3A_442 = vector.shape_cast %get3A_441 : vector<1x1x16xf32> to vector<16xf32>
        %add3A_443 = arith.addf %add3A_415, %get3A_442 : vector<16xf32>
        %get3A_444 = arith.constant 29 : i32
        %get3A_445 = arith.index_cast %scan3A_41 : i32 to index
        %get3A_446 = arith.index_cast %get3A_444 : i32 to index
        %get3A_447 = arith.constant 0 : index
        %get3A_448 = tpu.vector_load %arg8[%get3A_445, %get3A_446, %get3A_447] {strides = array<i32>} : memref<32x50x32xf32, #tpu.memory_space<vmem>>, vector<1x1x16xf32>,
        %get3A_449 = vector.shape_cast %get3A_448 : vector<1x1x16xf32> to vector<16xf32>
        %add3A_450 = arith.addf %add3A_422, %get3A_449 : vector<16xf32>
        %get3A_451 = arith.constant 29 : i32
        %get3A_452 = arith.index_cast %scan3A_41 : i32 to index
        %get3A_453 = arith.index_cast %get3A_451 : i32 to index
        %get3A_454 = arith.constant 16 : index
        %get3A_455 = tpu.vector_load %arg8[%get3A_452, %get3A_453, %get3A_454] {strides = array<i32>} : memref<32x50x32xf32, #tpu.memory_space<vmem>>, vector<1x1x16xf32>,
        %get3A_456 = vector.shape_cast %get3A_455 : vector<1x1x16xf32> to vector<16xf32>
        %add3A_457 = arith.addf %add3A_429, %get3A_456 : vector<16xf32>
        %get3A_458 = arith.constant 30 : i32
        %get3A_459 = arith.index_cast %scan3A_41 : i32 to index
        %get3A_460 = arith.index_cast %get3A_458 : i32 to index
        %get3A_461 = arith.constant 0 : index
        %get3A_462 = tpu.vector_load %arg8[%get3A_459, %get3A_460, %get3A_461] {strides = array<i32>} : memref<32x50x32xf32, #tpu.memory_space<vmem>>, vector<1x1x16xf32>,
        %get3A_463 = vector.shape_cast %get3A_462 : vector<1x1x16xf32> to vector<16xf32>
        %add3A_464 = arith.addf %add3A_436, %get3A_463 : vector<16xf32>
        %get3A_465 = arith.constant 30 : i32
        %get3A_466 = arith.index_cast %scan3A_41 : i32 to index
        %get3A_467 = arith.index_cast %get3A_465 : i32 to index
        %get3A_468 = arith.constant 16 : index
        %get3A_469 = tpu.vector_load %arg8[%get3A_466, %get3A_467, %get3A_468] {strides = array<i32>} : memref<32x50x32xf32, #tpu.memory_space<vmem>>, vector<1x1x16xf32>,
        %get3A_470 = vector.shape_cast %get3A_469 : vector<1x1x16xf32> to vector<16xf32>
        %add3A_471 = arith.addf %add3A_443, %get3A_470 : vector<16xf32>
        %get3A_472 = arith.constant 31 : i32
        %get3A_473 = arith.index_cast %scan3A_41 : i32 to index
        %get3A_474 = arith.index_cast %get3A_472 : i32 to index
        %get3A_475 = arith.constant 0 : index
        %get3A_476 = tpu.vector_load %arg8[%get3A_473, %get3A_474, %get3A_475] {strides = array<i32>} : memref<32x50x32xf32, #tpu.memory_space<vmem>>, vector<1x1x16xf32>,
        %get3A_477 = vector.shape_cast %get3A_476 : vector<1x1x16xf32> to vector<16xf32>
        %add3A_478 = arith.addf %add3A_450, %get3A_477 : vector<16xf32>
        %get3A_479 = arith.constant 31 : i32
        %get3A_480 = arith.index_cast %scan3A_41 : i32 to index
        %get3A_481 = arith.index_cast %get3A_479 : i32 to index
        %get3A_482 = arith.constant 16 : index
        %get3A_483 = tpu.vector_load %arg8[%get3A_480, %get3A_481, %get3A_482] {strides = array<i32>} : memref<32x50x32xf32, #tpu.memory_space<vmem>>, vector<1x1x16xf32>,
        %get3A_484 = vector.shape_cast %get3A_483 : vector<1x1x16xf32> to vector<16xf32>
        %add3A_485 = arith.addf %add3A_457, %get3A_484 : vector<16xf32>
        %get3A_486 = arith.constant 32 : i32
        %get3A_487 = arith.index_cast %scan3A_41 : i32 to index
        %get3A_488 = arith.index_cast %get3A_486 : i32 to index
        %get3A_489 = arith.constant 0 : index
        %get3A_490 = tpu.vector_load %arg8[%get3A_487, %get3A_488, %get3A_489] {strides = array<i32>} : memref<32x50x32xf32, #tpu.memory_space<vmem>>, vector<1x1x16xf32>,
        %get3A_491 = vector.shape_cast %get3A_490 : vector<1x1x16xf32> to vector<16xf32>
        %add3A_492 = arith.addf %add3A_464, %get3A_491 : vector<16xf32>
        %get3A_493 = arith.constant 32 : i32
        %get3A_494 = arith.index_cast %scan3A_41 : i32 to index
        %get3A_495 = arith.index_cast %get3A_493 : i32 to index
        %get3A_496 = arith.constant 16 : index
        %get3A_497 = tpu.vector_load %arg8[%get3A_494, %get3A_495, %get3A_496] {strides = array<i32>} : memref<32x50x32xf32, #tpu.memory_space<vmem>>, vector<1x1x16xf32>,
        %get3A_498 = vector.shape_cast %get3A_497 : vector<1x1x16xf32> to vector<16xf32>
        %add3A_499 = arith.addf %add3A_471, %get3A_498 : vector<16xf32>
        %get3A_500 = arith.constant 33 : i32
        %get3A_501 = arith.index_cast %scan3A_41 : i32 to index
        %get3A_502 = arith.index_cast %get3A_500 : i32 to index
        %get3A_503 = arith.constant 0 : index
        %get3A_504 = tpu.vector_load %arg8[%get3A_501, %get3A_502, %get3A_503] {strides = array<i32>} : memref<32x50x32xf32, #tpu.memory_space<vmem>>, vector<1x1x16xf32>,
        %get3A_505 = vector.shape_cast %get3A_504 : vector<1x1x16xf32> to vector<16xf32>
        %add3A_506 = arith.addf %add3A_478, %get3A_505 : vector<16xf32>
        %get3A_507 = arith.constant 33 : i32
        %get3A_508 = arith.index_cast %scan3A_41 : i32 to index
        %get3A_509 = arith.index_cast %get3A_507 : i32 to index
        %get3A_510 = arith.constant 16 : index
        %get3A_511 = tpu.vector_load %arg8[%get3A_508, %get3A_509, %get3A_510] {strides = array<i32>} : memref<32x50x32xf32, #tpu.memory_space<vmem>>, vector<1x1x16xf32>,
        %get3A_512 = vector.shape_cast %get3A_511 : vector<1x1x16xf32> to vector<16xf32>
        %add3A_513 = arith.addf %add3A_485, %get3A_512 : vector<16xf32>
        %get3A_514 = arith.constant 34 : i32
        %get3A_515 = arith.index_cast %scan3A_41 : i32 to index
        %get3A_516 = arith.index_cast %get3A_514 : i32 to index
        %get3A_517 = arith.constant 0 : index
        %get3A_518 = tpu.vector_load %arg8[%get3A_515, %get3A_516, %get3A_517] {strides = array<i32>} : memref<32x50x32xf32, #tpu.memory_space<vmem>>, vector<1x1x16xf32>,
        %get3A_519 = vector.shape_cast %get3A_518 : vector<1x1x16xf32> to vector<16xf32>
        %add3A_520 = arith.addf %add3A_492, %get3A_519 : vector<16xf32>
        %get3A_521 = arith.constant 34 : i32
        %get3A_522 = arith.index_cast %scan3A_41 : i32 to index
        %get3A_523 = arith.index_cast %get3A_521 : i32 to index
        %get3A_524 = arith.constant 16 : index
        %get3A_525 = tpu.vector_load %arg8[%get3A_522, %get3A_523, %get3A_524] {strides = array<i32>} : memref<32x50x32xf32, #tpu.memory_space<vmem>>, vector<1x1x16xf32>,
        %get3A_526 = vector.shape_cast %get3A_525 : vector<1x1x16xf32> to vector<16xf32>
        %add3A_527 = arith.addf %add3A_499, %get3A_526 : vector<16xf32>
        %get3A_528 = arith.constant 35 : i32
        %get3A_529 = arith.index_cast %scan3A_41 : i32 to index
        %get3A_530 = arith.index_cast %get3A_528 : i32 to index
        %get3A_531 = arith.constant 0 : index
        %get3A_532 = tpu.vector_load %arg8[%get3A_529, %get3A_530, %get3A_531] {strides = array<i32>} : memref<32x50x32xf32, #tpu.memory_space<vmem>>, vector<1x1x16xf32>,
        %get3A_533 = vector.shape_cast %get3A_532 : vector<1x1x16xf32> to vector<16xf32>
        %add3A_534 = arith.addf %add3A_506, %get3A_533 : vector<16xf32>
        %get3A_535 = arith.constant 35 : i32
        %get3A_536 = arith.index_cast %scan3A_41 : i32 to index
        %get3A_537 = arith.index_cast %get3A_535 : i32 to index
        %get3A_538 = arith.constant 16 : index
        %get3A_539 = tpu.vector_load %arg8[%get3A_536, %get3A_537, %get3A_538] {strides = array<i32>} : memref<32x50x32xf32, #tpu.memory_space<vmem>>, vector<1x1x16xf32>,
        %get3A_540 = vector.shape_cast %get3A_539 : vector<1x1x16xf32> to vector<16xf32>
        %add3A_541 = arith.addf %add3A_513, %get3A_540 : vector<16xf32>
        %get3A_542 = arith.constant 36 : i32
        %get3A_543 = arith.index_cast %scan3A_41 : i32 to index
        %get3A_544 = arith.index_cast %get3A_542 : i32 to index
        %get3A_545 = arith.constant 0 : index
        %get3A_546 = tpu.vector_load %arg8[%get3A_543, %get3A_544, %get3A_545] {strides = array<i32>} : memref<32x50x32xf32, #tpu.memory_space<vmem>>, vector<1x1x16xf32>,
        %get3A_547 = vector.shape_cast %get3A_546 : vector<1x1x16xf32> to vector<16xf32>
        %add3A_548 = arith.addf %add3A_520, %get3A_547 : vector<16xf32>
        %get3A_549 = arith.constant 36 : i32
        %get3A_550 = arith.index_cast %scan3A_41 : i32 to index
        %get3A_551 = arith.index_cast %get3A_549 : i32 to index
        %get3A_552 = arith.constant 16 : index
        %get3A_553 = tpu.vector_load %arg8[%get3A_550, %get3A_551, %get3A_552] {strides = array<i32>} : memref<32x50x32xf32, #tpu.memory_space<vmem>>, vector<1x1x16xf32>,
        %get3A_554 = vector.shape_cast %get3A_553 : vector<1x1x16xf32> to vector<16xf32>
        %add3A_555 = arith.addf %add3A_527, %get3A_554 : vector<16xf32>
        %get3A_556 = arith.constant 37 : i32
        %get3A_557 = arith.index_cast %scan3A_41 : i32 to index
        %get3A_558 = arith.index_cast %get3A_556 : i32 to index
        %get3A_559 = arith.constant 0 : index
        %get3A_560 = tpu.vector_load %arg8[%get3A_557, %get3A_558, %get3A_559] {strides = array<i32>} : memref<32x50x32xf32, #tpu.memory_space<vmem>>, vector<1x1x16xf32>,
        %get3A_561 = vector.shape_cast %get3A_560 : vector<1x1x16xf32> to vector<16xf32>
        %add3A_562 = arith.addf %add3A_534, %get3A_561 : vector<16xf32>
        %get3A_563 = arith.constant 37 : i32
        %get3A_564 = arith.index_cast %scan3A_41 : i32 to index
        %get3A_565 = arith.index_cast %get3A_563 : i32 to index
        %get3A_566 = arith.constant 16 : index
        %get3A_567 = tpu.vector_load %arg8[%get3A_564, %get3A_565, %get3A_566] {strides = array<i32>} : memref<32x50x32xf32, #tpu.memory_space<vmem>>, vector<1x1x16xf32>,
        %get3A_568 = vector.shape_cast %get3A_567 : vector<1x1x16xf32> to vector<16xf32>
        %add3A_569 = arith.addf %add3A_541, %get3A_568 : vector<16xf32>
        %get3A_570 = arith.constant 38 : i32
        %get3A_571 = arith.index_cast %scan3A_41 : i32 to index
        %get3A_572 = arith.index_cast %get3A_570 : i32 to index
        %get3A_573 = arith.constant 0 : index
        %get3A_574 = tpu.vector_load %arg8[%get3A_571, %get3A_572, %get3A_573] {strides = array<i32>} : memref<32x50x32xf32, #tpu.memory_space<vmem>>, vector<1x1x16xf32>,
        %get3A_575 = vector.shape_cast %get3A_574 : vector<1x1x16xf32> to vector<16xf32>
        %add3A_576 = arith.addf %add3A_548, %get3A_575 : vector<16xf32>
        %get3A_577 = arith.constant 38 : i32
        %get3A_578 = arith.index_cast %scan3A_41 : i32 to index
        %get3A_579 = arith.index_cast %get3A_577 : i32 to index
        %get3A_580 = arith.constant 16 : index
        %get3A_581 = tpu.vector_load %arg8[%get3A_578, %get3A_579, %get3A_580] {strides = array<i32>} : memref<32x50x32xf32, #tpu.memory_space<vmem>>, vector<1x1x16xf32>,
        %get3A_582 = vector.shape_cast %get3A_581 : vector<1x1x16xf32> to vector<16xf32>
        %add3A_583 = arith.addf %add3A_555, %get3A_582 : vector<16xf32>
        %get3A_584 = arith.constant 39 : i32
        %get3A_585 = arith.index_cast %scan3A_41 : i32 to index
        %get3A_586 = arith.index_cast %get3A_584 : i32 to index
        %get3A_587 = arith.constant 0 : index
        %get3A_588 = tpu.vector_load %arg8[%get3A_585, %get3A_586, %get3A_587] {strides = array<i32>} : memref<32x50x32xf32, #tpu.memory_space<vmem>>, vector<1x1x16xf32>,
        %get3A_589 = vector.shape_cast %get3A_588 : vector<1x1x16xf32> to vector<16xf32>
        %add3A_590 = arith.addf %add3A_562, %get3A_589 : vector<16xf32>
        %get3A_591 = arith.constant 39 : i32
        %get3A_592 = arith.index_cast %scan3A_41 : i32 to index
        %get3A_593 = arith.index_cast %get3A_591 : i32 to index
        %get3A_594 = arith.constant 16 : index
        %get3A_595 = tpu.vector_load %arg8[%get3A_592, %get3A_593, %get3A_594] {strides = array<i32>} : memref<32x50x32xf32, #tpu.memory_space<vmem>>, vector<1x1x16xf32>,
        %get3A_596 = vector.shape_cast %get3A_595 : vector<1x1x16xf32> to vector<16xf32>
        %add3A_597 = arith.addf %add3A_569, %get3A_596 : vector<16xf32>
        %get3A_598 = arith.constant 40 : i32
        %get3A_599 = arith.index_cast %scan3A_41 : i32 to index
        %get3A_600 = arith.index_cast %get3A_598 : i32 to index
        %get3A_601 = arith.constant 0 : index
        %get3A_602 = tpu.vector_load %arg8[%get3A_599, %get3A_600, %get3A_601] {strides = array<i32>} : memref<32x50x32xf32, #tpu.memory_space<vmem>>, vector<1x1x16xf32>,
        %get3A_603 = vector.shape_cast %get3A_602 : vector<1x1x16xf32> to vector<16xf32>
        %add3A_604 = arith.addf %add3A_576, %get3A_603 : vector<16xf32>
        %get3A_605 = arith.constant 40 : i32
        %get3A_606 = arith.index_cast %scan3A_41 : i32 to index
        %get3A_607 = arith.index_cast %get3A_605 : i32 to index
        %get3A_608 = arith.constant 16 : index
        %get3A_609 = tpu.vector_load %arg8[%get3A_606, %get3A_607, %get3A_608] {strides = array<i32>} : memref<32x50x32xf32, #tpu.memory_space<vmem>>, vector<1x1x16xf32>,
        %get3A_610 = vector.shape_cast %get3A_609 : vector<1x1x16xf32> to vector<16xf32>
        %add3A_611 = arith.addf %add3A_583, %get3A_610 : vector<16xf32>
        %get3A_612 = arith.constant 41 : i32
        %get3A_613 = arith.index_cast %scan3A_41 : i32 to index
        %get3A_614 = arith.index_cast %get3A_612 : i32 to index
        %get3A_615 = arith.constant 0 : index
        %get3A_616 = tpu.vector_load %arg8[%get3A_613, %get3A_614, %get3A_615] {strides = array<i32>} : memref<32x50x32xf32, #tpu.memory_space<vmem>>, vector<1x1x16xf32>,
        %get3A_617 = vector.shape_cast %get3A_616 : vector<1x1x16xf32> to vector<16xf32>
        %add3A_618 = arith.addf %add3A_590, %get3A_617 : vector<16xf32>
        %get3A_619 = arith.constant 41 : i32
        %get3A_620 = arith.index_cast %scan3A_41 : i32 to index
        %get3A_621 = arith.index_cast %get3A_619 : i32 to index
        %get3A_622 = arith.constant 16 : index
        %get3A_623 = tpu.vector_load %arg8[%get3A_620, %get3A_621, %get3A_622] {strides = array<i32>} : memref<32x50x32xf32, #tpu.memory_space<vmem>>, vector<1x1x16xf32>,
        %get3A_624 = vector.shape_cast %get3A_623 : vector<1x1x16xf32> to vector<16xf32>
        %add3A_625 = arith.addf %add3A_597, %get3A_624 : vector<16xf32>
        %get3A_626 = arith.constant 42 : i32
        %get3A_627 = arith.index_cast %scan3A_41 : i32 to index
        %get3A_628 = arith.index_cast %get3A_626 : i32 to index
        %get3A_629 = arith.constant 0 : index
        %get3A_630 = tpu.vector_load %arg8[%get3A_627, %get3A_628, %get3A_629] {strides = array<i32>} : memref<32x50x32xf32, #tpu.memory_space<vmem>>, vector<1x1x16xf32>,
        %get3A_631 = vector.shape_cast %get3A_630 : vector<1x1x16xf32> to vector<16xf32>
        %add3A_632 = arith.addf %add3A_604, %get3A_631 : vector<16xf32>
        %get3A_633 = arith.constant 42 : i32
        %get3A_634 = arith.index_cast %scan3A_41 : i32 to index
        %get3A_635 = arith.index_cast %get3A_633 : i32 to index
        %get3A_636 = arith.constant 16 : index
        %get3A_637 = tpu.vector_load %arg8[%get3A_634, %get3A_635, %get3A_636] {strides = array<i32>} : memref<32x50x32xf32, #tpu.memory_space<vmem>>, vector<1x1x16xf32>,
        %get3A_638 = vector.shape_cast %get3A_637 : vector<1x1x16xf32> to vector<16xf32>
        %add3A_639 = arith.addf %add3A_611, %get3A_638 : vector<16xf32>
        %get3A_640 = arith.constant 43 : i32
        %get3A_641 = arith.index_cast %scan3A_41 : i32 to index
        %get3A_642 = arith.index_cast %get3A_640 : i32 to index
        %get3A_643 = arith.constant 0 : index
        %get3A_644 = tpu.vector_load %arg8[%get3A_641, %get3A_642, %get3A_643] {strides = array<i32>} : memref<32x50x32xf32, #tpu.memory_space<vmem>>, vector<1x1x16xf32>,
        %get3A_645 = vector.shape_cast %get3A_644 : vector<1x1x16xf32> to vector<16xf32>
        %add3A_646 = arith.addf %add3A_618, %get3A_645 : vector<16xf32>
        %get3A_647 = arith.constant 43 : i32
        %get3A_648 = arith.index_cast %scan3A_41 : i32 to index
        %get3A_649 = arith.index_cast %get3A_647 : i32 to index
        %get3A_650 = arith.constant 16 : index
        %get3A_651 = tpu.vector_load %arg8[%get3A_648, %get3A_649, %get3A_650] {strides = array<i32>} : memref<32x50x32xf32, #tpu.memory_space<vmem>>, vector<1x1x16xf32>,
        %get3A_652 = vector.shape_cast %get3A_651 : vector<1x1x16xf32> to vector<16xf32>
        %add3A_653 = arith.addf %add3A_625, %get3A_652 : vector<16xf32>
        %get3A_654 = arith.constant 44 : i32
        %get3A_655 = arith.index_cast %scan3A_41 : i32 to index
        %get3A_656 = arith.index_cast %get3A_654 : i32 to index
        %get3A_657 = arith.constant 0 : index
        %get3A_658 = tpu.vector_load %arg8[%get3A_655, %get3A_656, %get3A_657] {strides = array<i32>} : memref<32x50x32xf32, #tpu.memory_space<vmem>>, vector<1x1x16xf32>,
        %get3A_659 = vector.shape_cast %get3A_658 : vector<1x1x16xf32> to vector<16xf32>
        %add3A_660 = arith.addf %add3A_632, %get3A_659 : vector<16xf32>
        %get3A_661 = arith.constant 44 : i32
        %get3A_662 = arith.index_cast %scan3A_41 : i32 to index
        %get3A_663 = arith.index_cast %get3A_661 : i32 to index
        %get3A_664 = arith.constant 16 : index
        %get3A_665 = tpu.vector_load %arg8[%get3A_662, %get3A_663, %get3A_664] {strides = array<i32>} : memref<32x50x32xf32, #tpu.memory_space<vmem>>, vector<1x1x16xf32>,
        %get3A_666 = vector.shape_cast %get3A_665 : vector<1x1x16xf32> to vector<16xf32>
        %add3A_667 = arith.addf %add3A_639, %get3A_666 : vector<16xf32>
        %get3A_668 = arith.constant 45 : i32
        %get3A_669 = arith.index_cast %scan3A_41 : i32 to index
        %get3A_670 = arith.index_cast %get3A_668 : i32 to index
        %get3A_671 = arith.constant 0 : index
        %get3A_672 = tpu.vector_load %arg8[%get3A_669, %get3A_670, %get3A_671] {strides = array<i32>} : memref<32x50x32xf32, #tpu.memory_space<vmem>>, vector<1x1x16xf32>,
        %get3A_673 = vector.shape_cast %get3A_672 : vector<1x1x16xf32> to vector<16xf32>
        %add3A_674 = arith.addf %add3A_646, %get3A_673 : vector<16xf32>
        %get3A_675 = arith.constant 45 : i32
        %get3A_676 = arith.index_cast %scan3A_41 : i32 to index
        %get3A_677 = arith.index_cast %get3A_675 : i32 to index
        %get3A_678 = arith.constant 16 : index
        %get3A_679 = tpu.vector_load %arg8[%get3A_676, %get3A_677, %get3A_678] {strides = array<i32>} : memref<32x50x32xf32, #tpu.memory_space<vmem>>, vector<1x1x16xf32>,
        %get3A_680 = vector.shape_cast %get3A_679 : vector<1x1x16xf32> to vector<16xf32>
        %add3A_681 = arith.addf %add3A_653, %get3A_680 : vector<16xf32>
        %get3A_682 = arith.constant 46 : i32
        %get3A_683 = arith.index_cast %scan3A_41 : i32 to index
        %get3A_684 = arith.index_cast %get3A_682 : i32 to index
        %get3A_685 = arith.constant 0 : index
        %get3A_686 = tpu.vector_load %arg8[%get3A_683, %get3A_684, %get3A_685] {strides = array<i32>} : memref<32x50x32xf32, #tpu.memory_space<vmem>>, vector<1x1x16xf32>,
        %get3A_687 = vector.shape_cast %get3A_686 : vector<1x1x16xf32> to vector<16xf32>
        %add3A_688 = arith.addf %add3A_660, %get3A_687 : vector<16xf32>
        %get3A_689 = arith.constant 46 : i32
        %get3A_690 = arith.index_cast %scan3A_41 : i32 to index
        %get3A_691 = arith.index_cast %get3A_689 : i32 to index
        %get3A_692 = arith.constant 16 : index
        %get3A_693 = tpu.vector_load %arg8[%get3A_690, %get3A_691, %get3A_692] {strides = array<i32>} : memref<32x50x32xf32, #tpu.memory_space<vmem>>, vector<1x1x16xf32>,
        %get3A_694 = vector.shape_cast %get3A_693 : vector<1x1x16xf32> to vector<16xf32>
        %add3A_695 = arith.addf %add3A_667, %get3A_694 : vector<16xf32>
        %get3A_696 = arith.constant 47 : i32
        %get3A_697 = arith.index_cast %scan3A_41 : i32 to index
        %get3A_698 = arith.index_cast %get3A_696 : i32 to index
        %get3A_699 = arith.constant 0 : index
        %get3A_700 = tpu.vector_load %arg8[%get3A_697, %get3A_698, %get3A_699] {strides = array<i32>} : memref<32x50x32xf32, #tpu.memory_space<vmem>>, vector<1x1x16xf32>,
        %get3A_701 = vector.shape_cast %get3A_700 : vector<1x1x16xf32> to vector<16xf32>
        %add3A_702 = arith.addf %add3A_674, %get3A_701 : vector<16xf32>
        %get3A_703 = arith.constant 47 : i32
        %get3A_704 = arith.index_cast %scan3A_41 : i32 to index
        %get3A_705 = arith.index_cast %get3A_703 : i32 to index
        %get3A_706 = arith.constant 16 : index
        %get3A_707 = tpu.vector_load %arg8[%get3A_704, %get3A_705, %get3A_706] {strides = array<i32>} : memref<32x50x32xf32, #tpu.memory_space<vmem>>, vector<1x1x16xf32>,
        %get3A_708 = vector.shape_cast %get3A_707 : vector<1x1x16xf32> to vector<16xf32>
        %add3A_709 = arith.addf %add3A_681, %get3A_708 : vector<16xf32>
        %get3A_710 = arith.constant 48 : i32
        %get3A_711 = arith.index_cast %scan3A_41 : i32 to index
        %get3A_712 = arith.index_cast %get3A_710 : i32 to index
        %get3A_713 = arith.constant 0 : index
        %get3A_714 = tpu.vector_load %arg8[%get3A_711, %get3A_712, %get3A_713] {strides = array<i32>} : memref<32x50x32xf32, #tpu.memory_space<vmem>>, vector<1x1x16xf32>,
        %get3A_715 = vector.shape_cast %get3A_714 : vector<1x1x16xf32> to vector<16xf32>
        %add3A_716 = arith.addf %add3A_688, %get3A_715 : vector<16xf32>
        %get3A_717 = arith.constant 48 : i32
        %get3A_718 = arith.index_cast %scan3A_41 : i32 to index
        %get3A_719 = arith.index_cast %get3A_717 : i32 to index
        %get3A_720 = arith.constant 16 : index
        %get3A_721 = tpu.vector_load %arg8[%get3A_718, %get3A_719, %get3A_720] {strides = array<i32>} : memref<32x50x32xf32, #tpu.memory_space<vmem>>, vector<1x1x16xf32>,
        %get3A_722 = vector.shape_cast %get3A_721 : vector<1x1x16xf32> to vector<16xf32>
        %add3A_723 = arith.addf %add3A_695, %get3A_722 : vector<16xf32>
        %get3A_724 = arith.constant 49 : i32
        %get3A_725 = arith.index_cast %scan3A_41 : i32 to index
        %get3A_726 = arith.index_cast %get3A_724 : i32 to index
        %get3A_727 = arith.constant 0 : index
        %get3A_728 = tpu.vector_load %arg8[%get3A_725, %get3A_726, %get3A_727] {strides = array<i32>} : memref<32x50x32xf32, #tpu.memory_space<vmem>>, vector<1x1x16xf32>,
        %get3A_729 = vector.shape_cast %get3A_728 : vector<1x1x16xf32> to vector<16xf32>
        %add3A_730 = arith.addf %add3A_702, %get3A_729 : vector<16xf32>
        %get3A_731 = arith.constant 49 : i32
        %get3A_732 = arith.index_cast %scan3A_41 : i32 to index
        %get3A_733 = arith.index_cast %get3A_731 : i32 to index
        %get3A_734 = arith.constant 16 : index
        %get3A_735 = tpu.vector_load %arg8[%get3A_732, %get3A_733, %get3A_734] {strides = array<i32>} : memref<32x50x32xf32, #tpu.memory_space<vmem>>, vector<1x1x16xf32>,
        %get3A_736 = vector.shape_cast %get3A_735 : vector<1x1x16xf32> to vector<16xf32>
        %add3A_737 = arith.addf %add3A_709, %get3A_736 : vector<16xf32>
        %get3A_738 = arith.index_cast %scan3A_41 : i32 to index
        %get3A_739 = arith.constant 0 : index
        %get3A_740 = tpu.vector_load %arg9[%get3A_738, %get3A_739] {strides = array<i32>} : memref<32x32xf32, #tpu.memory_space<vmem>>, vector<1x16xf32>,
        %get3A_741 = vector.shape_cast %get3A_740 : vector<1x16xf32> to vector<16xf32>
        %swap3A = arith.index_cast %scan3A_41 : i32 to index
        %swap3A_742 = arith.constant 0 : index
        %swap3A_743 = tpu.vector_load %arg10[%swap3A, %swap3A_742] {strides = array<i32>} : memref<32x64xf32, #tpu.memory_space<vmem>>, vector<1x16xf32>,
        %swap3A_744 = vector.shape_cast %swap3A_743 : vector<1x16xf32> to vector<16xf32>
        %swap3A_745 = vector.shape_cast %get3A_741 : vector<16xf32> to vector<1x16xf32>
        tpu.vector_store %arg10[%swap3A, %swap3A_742], %swap3A_745 {strides = array<i32>} : memref<32x64xf32, #tpu.memory_space<vmem>>, vector<1x16xf32>,
        %get3A_746 = arith.index_cast %scan3A_41 : i32 to index
        %get3A_747 = arith.constant 16 : index
        %get3A_748 = tpu.vector_load %arg9[%get3A_746, %get3A_747] {strides = array<i32>} : memref<32x32xf32, #tpu.memory_space<vmem>>, vector<1x16xf32>,
        %get3A_749 = vector.shape_cast %get3A_748 : vector<1x16xf32> to vector<16xf32>
        %swap3A_750 = arith.index_cast %scan3A_41 : i32 to index
        %swap3A_751 = arith.constant 16 : index
        %swap3A_752 = tpu.vector_load %arg10[%swap3A_750, %swap3A_751] {strides = array<i32>} : memref<32x64xf32, #tpu.memory_space<vmem>>, vector<1x16xf32>,
        %swap3A_753 = vector.shape_cast %swap3A_752 : vector<1x16xf32> to vector<16xf32>
        %swap3A_754 = vector.shape_cast %get3A_749 : vector<16xf32> to vector<1x16xf32>
        tpu.vector_store %arg10[%swap3A_750, %swap3A_751], %swap3A_754 {strides = array<i32>} : memref<32x64xf32, #tpu.memory_space<vmem>>, vector<1x16xf32>,
        %add3A_755 = arith.addf %add3A_716, %add3A_730 : vector<16xf32>
        %mul3A_756 = vector.broadcast %scan3A : f32 to vector<16xf32>
        %mul3A_757 = arith.mulf %add3A_755, %mul3A_756 : vector<16xf32>
        %swap3A_758 = arith.index_cast %scan3A_41 : i32 to index
        %swap3A_759 = arith.constant 32 : index
        %swap3A_760 = tpu.vector_load %arg10[%swap3A_758, %swap3A_759] {strides = array<i32>} : memref<32x64xf32, #tpu.memory_space<vmem>>, vector<1x16xf32>,
        %swap3A_761 = vector.shape_cast %swap3A_760 : vector<1x16xf32> to vector<16xf32>
        %swap3A_762 = vector.shape_cast %mul3A_757 : vector<16xf32> to vector<1x16xf32>
        tpu.vector_store %arg10[%swap3A_758, %swap3A_759], %swap3A_762 {strides = array<i32>} : memref<32x64xf32, #tpu.memory_space<vmem>>, vector<1x16xf32>,
        %add3A_763 = arith.addf %add3A_723, %add3A_737 : vector<16xf32>
        %mul3A_764 = vector.broadcast %scan3A : f32 to vector<16xf32>
        %mul3A_765 = arith.mulf %add3A_763, %mul3A_764 : vector<16xf32>
        %swap3A_766 = arith.index_cast %scan3A_41 : i32 to index
        %swap3A_767 = arith.constant 48 : index
        %swap3A_768 = tpu.vector_load %arg10[%swap3A_766, %swap3A_767] {strides = array<i32>} : memref<32x64xf32, #tpu.memory_space<vmem>>, vector<1x16xf32>,
        %swap3A_769 = vector.shape_cast %swap3A_768 : vector<1x16xf32> to vector<16xf32>
        %swap3A_770 = vector.shape_cast %mul3A_765 : vector<16xf32> to vector<1x16xf32>
        tpu.vector_store %arg10[%swap3A_766, %swap3A_767], %swap3A_770 {strides = array<i32>} : memref<32x64xf32, #tpu.memory_space<vmem>>, vector<1x16xf32>,
        %scan3A_771 = arith.constant 0 : i32
        scf.yield %scan3A_771 : i32
      }
      %scan3A_39 = arith.constant 32 : i32
      "tpu.region"() ({
        %run_scoped3A = tpu.sem_alloc : memref<!tpu.dma_semaphore, #tpu.memory_space<semaphore_mem>>
        %dma_start3A_41 = arith.constant 0 : i32
        %dma_start3A_42 = tpu.memref_slice %arg5[%mul3A_14, %dma_start3A_41] : memref<16384x64xf32, #tpu.memory_space<hbm>> -> memref<32x64xf32, #tpu.memory_space<hbm>>
        %dma_start3A_43 = arith.constant 0 : i32
        %dma_start3A_44 = tpu.memref_slice %arg5[%mul3A_14, %dma_start3A_43] : memref<16384x64xf32, #tpu.memory_space<hbm>> -> memref<32x64xf32, #tpu.memory_space<hbm>>
        tpu.enqueue_dma source(%arg10 : memref<32x64xf32, #tpu.memory_space<vmem>>) target(%dma_start3A_44 : memref<32x64xf32, #tpu.memory_space<hbm>>) target_semaphore(%run_scoped3A : memref<!tpu.dma_semaphore, #tpu.memory_space<semaphore_mem>>)
        %dma_wait3A_45 = arith.constant 0 : i32
        %dma_wait3A_46 = tpu.memref_slice %arg5[%mul3A_14, %dma_wait3A_45] : memref<16384x64xf32, #tpu.memory_space<hbm>> -> memref<32x64xf32, #tpu.memory_space<hbm>>
        %dma_wait3A_47 = arith.constant 0 : i32
        %dma_wait3A_48 = tpu.memref_slice %arg5[%mul3A_14, %dma_wait3A_47] : memref<16384x64xf32, #tpu.memory_space<hbm>> -> memref<32x64xf32, #tpu.memory_space<hbm>>
        tpu.wait_dma2 semaphore(%run_scoped3A : memref<!tpu.dma_semaphore, #tpu.memory_space<semaphore_mem>>) src(%arg10 : memref<32x64xf32, #tpu.memory_space<vmem>>) dst(%dma_wait3A_48 : memref<32x64xf32, #tpu.memory_space<hbm>>)
        tpu.yield
      }) : () -> ()
      %scan3A_40 = arith.constant 0 : i32
      scf.yield %scan3A_40 : i32
    }
    %scan3A_7 = arith.constant 16 : i32
    return
  }
}

#map = affine_map<(d0, d1) -> (0)>
#map1 = affine_map<(d0, d1) -> (0, 0, 0)>
#map2 = affine_map<(d0, d1) -> (0, 0)>
module attributes {stable_mosaic.version = 14 : i64} {
  func.func @_sc_side_body(%arg0: i32, %arg1: i32, %arg2: memref<16384xi32, #tpu.memory_space<hbm>>, %arg3: memref<512x32x50xi32, #tpu.memory_space<hbm>>, %arg4: memref<1015808x32xf32, #tpu.memory_space<hbm>>, %arg5: memref<16384x64xf32, #tpu.memory_space<hbm>>, %arg6: memref<32xi32, #tpu.memory_space<vmem>>, %arg7: memref<32x50xi32, #tpu.memory_space<vmem>>, %arg8: memref<32x50x32xf32, #tpu.memory_space<vmem>>, %arg9: memref<32x32xf32, #tpu.memory_space<vmem>>, %arg10: memref<32x64xf32, #tpu.memory_space<vmem>>, %arg11: memref<!tpu.dma_semaphore, #tpu.memory_space<semaphore_mem>>, %arg12: memref<!tpu.dma_semaphore, #tpu.memory_space<semaphore_mem>>) attributes {dimension_semantics = [#tpu.dimension_semantics<core_parallel>, #tpu.dimension_semantics<subcore_parallel>], iteration_bounds = array<i64: 2, 16>, scalar_prefetch = 0 : i64, scratch_operands = 7 : i64, tpu.core_type = #tpu.core_type<sc_vector_subcore>, window_params = [{transform_indices = #map}, {transform_indices = #map1}, {transform_indices = #map2}, {transform_indices = #map2}]} {
    %mul3A = arith.constant 2 : i32
    %mul3A_0 = arith.muli %arg1, %mul3A : i32
    %add3A = arith.addi %mul3A_0, %arg0 : i32
    %scan3A = arith.constant 2.000000e-02 : f32
    %scan3A_1 = arith.constant 0 : i32
    %scan3A_2 = arith.constant 0 : i32
    %scan3A_3 = arith.constant 16 : i32
    %scan3A_4 = arith.addi %scan3A_2, %scan3A_3 : i32
    %scan3A_5 = arith.constant 1 : i32
    %scan3A_6 = scf.for %scan3A_8 = %scan3A_2 to %scan3A_4 step %scan3A_5 iter_args(%scan3A_9 = %scan3A_1) -> (i32)  : i32 {
      %mul3A_10 = arith.constant 16 : i32
      %mul3A_11 = arith.muli %add3A, %mul3A_10 : i32
      %add3A_12 = arith.addi %mul3A_11, %scan3A_8 : i32
      %mul3A_13 = arith.constant 32 : i32
      %mul3A_14 = arith.muli %add3A_12, %mul3A_13 : i32
      "tpu.region"() ({
        %run_scoped3A = tpu.sem_alloc : memref<!tpu.dma_semaphore, #tpu.memory_space<semaphore_mem>>
        %dma_start3A_41 = tpu.memref_slice %arg2[%mul3A_14] : memref<16384xi32, #tpu.memory_space<hbm>> -> memref<32xi32, #tpu.memory_space<hbm>>
        %dma_start3A_42 = tpu.memref_slice %arg2[%mul3A_14] : memref<16384xi32, #tpu.memory_space<hbm>> -> memref<32xi32, #tpu.memory_space<hbm>>
        tpu.enqueue_dma source(%dma_start3A_42 : memref<32xi32, #tpu.memory_space<hbm>>) target(%arg6 : memref<32xi32, #tpu.memory_space<vmem>>) target_semaphore(%run_scoped3A : memref<!tpu.dma_semaphore, #tpu.memory_space<semaphore_mem>>)
        %dma_wait3A_43 = tpu.memref_slice %arg2[%mul3A_14] : memref<16384xi32, #tpu.memory_space<hbm>> -> memref<32xi32, #tpu.memory_space<hbm>>
        %dma_wait3A_44 = tpu.memref_slice %arg2[%mul3A_14] : memref<16384xi32, #tpu.memory_space<hbm>> -> memref<32xi32, #tpu.memory_space<hbm>>
        tpu.wait_dma2 semaphore(%run_scoped3A : memref<!tpu.dma_semaphore, #tpu.memory_space<semaphore_mem>>) src(%dma_wait3A_44 : memref<32xi32, #tpu.memory_space<hbm>>) dst(%arg6 : memref<32xi32, #tpu.memory_space<vmem>>)
        tpu.yield
      }) : () -> ()
      "tpu.region"() ({
        %run_scoped3A = tpu.sem_alloc : memref<!tpu.dma_semaphore, #tpu.memory_space<semaphore_mem>>
        %dma_start3A_41 = arith.constant 0 : i32
        %dma_start3A_42 = arith.constant 0 : i32
        %dma_start3A_43 = tpu.memref_slice %arg3[%add3A_12, %dma_start3A_41, %dma_start3A_42] : memref<512x32x50xi32, #tpu.memory_space<hbm>> -> memref<1x32x50xi32, #tpu.memory_space<hbm>>
        %dma_start3A_44 = tpu.memref_squeeze %dma_start3A_43 : memref<1x32x50xi32, #tpu.memory_space<hbm>> -> memref<32x50xi32, #tpu.memory_space<hbm>>
        %dma_start3A_45 = arith.constant 0 : i32
        %dma_start3A_46 = arith.constant 0 : i32
        %dma_start3A_47 = tpu.memref_slice %arg3[%add3A_12, %dma_start3A_45, %dma_start3A_46] : memref<512x32x50xi32, #tpu.memory_space<hbm>> -> memref<1x32x50xi32, #tpu.memory_space<hbm>>
        %dma_start3A_48 = tpu.memref_squeeze %dma_start3A_47 : memref<1x32x50xi32, #tpu.memory_space<hbm>> -> memref<32x50xi32, #tpu.memory_space<hbm>>
        tpu.enqueue_dma source(%dma_start3A_48 : memref<32x50xi32, #tpu.memory_space<hbm>>) target(%arg7 : memref<32x50xi32, #tpu.memory_space<vmem>>) target_semaphore(%run_scoped3A : memref<!tpu.dma_semaphore, #tpu.memory_space<semaphore_mem>>)
        %dma_wait3A_49 = arith.constant 0 : i32
        %dma_wait3A_50 = arith.constant 0 : i32
        %dma_wait3A_51 = tpu.memref_slice %arg3[%add3A_12, %dma_wait3A_49, %dma_wait3A_50] : memref<512x32x50xi32, #tpu.memory_space<hbm>> -> memref<1x32x50xi32, #tpu.memory_space<hbm>>
        %dma_wait3A_52 = tpu.memref_squeeze %dma_wait3A_51 : memref<1x32x50xi32, #tpu.memory_space<hbm>> -> memref<32x50xi32, #tpu.memory_space<hbm>>
        %dma_wait3A_53 = arith.constant 0 : i32
        %dma_wait3A_54 = arith.constant 0 : i32
        %dma_wait3A_55 = tpu.memref_slice %arg3[%add3A_12, %dma_wait3A_53, %dma_wait3A_54] : memref<512x32x50xi32, #tpu.memory_space<hbm>> -> memref<1x32x50xi32, #tpu.memory_space<hbm>>
        %dma_wait3A_56 = tpu.memref_squeeze %dma_wait3A_55 : memref<1x32x50xi32, #tpu.memory_space<hbm>> -> memref<32x50xi32, #tpu.memory_space<hbm>>
        tpu.wait_dma2 semaphore(%run_scoped3A : memref<!tpu.dma_semaphore, #tpu.memory_space<semaphore_mem>>) src(%dma_wait3A_56 : memref<32x50xi32, #tpu.memory_space<hbm>>) dst(%arg7 : memref<32x50xi32, #tpu.memory_space<vmem>>)
        tpu.yield
      }) : () -> ()
      %dma_start3A = arith.constant 0 : i32
      %dma_start3A_15 = arith.constant 0 : i32
      %dma_start3A_16 = tpu.memref_slice %arg4[%dma_start3A, %dma_start3A_15] : memref<1015808x32xf32, #tpu.memory_space<hbm>> -> memref<1015808x32xf32, #tpu.memory_space<hbm>>
      tpu.enqueue_indirect_dma source(%dma_start3A_16 : memref<1015808x32xf32, #tpu.memory_space<hbm>>) target(%arg9 : memref<32x32xf32, #tpu.memory_space<vmem>>) offsets(%arg6 : memref<32xi32, #tpu.memory_space<vmem>>) semaphore(%arg12 : memref<!tpu.dma_semaphore, #tpu.memory_space<semaphore_mem>>)
      %scan3A_17 = arith.constant 0 : i32
      %scan3A_18 = arith.constant 0 : i32
      %scan3A_19 = arith.constant 32 : i32
      %scan3A_20 = arith.addi %scan3A_18, %scan3A_19 : i32
      %scan3A_21 = arith.constant 1 : i32
      %scan3A_22 = scf.for %scan3A_41 = %scan3A_18 to %scan3A_20 step %scan3A_21 iter_args(%scan3A_42 = %scan3A_17) -> (i32)  : i32 {
        %dma_start3A_43 = arith.constant 0 : i32
        %dma_start3A_44 = arith.constant 0 : i32
        %dma_start3A_45 = tpu.memref_slice %arg8[%scan3A_41, %dma_start3A_43, %dma_start3A_44] : memref<32x50x32xf32, #tpu.memory_space<vmem>> -> memref<1x50x32xf32, #tpu.memory_space<vmem>>
        %dma_start3A_46 = tpu.memref_squeeze %dma_start3A_45 : memref<1x50x32xf32, #tpu.memory_space<vmem>> -> memref<50x32xf32, #tpu.memory_space<vmem>>
        %dma_start3A_47 = arith.constant 0 : i32
        %dma_start3A_48 = tpu.memref_slice %arg7[%scan3A_41, %dma_start3A_47] : memref<32x50xi32, #tpu.memory_space<vmem>> -> memref<1x50xi32, #tpu.memory_space<vmem>>
        %dma_start3A_49 = tpu.memref_squeeze %dma_start3A_48 : memref<1x50xi32, #tpu.memory_space<vmem>> -> memref<50xi32, #tpu.memory_space<vmem>>
        %dma_start3A_50 = arith.constant 0 : i32
        %dma_start3A_51 = arith.constant 0 : i32
        %dma_start3A_52 = tpu.memref_slice %arg4[%dma_start3A_50, %dma_start3A_51] : memref<1015808x32xf32, #tpu.memory_space<hbm>> -> memref<1015808x32xf32, #tpu.memory_space<hbm>>
        tpu.enqueue_indirect_dma source(%dma_start3A_52 : memref<1015808x32xf32, #tpu.memory_space<hbm>>) target(%dma_start3A_46 : memref<50x32xf32, #tpu.memory_space<vmem>>) offsets(%dma_start3A_49 : memref<50xi32, #tpu.memory_space<vmem>>) semaphore(%arg11 : memref<!tpu.dma_semaphore, #tpu.memory_space<semaphore_mem>>)
        %scan3A_53 = arith.constant 0 : i32
        scf.yield %scan3A_53 : i32
      }
      %scan3A_23 = arith.constant 32 : i32
      %scan3A_24 = arith.constant 0 : i32
      %scan3A_25 = arith.constant 0 : i32
      %scan3A_26 = arith.constant 32 : i32
      %scan3A_27 = arith.addi %scan3A_25, %scan3A_26 : i32
      %scan3A_28 = arith.constant 1 : i32
      %scan3A_29 = scf.for %scan3A_41 = %scan3A_25 to %scan3A_27 step %scan3A_28 iter_args(%scan3A_42 = %scan3A_24) -> (i32)  : i32 {
        %dma_wait3A_43 = arith.constant 0 : i32
        %dma_wait3A_44 = arith.constant 0 : i32
        %dma_wait3A_45 = tpu.memref_slice %arg8[%scan3A_41, %dma_wait3A_43, %dma_wait3A_44] : memref<32x50x32xf32, #tpu.memory_space<vmem>> -> memref<1x50x32xf32, #tpu.memory_space<vmem>>
        %dma_wait3A_46 = tpu.memref_squeeze %dma_wait3A_45 : memref<1x50x32xf32, #tpu.memory_space<vmem>> -> memref<50x32xf32, #tpu.memory_space<vmem>>
        %dma_wait3A_47 = arith.constant 0 : i32
        %dma_wait3A_48 = tpu.memref_slice %arg7[%scan3A_41, %dma_wait3A_47] : memref<32x50xi32, #tpu.memory_space<vmem>> -> memref<1x50xi32, #tpu.memory_space<vmem>>
        %dma_wait3A_49 = tpu.memref_squeeze %dma_wait3A_48 : memref<1x50xi32, #tpu.memory_space<vmem>> -> memref<50xi32, #tpu.memory_space<vmem>>
        %dma_wait3A_50 = arith.constant 0 : i32
        %dma_wait3A_51 = arith.constant 0 : i32
        %dma_wait3A_52 = tpu.memref_slice %arg4[%dma_wait3A_50, %dma_wait3A_51] : memref<1015808x32xf32, #tpu.memory_space<hbm>> -> memref<1015808x32xf32, #tpu.memory_space<hbm>>
        tpu.wait_indirect_dma semaphore(%arg11 : memref<!tpu.dma_semaphore, #tpu.memory_space<semaphore_mem>>) src(%dma_wait3A_52 : memref<1015808x32xf32, #tpu.memory_space<hbm>>) dst(%dma_wait3A_46 : memref<50x32xf32, #tpu.memory_space<vmem>>)
        %scan3A_53 = arith.constant 0 : i32
        scf.yield %scan3A_53 : i32
      }
      %scan3A_30 = arith.constant 32 : i32
      %dma_wait3A = arith.constant 0 : i32
      %dma_wait3A_31 = arith.constant 0 : i32
      %dma_wait3A_32 = tpu.memref_slice %arg4[%dma_wait3A, %dma_wait3A_31] : memref<1015808x32xf32, #tpu.memory_space<hbm>> -> memref<1015808x32xf32, #tpu.memory_space<hbm>>
      tpu.wait_indirect_dma semaphore(%arg12 : memref<!tpu.dma_semaphore, #tpu.memory_space<semaphore_mem>>) src(%dma_wait3A_32 : memref<1015808x32xf32, #tpu.memory_space<hbm>>) dst(%arg9 : memref<32x32xf32, #tpu.memory_space<vmem>>)
      %scan3A_33 = arith.constant 0 : i32
      %scan3A_34 = arith.constant 0 : i32
      %scan3A_35 = arith.constant 32 : i32
      %scan3A_36 = arith.addi %scan3A_34, %scan3A_35 : i32
      %scan3A_37 = arith.constant 1 : i32
      %scan3A_38 = scf.for %scan3A_41 = %scan3A_34 to %scan3A_36 step %scan3A_37 iter_args(%scan3A_42 = %scan3A_33) -> (i32)  : i32 {
        %get3A = arith.constant 0 : i32
        %get3A_43 = arith.index_cast %scan3A_41 : i32 to index
        %get3A_44 = arith.index_cast %get3A : i32 to index
        %get3A_45 = arith.constant 0 : index
        %get3A_46 = tpu.vector_load %arg8[%get3A_43, %get3A_44, %get3A_45] {strides = array<i32>} : memref<32x50x32xf32, #tpu.memory_space<vmem>>, vector<1x1x16xf32>,
        %get3A_47 = vector.shape_cast %get3A_46 : vector<1x1x16xf32> to vector<16xf32>
        %get3A_48 = arith.constant 0 : i32
        %get3A_49 = arith.index_cast %scan3A_41 : i32 to index
        %get3A_50 = arith.index_cast %get3A_48 : i32 to index
        %get3A_51 = arith.constant 16 : index
        %get3A_52 = tpu.vector_load %arg8[%get3A_49, %get3A_50, %get3A_51] {strides = array<i32>} : memref<32x50x32xf32, #tpu.memory_space<vmem>>, vector<1x1x16xf32>,
        %get3A_53 = vector.shape_cast %get3A_52 : vector<1x1x16xf32> to vector<16xf32>
        %get3A_54 = arith.constant 1 : i32
        %get3A_55 = arith.index_cast %scan3A_41 : i32 to index
        %get3A_56 = arith.index_cast %get3A_54 : i32 to index
        %get3A_57 = arith.constant 0 : index
        %get3A_58 = tpu.vector_load %arg8[%get3A_55, %get3A_56, %get3A_57] {strides = array<i32>} : memref<32x50x32xf32, #tpu.memory_space<vmem>>, vector<1x1x16xf32>,
        %get3A_59 = vector.shape_cast %get3A_58 : vector<1x1x16xf32> to vector<16xf32>
        %get3A_60 = arith.constant 1 : i32
        %get3A_61 = arith.index_cast %scan3A_41 : i32 to index
        %get3A_62 = arith.index_cast %get3A_60 : i32 to index
        %get3A_63 = arith.constant 16 : index
        %get3A_64 = tpu.vector_load %arg8[%get3A_61, %get3A_62, %get3A_63] {strides = array<i32>} : memref<32x50x32xf32, #tpu.memory_space<vmem>>, vector<1x1x16xf32>,
        %get3A_65 = vector.shape_cast %get3A_64 : vector<1x1x16xf32> to vector<16xf32>
        %get3A_66 = arith.constant 2 : i32
        %get3A_67 = arith.index_cast %scan3A_41 : i32 to index
        %get3A_68 = arith.index_cast %get3A_66 : i32 to index
        %get3A_69 = arith.constant 0 : index
        %get3A_70 = tpu.vector_load %arg8[%get3A_67, %get3A_68, %get3A_69] {strides = array<i32>} : memref<32x50x32xf32, #tpu.memory_space<vmem>>, vector<1x1x16xf32>,
        %get3A_71 = vector.shape_cast %get3A_70 : vector<1x1x16xf32> to vector<16xf32>
        %add3A_72 = arith.addf %get3A_47, %get3A_71 : vector<16xf32>
        %get3A_73 = arith.constant 2 : i32
        %get3A_74 = arith.index_cast %scan3A_41 : i32 to index
        %get3A_75 = arith.index_cast %get3A_73 : i32 to index
        %get3A_76 = arith.constant 16 : index
        %get3A_77 = tpu.vector_load %arg8[%get3A_74, %get3A_75, %get3A_76] {strides = array<i32>} : memref<32x50x32xf32, #tpu.memory_space<vmem>>, vector<1x1x16xf32>,
        %get3A_78 = vector.shape_cast %get3A_77 : vector<1x1x16xf32> to vector<16xf32>
        %add3A_79 = arith.addf %get3A_53, %get3A_78 : vector<16xf32>
        %get3A_80 = arith.constant 3 : i32
        %get3A_81 = arith.index_cast %scan3A_41 : i32 to index
        %get3A_82 = arith.index_cast %get3A_80 : i32 to index
        %get3A_83 = arith.constant 0 : index
        %get3A_84 = tpu.vector_load %arg8[%get3A_81, %get3A_82, %get3A_83] {strides = array<i32>} : memref<32x50x32xf32, #tpu.memory_space<vmem>>, vector<1x1x16xf32>,
        %get3A_85 = vector.shape_cast %get3A_84 : vector<1x1x16xf32> to vector<16xf32>
        %add3A_86 = arith.addf %get3A_59, %get3A_85 : vector<16xf32>
        %get3A_87 = arith.constant 3 : i32
        %get3A_88 = arith.index_cast %scan3A_41 : i32 to index
        %get3A_89 = arith.index_cast %get3A_87 : i32 to index
        %get3A_90 = arith.constant 16 : index
        %get3A_91 = tpu.vector_load %arg8[%get3A_88, %get3A_89, %get3A_90] {strides = array<i32>} : memref<32x50x32xf32, #tpu.memory_space<vmem>>, vector<1x1x16xf32>,
        %get3A_92 = vector.shape_cast %get3A_91 : vector<1x1x16xf32> to vector<16xf32>
        %add3A_93 = arith.addf %get3A_65, %get3A_92 : vector<16xf32>
        %get3A_94 = arith.constant 4 : i32
        %get3A_95 = arith.index_cast %scan3A_41 : i32 to index
        %get3A_96 = arith.index_cast %get3A_94 : i32 to index
        %get3A_97 = arith.constant 0 : index
        %get3A_98 = tpu.vector_load %arg8[%get3A_95, %get3A_96, %get3A_97] {strides = array<i32>} : memref<32x50x32xf32, #tpu.memory_space<vmem>>, vector<1x1x16xf32>,
        %get3A_99 = vector.shape_cast %get3A_98 : vector<1x1x16xf32> to vector<16xf32>
        %add3A_100 = arith.addf %add3A_72, %get3A_99 : vector<16xf32>
        %get3A_101 = arith.constant 4 : i32
        %get3A_102 = arith.index_cast %scan3A_41 : i32 to index
        %get3A_103 = arith.index_cast %get3A_101 : i32 to index
        %get3A_104 = arith.constant 16 : index
        %get3A_105 = tpu.vector_load %arg8[%get3A_102, %get3A_103, %get3A_104] {strides = array<i32>} : memref<32x50x32xf32, #tpu.memory_space<vmem>>, vector<1x1x16xf32>,
        %get3A_106 = vector.shape_cast %get3A_105 : vector<1x1x16xf32> to vector<16xf32>
        %add3A_107 = arith.addf %add3A_79, %get3A_106 : vector<16xf32>
        %get3A_108 = arith.constant 5 : i32
        %get3A_109 = arith.index_cast %scan3A_41 : i32 to index
        %get3A_110 = arith.index_cast %get3A_108 : i32 to index
        %get3A_111 = arith.constant 0 : index
        %get3A_112 = tpu.vector_load %arg8[%get3A_109, %get3A_110, %get3A_111] {strides = array<i32>} : memref<32x50x32xf32, #tpu.memory_space<vmem>>, vector<1x1x16xf32>,
        %get3A_113 = vector.shape_cast %get3A_112 : vector<1x1x16xf32> to vector<16xf32>
        %add3A_114 = arith.addf %add3A_86, %get3A_113 : vector<16xf32>
        %get3A_115 = arith.constant 5 : i32
        %get3A_116 = arith.index_cast %scan3A_41 : i32 to index
        %get3A_117 = arith.index_cast %get3A_115 : i32 to index
        %get3A_118 = arith.constant 16 : index
        %get3A_119 = tpu.vector_load %arg8[%get3A_116, %get3A_117, %get3A_118] {strides = array<i32>} : memref<32x50x32xf32, #tpu.memory_space<vmem>>, vector<1x1x16xf32>,
        %get3A_120 = vector.shape_cast %get3A_119 : vector<1x1x16xf32> to vector<16xf32>
        %add3A_121 = arith.addf %add3A_93, %get3A_120 : vector<16xf32>
        %get3A_122 = arith.constant 6 : i32
        %get3A_123 = arith.index_cast %scan3A_41 : i32 to index
        %get3A_124 = arith.index_cast %get3A_122 : i32 to index
        %get3A_125 = arith.constant 0 : index
        %get3A_126 = tpu.vector_load %arg8[%get3A_123, %get3A_124, %get3A_125] {strides = array<i32>} : memref<32x50x32xf32, #tpu.memory_space<vmem>>, vector<1x1x16xf32>,
        %get3A_127 = vector.shape_cast %get3A_126 : vector<1x1x16xf32> to vector<16xf32>
        %add3A_128 = arith.addf %add3A_100, %get3A_127 : vector<16xf32>
        %get3A_129 = arith.constant 6 : i32
        %get3A_130 = arith.index_cast %scan3A_41 : i32 to index
        %get3A_131 = arith.index_cast %get3A_129 : i32 to index
        %get3A_132 = arith.constant 16 : index
        %get3A_133 = tpu.vector_load %arg8[%get3A_130, %get3A_131, %get3A_132] {strides = array<i32>} : memref<32x50x32xf32, #tpu.memory_space<vmem>>, vector<1x1x16xf32>,
        %get3A_134 = vector.shape_cast %get3A_133 : vector<1x1x16xf32> to vector<16xf32>
        %add3A_135 = arith.addf %add3A_107, %get3A_134 : vector<16xf32>
        %get3A_136 = arith.constant 7 : i32
        %get3A_137 = arith.index_cast %scan3A_41 : i32 to index
        %get3A_138 = arith.index_cast %get3A_136 : i32 to index
        %get3A_139 = arith.constant 0 : index
        %get3A_140 = tpu.vector_load %arg8[%get3A_137, %get3A_138, %get3A_139] {strides = array<i32>} : memref<32x50x32xf32, #tpu.memory_space<vmem>>, vector<1x1x16xf32>,
        %get3A_141 = vector.shape_cast %get3A_140 : vector<1x1x16xf32> to vector<16xf32>
        %add3A_142 = arith.addf %add3A_114, %get3A_141 : vector<16xf32>
        %get3A_143 = arith.constant 7 : i32
        %get3A_144 = arith.index_cast %scan3A_41 : i32 to index
        %get3A_145 = arith.index_cast %get3A_143 : i32 to index
        %get3A_146 = arith.constant 16 : index
        %get3A_147 = tpu.vector_load %arg8[%get3A_144, %get3A_145, %get3A_146] {strides = array<i32>} : memref<32x50x32xf32, #tpu.memory_space<vmem>>, vector<1x1x16xf32>,
        %get3A_148 = vector.shape_cast %get3A_147 : vector<1x1x16xf32> to vector<16xf32>
        %add3A_149 = arith.addf %add3A_121, %get3A_148 : vector<16xf32>
        %get3A_150 = arith.constant 8 : i32
        %get3A_151 = arith.index_cast %scan3A_41 : i32 to index
        %get3A_152 = arith.index_cast %get3A_150 : i32 to index
        %get3A_153 = arith.constant 0 : index
        %get3A_154 = tpu.vector_load %arg8[%get3A_151, %get3A_152, %get3A_153] {strides = array<i32>} : memref<32x50x32xf32, #tpu.memory_space<vmem>>, vector<1x1x16xf32>,
        %get3A_155 = vector.shape_cast %get3A_154 : vector<1x1x16xf32> to vector<16xf32>
        %add3A_156 = arith.addf %add3A_128, %get3A_155 : vector<16xf32>
        %get3A_157 = arith.constant 8 : i32
        %get3A_158 = arith.index_cast %scan3A_41 : i32 to index
        %get3A_159 = arith.index_cast %get3A_157 : i32 to index
        %get3A_160 = arith.constant 16 : index
        %get3A_161 = tpu.vector_load %arg8[%get3A_158, %get3A_159, %get3A_160] {strides = array<i32>} : memref<32x50x32xf32, #tpu.memory_space<vmem>>, vector<1x1x16xf32>,
        %get3A_162 = vector.shape_cast %get3A_161 : vector<1x1x16xf32> to vector<16xf32>
        %add3A_163 = arith.addf %add3A_135, %get3A_162 : vector<16xf32>
        %get3A_164 = arith.constant 9 : i32
        %get3A_165 = arith.index_cast %scan3A_41 : i32 to index
        %get3A_166 = arith.index_cast %get3A_164 : i32 to index
        %get3A_167 = arith.constant 0 : index
        %get3A_168 = tpu.vector_load %arg8[%get3A_165, %get3A_166, %get3A_167] {strides = array<i32>} : memref<32x50x32xf32, #tpu.memory_space<vmem>>, vector<1x1x16xf32>,
        %get3A_169 = vector.shape_cast %get3A_168 : vector<1x1x16xf32> to vector<16xf32>
        %add3A_170 = arith.addf %add3A_142, %get3A_169 : vector<16xf32>
        %get3A_171 = arith.constant 9 : i32
        %get3A_172 = arith.index_cast %scan3A_41 : i32 to index
        %get3A_173 = arith.index_cast %get3A_171 : i32 to index
        %get3A_174 = arith.constant 16 : index
        %get3A_175 = tpu.vector_load %arg8[%get3A_172, %get3A_173, %get3A_174] {strides = array<i32>} : memref<32x50x32xf32, #tpu.memory_space<vmem>>, vector<1x1x16xf32>,
        %get3A_176 = vector.shape_cast %get3A_175 : vector<1x1x16xf32> to vector<16xf32>
        %add3A_177 = arith.addf %add3A_149, %get3A_176 : vector<16xf32>
        %get3A_178 = arith.constant 10 : i32
        %get3A_179 = arith.index_cast %scan3A_41 : i32 to index
        %get3A_180 = arith.index_cast %get3A_178 : i32 to index
        %get3A_181 = arith.constant 0 : index
        %get3A_182 = tpu.vector_load %arg8[%get3A_179, %get3A_180, %get3A_181] {strides = array<i32>} : memref<32x50x32xf32, #tpu.memory_space<vmem>>, vector<1x1x16xf32>,
        %get3A_183 = vector.shape_cast %get3A_182 : vector<1x1x16xf32> to vector<16xf32>
        %add3A_184 = arith.addf %add3A_156, %get3A_183 : vector<16xf32>
        %get3A_185 = arith.constant 10 : i32
        %get3A_186 = arith.index_cast %scan3A_41 : i32 to index
        %get3A_187 = arith.index_cast %get3A_185 : i32 to index
        %get3A_188 = arith.constant 16 : index
        %get3A_189 = tpu.vector_load %arg8[%get3A_186, %get3A_187, %get3A_188] {strides = array<i32>} : memref<32x50x32xf32, #tpu.memory_space<vmem>>, vector<1x1x16xf32>,
        %get3A_190 = vector.shape_cast %get3A_189 : vector<1x1x16xf32> to vector<16xf32>
        %add3A_191 = arith.addf %add3A_163, %get3A_190 : vector<16xf32>
        %get3A_192 = arith.constant 11 : i32
        %get3A_193 = arith.index_cast %scan3A_41 : i32 to index
        %get3A_194 = arith.index_cast %get3A_192 : i32 to index
        %get3A_195 = arith.constant 0 : index
        %get3A_196 = tpu.vector_load %arg8[%get3A_193, %get3A_194, %get3A_195] {strides = array<i32>} : memref<32x50x32xf32, #tpu.memory_space<vmem>>, vector<1x1x16xf32>,
        %get3A_197 = vector.shape_cast %get3A_196 : vector<1x1x16xf32> to vector<16xf32>
        %add3A_198 = arith.addf %add3A_170, %get3A_197 : vector<16xf32>
        %get3A_199 = arith.constant 11 : i32
        %get3A_200 = arith.index_cast %scan3A_41 : i32 to index
        %get3A_201 = arith.index_cast %get3A_199 : i32 to index
        %get3A_202 = arith.constant 16 : index
        %get3A_203 = tpu.vector_load %arg8[%get3A_200, %get3A_201, %get3A_202] {strides = array<i32>} : memref<32x50x32xf32, #tpu.memory_space<vmem>>, vector<1x1x16xf32>,
        %get3A_204 = vector.shape_cast %get3A_203 : vector<1x1x16xf32> to vector<16xf32>
        %add3A_205 = arith.addf %add3A_177, %get3A_204 : vector<16xf32>
        %get3A_206 = arith.constant 12 : i32
        %get3A_207 = arith.index_cast %scan3A_41 : i32 to index
        %get3A_208 = arith.index_cast %get3A_206 : i32 to index
        %get3A_209 = arith.constant 0 : index
        %get3A_210 = tpu.vector_load %arg8[%get3A_207, %get3A_208, %get3A_209] {strides = array<i32>} : memref<32x50x32xf32, #tpu.memory_space<vmem>>, vector<1x1x16xf32>,
        %get3A_211 = vector.shape_cast %get3A_210 : vector<1x1x16xf32> to vector<16xf32>
        %add3A_212 = arith.addf %add3A_184, %get3A_211 : vector<16xf32>
        %get3A_213 = arith.constant 12 : i32
        %get3A_214 = arith.index_cast %scan3A_41 : i32 to index
        %get3A_215 = arith.index_cast %get3A_213 : i32 to index
        %get3A_216 = arith.constant 16 : index
        %get3A_217 = tpu.vector_load %arg8[%get3A_214, %get3A_215, %get3A_216] {strides = array<i32>} : memref<32x50x32xf32, #tpu.memory_space<vmem>>, vector<1x1x16xf32>,
        %get3A_218 = vector.shape_cast %get3A_217 : vector<1x1x16xf32> to vector<16xf32>
        %add3A_219 = arith.addf %add3A_191, %get3A_218 : vector<16xf32>
        %get3A_220 = arith.constant 13 : i32
        %get3A_221 = arith.index_cast %scan3A_41 : i32 to index
        %get3A_222 = arith.index_cast %get3A_220 : i32 to index
        %get3A_223 = arith.constant 0 : index
        %get3A_224 = tpu.vector_load %arg8[%get3A_221, %get3A_222, %get3A_223] {strides = array<i32>} : memref<32x50x32xf32, #tpu.memory_space<vmem>>, vector<1x1x16xf32>,
        %get3A_225 = vector.shape_cast %get3A_224 : vector<1x1x16xf32> to vector<16xf32>
        %add3A_226 = arith.addf %add3A_198, %get3A_225 : vector<16xf32>
        %get3A_227 = arith.constant 13 : i32
        %get3A_228 = arith.index_cast %scan3A_41 : i32 to index
        %get3A_229 = arith.index_cast %get3A_227 : i32 to index
        %get3A_230 = arith.constant 16 : index
        %get3A_231 = tpu.vector_load %arg8[%get3A_228, %get3A_229, %get3A_230] {strides = array<i32>} : memref<32x50x32xf32, #tpu.memory_space<vmem>>, vector<1x1x16xf32>,
        %get3A_232 = vector.shape_cast %get3A_231 : vector<1x1x16xf32> to vector<16xf32>
        %add3A_233 = arith.addf %add3A_205, %get3A_232 : vector<16xf32>
        %get3A_234 = arith.constant 14 : i32
        %get3A_235 = arith.index_cast %scan3A_41 : i32 to index
        %get3A_236 = arith.index_cast %get3A_234 : i32 to index
        %get3A_237 = arith.constant 0 : index
        %get3A_238 = tpu.vector_load %arg8[%get3A_235, %get3A_236, %get3A_237] {strides = array<i32>} : memref<32x50x32xf32, #tpu.memory_space<vmem>>, vector<1x1x16xf32>,
        %get3A_239 = vector.shape_cast %get3A_238 : vector<1x1x16xf32> to vector<16xf32>
        %add3A_240 = arith.addf %add3A_212, %get3A_239 : vector<16xf32>
        %get3A_241 = arith.constant 14 : i32
        %get3A_242 = arith.index_cast %scan3A_41 : i32 to index
        %get3A_243 = arith.index_cast %get3A_241 : i32 to index
        %get3A_244 = arith.constant 16 : index
        %get3A_245 = tpu.vector_load %arg8[%get3A_242, %get3A_243, %get3A_244] {strides = array<i32>} : memref<32x50x32xf32, #tpu.memory_space<vmem>>, vector<1x1x16xf32>,
        %get3A_246 = vector.shape_cast %get3A_245 : vector<1x1x16xf32> to vector<16xf32>
        %add3A_247 = arith.addf %add3A_219, %get3A_246 : vector<16xf32>
        %get3A_248 = arith.constant 15 : i32
        %get3A_249 = arith.index_cast %scan3A_41 : i32 to index
        %get3A_250 = arith.index_cast %get3A_248 : i32 to index
        %get3A_251 = arith.constant 0 : index
        %get3A_252 = tpu.vector_load %arg8[%get3A_249, %get3A_250, %get3A_251] {strides = array<i32>} : memref<32x50x32xf32, #tpu.memory_space<vmem>>, vector<1x1x16xf32>,
        %get3A_253 = vector.shape_cast %get3A_252 : vector<1x1x16xf32> to vector<16xf32>
        %add3A_254 = arith.addf %add3A_226, %get3A_253 : vector<16xf32>
        %get3A_255 = arith.constant 15 : i32
        %get3A_256 = arith.index_cast %scan3A_41 : i32 to index
        %get3A_257 = arith.index_cast %get3A_255 : i32 to index
        %get3A_258 = arith.constant 16 : index
        %get3A_259 = tpu.vector_load %arg8[%get3A_256, %get3A_257, %get3A_258] {strides = array<i32>} : memref<32x50x32xf32, #tpu.memory_space<vmem>>, vector<1x1x16xf32>,
        %get3A_260 = vector.shape_cast %get3A_259 : vector<1x1x16xf32> to vector<16xf32>
        %add3A_261 = arith.addf %add3A_233, %get3A_260 : vector<16xf32>
        %get3A_262 = arith.constant 16 : i32
        %get3A_263 = arith.index_cast %scan3A_41 : i32 to index
        %get3A_264 = arith.index_cast %get3A_262 : i32 to index
        %get3A_265 = arith.constant 0 : index
        %get3A_266 = tpu.vector_load %arg8[%get3A_263, %get3A_264, %get3A_265] {strides = array<i32>} : memref<32x50x32xf32, #tpu.memory_space<vmem>>, vector<1x1x16xf32>,
        %get3A_267 = vector.shape_cast %get3A_266 : vector<1x1x16xf32> to vector<16xf32>
        %add3A_268 = arith.addf %add3A_240, %get3A_267 : vector<16xf32>
        %get3A_269 = arith.constant 16 : i32
        %get3A_270 = arith.index_cast %scan3A_41 : i32 to index
        %get3A_271 = arith.index_cast %get3A_269 : i32 to index
        %get3A_272 = arith.constant 16 : index
        %get3A_273 = tpu.vector_load %arg8[%get3A_270, %get3A_271, %get3A_272] {strides = array<i32>} : memref<32x50x32xf32, #tpu.memory_space<vmem>>, vector<1x1x16xf32>,
        %get3A_274 = vector.shape_cast %get3A_273 : vector<1x1x16xf32> to vector<16xf32>
        %add3A_275 = arith.addf %add3A_247, %get3A_274 : vector<16xf32>
        %get3A_276 = arith.constant 17 : i32
        %get3A_277 = arith.index_cast %scan3A_41 : i32 to index
        %get3A_278 = arith.index_cast %get3A_276 : i32 to index
        %get3A_279 = arith.constant 0 : index
        %get3A_280 = tpu.vector_load %arg8[%get3A_277, %get3A_278, %get3A_279] {strides = array<i32>} : memref<32x50x32xf32, #tpu.memory_space<vmem>>, vector<1x1x16xf32>,
        %get3A_281 = vector.shape_cast %get3A_280 : vector<1x1x16xf32> to vector<16xf32>
        %add3A_282 = arith.addf %add3A_254, %get3A_281 : vector<16xf32>
        %get3A_283 = arith.constant 17 : i32
        %get3A_284 = arith.index_cast %scan3A_41 : i32 to index
        %get3A_285 = arith.index_cast %get3A_283 : i32 to index
        %get3A_286 = arith.constant 16 : index
        %get3A_287 = tpu.vector_load %arg8[%get3A_284, %get3A_285, %get3A_286] {strides = array<i32>} : memref<32x50x32xf32, #tpu.memory_space<vmem>>, vector<1x1x16xf32>,
        %get3A_288 = vector.shape_cast %get3A_287 : vector<1x1x16xf32> to vector<16xf32>
        %add3A_289 = arith.addf %add3A_261, %get3A_288 : vector<16xf32>
        %get3A_290 = arith.constant 18 : i32
        %get3A_291 = arith.index_cast %scan3A_41 : i32 to index
        %get3A_292 = arith.index_cast %get3A_290 : i32 to index
        %get3A_293 = arith.constant 0 : index
        %get3A_294 = tpu.vector_load %arg8[%get3A_291, %get3A_292, %get3A_293] {strides = array<i32>} : memref<32x50x32xf32, #tpu.memory_space<vmem>>, vector<1x1x16xf32>,
        %get3A_295 = vector.shape_cast %get3A_294 : vector<1x1x16xf32> to vector<16xf32>
        %add3A_296 = arith.addf %add3A_268, %get3A_295 : vector<16xf32>
        %get3A_297 = arith.constant 18 : i32
        %get3A_298 = arith.index_cast %scan3A_41 : i32 to index
        %get3A_299 = arith.index_cast %get3A_297 : i32 to index
        %get3A_300 = arith.constant 16 : index
        %get3A_301 = tpu.vector_load %arg8[%get3A_298, %get3A_299, %get3A_300] {strides = array<i32>} : memref<32x50x32xf32, #tpu.memory_space<vmem>>, vector<1x1x16xf32>,
        %get3A_302 = vector.shape_cast %get3A_301 : vector<1x1x16xf32> to vector<16xf32>
        %add3A_303 = arith.addf %add3A_275, %get3A_302 : vector<16xf32>
        %get3A_304 = arith.constant 19 : i32
        %get3A_305 = arith.index_cast %scan3A_41 : i32 to index
        %get3A_306 = arith.index_cast %get3A_304 : i32 to index
        %get3A_307 = arith.constant 0 : index
        %get3A_308 = tpu.vector_load %arg8[%get3A_305, %get3A_306, %get3A_307] {strides = array<i32>} : memref<32x50x32xf32, #tpu.memory_space<vmem>>, vector<1x1x16xf32>,
        %get3A_309 = vector.shape_cast %get3A_308 : vector<1x1x16xf32> to vector<16xf32>
        %add3A_310 = arith.addf %add3A_282, %get3A_309 : vector<16xf32>
        %get3A_311 = arith.constant 19 : i32
        %get3A_312 = arith.index_cast %scan3A_41 : i32 to index
        %get3A_313 = arith.index_cast %get3A_311 : i32 to index
        %get3A_314 = arith.constant 16 : index
        %get3A_315 = tpu.vector_load %arg8[%get3A_312, %get3A_313, %get3A_314] {strides = array<i32>} : memref<32x50x32xf32, #tpu.memory_space<vmem>>, vector<1x1x16xf32>,
        %get3A_316 = vector.shape_cast %get3A_315 : vector<1x1x16xf32> to vector<16xf32>
        %add3A_317 = arith.addf %add3A_289, %get3A_316 : vector<16xf32>
        %get3A_318 = arith.constant 20 : i32
        %get3A_319 = arith.index_cast %scan3A_41 : i32 to index
        %get3A_320 = arith.index_cast %get3A_318 : i32 to index
        %get3A_321 = arith.constant 0 : index
        %get3A_322 = tpu.vector_load %arg8[%get3A_319, %get3A_320, %get3A_321] {strides = array<i32>} : memref<32x50x32xf32, #tpu.memory_space<vmem>>, vector<1x1x16xf32>,
        %get3A_323 = vector.shape_cast %get3A_322 : vector<1x1x16xf32> to vector<16xf32>
        %add3A_324 = arith.addf %add3A_296, %get3A_323 : vector<16xf32>
        %get3A_325 = arith.constant 20 : i32
        %get3A_326 = arith.index_cast %scan3A_41 : i32 to index
        %get3A_327 = arith.index_cast %get3A_325 : i32 to index
        %get3A_328 = arith.constant 16 : index
        %get3A_329 = tpu.vector_load %arg8[%get3A_326, %get3A_327, %get3A_328] {strides = array<i32>} : memref<32x50x32xf32, #tpu.memory_space<vmem>>, vector<1x1x16xf32>,
        %get3A_330 = vector.shape_cast %get3A_329 : vector<1x1x16xf32> to vector<16xf32>
        %add3A_331 = arith.addf %add3A_303, %get3A_330 : vector<16xf32>
        %get3A_332 = arith.constant 21 : i32
        %get3A_333 = arith.index_cast %scan3A_41 : i32 to index
        %get3A_334 = arith.index_cast %get3A_332 : i32 to index
        %get3A_335 = arith.constant 0 : index
        %get3A_336 = tpu.vector_load %arg8[%get3A_333, %get3A_334, %get3A_335] {strides = array<i32>} : memref<32x50x32xf32, #tpu.memory_space<vmem>>, vector<1x1x16xf32>,
        %get3A_337 = vector.shape_cast %get3A_336 : vector<1x1x16xf32> to vector<16xf32>
        %add3A_338 = arith.addf %add3A_310, %get3A_337 : vector<16xf32>
        %get3A_339 = arith.constant 21 : i32
        %get3A_340 = arith.index_cast %scan3A_41 : i32 to index
        %get3A_341 = arith.index_cast %get3A_339 : i32 to index
        %get3A_342 = arith.constant 16 : index
        %get3A_343 = tpu.vector_load %arg8[%get3A_340, %get3A_341, %get3A_342] {strides = array<i32>} : memref<32x50x32xf32, #tpu.memory_space<vmem>>, vector<1x1x16xf32>,
        %get3A_344 = vector.shape_cast %get3A_343 : vector<1x1x16xf32> to vector<16xf32>
        %add3A_345 = arith.addf %add3A_317, %get3A_344 : vector<16xf32>
        %get3A_346 = arith.constant 22 : i32
        %get3A_347 = arith.index_cast %scan3A_41 : i32 to index
        %get3A_348 = arith.index_cast %get3A_346 : i32 to index
        %get3A_349 = arith.constant 0 : index
        %get3A_350 = tpu.vector_load %arg8[%get3A_347, %get3A_348, %get3A_349] {strides = array<i32>} : memref<32x50x32xf32, #tpu.memory_space<vmem>>, vector<1x1x16xf32>,
        %get3A_351 = vector.shape_cast %get3A_350 : vector<1x1x16xf32> to vector<16xf32>
        %add3A_352 = arith.addf %add3A_324, %get3A_351 : vector<16xf32>
        %get3A_353 = arith.constant 22 : i32
        %get3A_354 = arith.index_cast %scan3A_41 : i32 to index
        %get3A_355 = arith.index_cast %get3A_353 : i32 to index
        %get3A_356 = arith.constant 16 : index
        %get3A_357 = tpu.vector_load %arg8[%get3A_354, %get3A_355, %get3A_356] {strides = array<i32>} : memref<32x50x32xf32, #tpu.memory_space<vmem>>, vector<1x1x16xf32>,
        %get3A_358 = vector.shape_cast %get3A_357 : vector<1x1x16xf32> to vector<16xf32>
        %add3A_359 = arith.addf %add3A_331, %get3A_358 : vector<16xf32>
        %get3A_360 = arith.constant 23 : i32
        %get3A_361 = arith.index_cast %scan3A_41 : i32 to index
        %get3A_362 = arith.index_cast %get3A_360 : i32 to index
        %get3A_363 = arith.constant 0 : index
        %get3A_364 = tpu.vector_load %arg8[%get3A_361, %get3A_362, %get3A_363] {strides = array<i32>} : memref<32x50x32xf32, #tpu.memory_space<vmem>>, vector<1x1x16xf32>,
        %get3A_365 = vector.shape_cast %get3A_364 : vector<1x1x16xf32> to vector<16xf32>
        %add3A_366 = arith.addf %add3A_338, %get3A_365 : vector<16xf32>
        %get3A_367 = arith.constant 23 : i32
        %get3A_368 = arith.index_cast %scan3A_41 : i32 to index
        %get3A_369 = arith.index_cast %get3A_367 : i32 to index
        %get3A_370 = arith.constant 16 : index
        %get3A_371 = tpu.vector_load %arg8[%get3A_368, %get3A_369, %get3A_370] {strides = array<i32>} : memref<32x50x32xf32, #tpu.memory_space<vmem>>, vector<1x1x16xf32>,
        %get3A_372 = vector.shape_cast %get3A_371 : vector<1x1x16xf32> to vector<16xf32>
        %add3A_373 = arith.addf %add3A_345, %get3A_372 : vector<16xf32>
        %get3A_374 = arith.constant 24 : i32
        %get3A_375 = arith.index_cast %scan3A_41 : i32 to index
        %get3A_376 = arith.index_cast %get3A_374 : i32 to index
        %get3A_377 = arith.constant 0 : index
        %get3A_378 = tpu.vector_load %arg8[%get3A_375, %get3A_376, %get3A_377] {strides = array<i32>} : memref<32x50x32xf32, #tpu.memory_space<vmem>>, vector<1x1x16xf32>,
        %get3A_379 = vector.shape_cast %get3A_378 : vector<1x1x16xf32> to vector<16xf32>
        %add3A_380 = arith.addf %add3A_352, %get3A_379 : vector<16xf32>
        %get3A_381 = arith.constant 24 : i32
        %get3A_382 = arith.index_cast %scan3A_41 : i32 to index
        %get3A_383 = arith.index_cast %get3A_381 : i32 to index
        %get3A_384 = arith.constant 16 : index
        %get3A_385 = tpu.vector_load %arg8[%get3A_382, %get3A_383, %get3A_384] {strides = array<i32>} : memref<32x50x32xf32, #tpu.memory_space<vmem>>, vector<1x1x16xf32>,
        %get3A_386 = vector.shape_cast %get3A_385 : vector<1x1x16xf32> to vector<16xf32>
        %add3A_387 = arith.addf %add3A_359, %get3A_386 : vector<16xf32>
        %get3A_388 = arith.constant 25 : i32
        %get3A_389 = arith.index_cast %scan3A_41 : i32 to index
        %get3A_390 = arith.index_cast %get3A_388 : i32 to index
        %get3A_391 = arith.constant 0 : index
        %get3A_392 = tpu.vector_load %arg8[%get3A_389, %get3A_390, %get3A_391] {strides = array<i32>} : memref<32x50x32xf32, #tpu.memory_space<vmem>>, vector<1x1x16xf32>,
        %get3A_393 = vector.shape_cast %get3A_392 : vector<1x1x16xf32> to vector<16xf32>
        %add3A_394 = arith.addf %add3A_366, %get3A_393 : vector<16xf32>
        %get3A_395 = arith.constant 25 : i32
        %get3A_396 = arith.index_cast %scan3A_41 : i32 to index
        %get3A_397 = arith.index_cast %get3A_395 : i32 to index
        %get3A_398 = arith.constant 16 : index
        %get3A_399 = tpu.vector_load %arg8[%get3A_396, %get3A_397, %get3A_398] {strides = array<i32>} : memref<32x50x32xf32, #tpu.memory_space<vmem>>, vector<1x1x16xf32>,
        %get3A_400 = vector.shape_cast %get3A_399 : vector<1x1x16xf32> to vector<16xf32>
        %add3A_401 = arith.addf %add3A_373, %get3A_400 : vector<16xf32>
        %get3A_402 = arith.constant 26 : i32
        %get3A_403 = arith.index_cast %scan3A_41 : i32 to index
        %get3A_404 = arith.index_cast %get3A_402 : i32 to index
        %get3A_405 = arith.constant 0 : index
        %get3A_406 = tpu.vector_load %arg8[%get3A_403, %get3A_404, %get3A_405] {strides = array<i32>} : memref<32x50x32xf32, #tpu.memory_space<vmem>>, vector<1x1x16xf32>,
        %get3A_407 = vector.shape_cast %get3A_406 : vector<1x1x16xf32> to vector<16xf32>
        %add3A_408 = arith.addf %add3A_380, %get3A_407 : vector<16xf32>
        %get3A_409 = arith.constant 26 : i32
        %get3A_410 = arith.index_cast %scan3A_41 : i32 to index
        %get3A_411 = arith.index_cast %get3A_409 : i32 to index
        %get3A_412 = arith.constant 16 : index
        %get3A_413 = tpu.vector_load %arg8[%get3A_410, %get3A_411, %get3A_412] {strides = array<i32>} : memref<32x50x32xf32, #tpu.memory_space<vmem>>, vector<1x1x16xf32>,
        %get3A_414 = vector.shape_cast %get3A_413 : vector<1x1x16xf32> to vector<16xf32>
        %add3A_415 = arith.addf %add3A_387, %get3A_414 : vector<16xf32>
        %get3A_416 = arith.constant 27 : i32
        %get3A_417 = arith.index_cast %scan3A_41 : i32 to index
        %get3A_418 = arith.index_cast %get3A_416 : i32 to index
        %get3A_419 = arith.constant 0 : index
        %get3A_420 = tpu.vector_load %arg8[%get3A_417, %get3A_418, %get3A_419] {strides = array<i32>} : memref<32x50x32xf32, #tpu.memory_space<vmem>>, vector<1x1x16xf32>,
        %get3A_421 = vector.shape_cast %get3A_420 : vector<1x1x16xf32> to vector<16xf32>
        %add3A_422 = arith.addf %add3A_394, %get3A_421 : vector<16xf32>
        %get3A_423 = arith.constant 27 : i32
        %get3A_424 = arith.index_cast %scan3A_41 : i32 to index
        %get3A_425 = arith.index_cast %get3A_423 : i32 to index
        %get3A_426 = arith.constant 16 : index
        %get3A_427 = tpu.vector_load %arg8[%get3A_424, %get3A_425, %get3A_426] {strides = array<i32>} : memref<32x50x32xf32, #tpu.memory_space<vmem>>, vector<1x1x16xf32>,
        %get3A_428 = vector.shape_cast %get3A_427 : vector<1x1x16xf32> to vector<16xf32>
        %add3A_429 = arith.addf %add3A_401, %get3A_428 : vector<16xf32>
        %get3A_430 = arith.constant 28 : i32
        %get3A_431 = arith.index_cast %scan3A_41 : i32 to index
        %get3A_432 = arith.index_cast %get3A_430 : i32 to index
        %get3A_433 = arith.constant 0 : index
        %get3A_434 = tpu.vector_load %arg8[%get3A_431, %get3A_432, %get3A_433] {strides = array<i32>} : memref<32x50x32xf32, #tpu.memory_space<vmem>>, vector<1x1x16xf32>,
        %get3A_435 = vector.shape_cast %get3A_434 : vector<1x1x16xf32> to vector<16xf32>
        %add3A_436 = arith.addf %add3A_408, %get3A_435 : vector<16xf32>
        %get3A_437 = arith.constant 28 : i32
        %get3A_438 = arith.index_cast %scan3A_41 : i32 to index
        %get3A_439 = arith.index_cast %get3A_437 : i32 to index
        %get3A_440 = arith.constant 16 : index
        %get3A_441 = tpu.vector_load %arg8[%get3A_438, %get3A_439, %get3A_440] {strides = array<i32>} : memref<32x50x32xf32, #tpu.memory_space<vmem>>, vector<1x1x16xf32>,
        %get3A_442 = vector.shape_cast %get3A_441 : vector<1x1x16xf32> to vector<16xf32>
        %add3A_443 = arith.addf %add3A_415, %get3A_442 : vector<16xf32>
        %get3A_444 = arith.constant 29 : i32
        %get3A_445 = arith.index_cast %scan3A_41 : i32 to index
        %get3A_446 = arith.index_cast %get3A_444 : i32 to index
        %get3A_447 = arith.constant 0 : index
        %get3A_448 = tpu.vector_load %arg8[%get3A_445, %get3A_446, %get3A_447] {strides = array<i32>} : memref<32x50x32xf32, #tpu.memory_space<vmem>>, vector<1x1x16xf32>,
        %get3A_449 = vector.shape_cast %get3A_448 : vector<1x1x16xf32> to vector<16xf32>
        %add3A_450 = arith.addf %add3A_422, %get3A_449 : vector<16xf32>
        %get3A_451 = arith.constant 29 : i32
        %get3A_452 = arith.index_cast %scan3A_41 : i32 to index
        %get3A_453 = arith.index_cast %get3A_451 : i32 to index
        %get3A_454 = arith.constant 16 : index
        %get3A_455 = tpu.vector_load %arg8[%get3A_452, %get3A_453, %get3A_454] {strides = array<i32>} : memref<32x50x32xf32, #tpu.memory_space<vmem>>, vector<1x1x16xf32>,
        %get3A_456 = vector.shape_cast %get3A_455 : vector<1x1x16xf32> to vector<16xf32>
        %add3A_457 = arith.addf %add3A_429, %get3A_456 : vector<16xf32>
        %get3A_458 = arith.constant 30 : i32
        %get3A_459 = arith.index_cast %scan3A_41 : i32 to index
        %get3A_460 = arith.index_cast %get3A_458 : i32 to index
        %get3A_461 = arith.constant 0 : index
        %get3A_462 = tpu.vector_load %arg8[%get3A_459, %get3A_460, %get3A_461] {strides = array<i32>} : memref<32x50x32xf32, #tpu.memory_space<vmem>>, vector<1x1x16xf32>,
        %get3A_463 = vector.shape_cast %get3A_462 : vector<1x1x16xf32> to vector<16xf32>
        %add3A_464 = arith.addf %add3A_436, %get3A_463 : vector<16xf32>
        %get3A_465 = arith.constant 30 : i32
        %get3A_466 = arith.index_cast %scan3A_41 : i32 to index
        %get3A_467 = arith.index_cast %get3A_465 : i32 to index
        %get3A_468 = arith.constant 16 : index
        %get3A_469 = tpu.vector_load %arg8[%get3A_466, %get3A_467, %get3A_468] {strides = array<i32>} : memref<32x50x32xf32, #tpu.memory_space<vmem>>, vector<1x1x16xf32>,
        %get3A_470 = vector.shape_cast %get3A_469 : vector<1x1x16xf32> to vector<16xf32>
        %add3A_471 = arith.addf %add3A_443, %get3A_470 : vector<16xf32>
        %get3A_472 = arith.constant 31 : i32
        %get3A_473 = arith.index_cast %scan3A_41 : i32 to index
        %get3A_474 = arith.index_cast %get3A_472 : i32 to index
        %get3A_475 = arith.constant 0 : index
        %get3A_476 = tpu.vector_load %arg8[%get3A_473, %get3A_474, %get3A_475] {strides = array<i32>} : memref<32x50x32xf32, #tpu.memory_space<vmem>>, vector<1x1x16xf32>,
        %get3A_477 = vector.shape_cast %get3A_476 : vector<1x1x16xf32> to vector<16xf32>
        %add3A_478 = arith.addf %add3A_450, %get3A_477 : vector<16xf32>
        %get3A_479 = arith.constant 31 : i32
        %get3A_480 = arith.index_cast %scan3A_41 : i32 to index
        %get3A_481 = arith.index_cast %get3A_479 : i32 to index
        %get3A_482 = arith.constant 16 : index
        %get3A_483 = tpu.vector_load %arg8[%get3A_480, %get3A_481, %get3A_482] {strides = array<i32>} : memref<32x50x32xf32, #tpu.memory_space<vmem>>, vector<1x1x16xf32>,
        %get3A_484 = vector.shape_cast %get3A_483 : vector<1x1x16xf32> to vector<16xf32>
        %add3A_485 = arith.addf %add3A_457, %get3A_484 : vector<16xf32>
        %get3A_486 = arith.constant 32 : i32
        %get3A_487 = arith.index_cast %scan3A_41 : i32 to index
        %get3A_488 = arith.index_cast %get3A_486 : i32 to index
        %get3A_489 = arith.constant 0 : index
        %get3A_490 = tpu.vector_load %arg8[%get3A_487, %get3A_488, %get3A_489] {strides = array<i32>} : memref<32x50x32xf32, #tpu.memory_space<vmem>>, vector<1x1x16xf32>,
        %get3A_491 = vector.shape_cast %get3A_490 : vector<1x1x16xf32> to vector<16xf32>
        %add3A_492 = arith.addf %add3A_464, %get3A_491 : vector<16xf32>
        %get3A_493 = arith.constant 32 : i32
        %get3A_494 = arith.index_cast %scan3A_41 : i32 to index
        %get3A_495 = arith.index_cast %get3A_493 : i32 to index
        %get3A_496 = arith.constant 16 : index
        %get3A_497 = tpu.vector_load %arg8[%get3A_494, %get3A_495, %get3A_496] {strides = array<i32>} : memref<32x50x32xf32, #tpu.memory_space<vmem>>, vector<1x1x16xf32>,
        %get3A_498 = vector.shape_cast %get3A_497 : vector<1x1x16xf32> to vector<16xf32>
        %add3A_499 = arith.addf %add3A_471, %get3A_498 : vector<16xf32>
        %get3A_500 = arith.constant 33 : i32
        %get3A_501 = arith.index_cast %scan3A_41 : i32 to index
        %get3A_502 = arith.index_cast %get3A_500 : i32 to index
        %get3A_503 = arith.constant 0 : index
        %get3A_504 = tpu.vector_load %arg8[%get3A_501, %get3A_502, %get3A_503] {strides = array<i32>} : memref<32x50x32xf32, #tpu.memory_space<vmem>>, vector<1x1x16xf32>,
        %get3A_505 = vector.shape_cast %get3A_504 : vector<1x1x16xf32> to vector<16xf32>
        %add3A_506 = arith.addf %add3A_478, %get3A_505 : vector<16xf32>
        %get3A_507 = arith.constant 33 : i32
        %get3A_508 = arith.index_cast %scan3A_41 : i32 to index
        %get3A_509 = arith.index_cast %get3A_507 : i32 to index
        %get3A_510 = arith.constant 16 : index
        %get3A_511 = tpu.vector_load %arg8[%get3A_508, %get3A_509, %get3A_510] {strides = array<i32>} : memref<32x50x32xf32, #tpu.memory_space<vmem>>, vector<1x1x16xf32>,
        %get3A_512 = vector.shape_cast %get3A_511 : vector<1x1x16xf32> to vector<16xf32>
        %add3A_513 = arith.addf %add3A_485, %get3A_512 : vector<16xf32>
        %get3A_514 = arith.constant 34 : i32
        %get3A_515 = arith.index_cast %scan3A_41 : i32 to index
        %get3A_516 = arith.index_cast %get3A_514 : i32 to index
        %get3A_517 = arith.constant 0 : index
        %get3A_518 = tpu.vector_load %arg8[%get3A_515, %get3A_516, %get3A_517] {strides = array<i32>} : memref<32x50x32xf32, #tpu.memory_space<vmem>>, vector<1x1x16xf32>,
        %get3A_519 = vector.shape_cast %get3A_518 : vector<1x1x16xf32> to vector<16xf32>
        %add3A_520 = arith.addf %add3A_492, %get3A_519 : vector<16xf32>
        %get3A_521 = arith.constant 34 : i32
        %get3A_522 = arith.index_cast %scan3A_41 : i32 to index
        %get3A_523 = arith.index_cast %get3A_521 : i32 to index
        %get3A_524 = arith.constant 16 : index
        %get3A_525 = tpu.vector_load %arg8[%get3A_522, %get3A_523, %get3A_524] {strides = array<i32>} : memref<32x50x32xf32, #tpu.memory_space<vmem>>, vector<1x1x16xf32>,
        %get3A_526 = vector.shape_cast %get3A_525 : vector<1x1x16xf32> to vector<16xf32>
        %add3A_527 = arith.addf %add3A_499, %get3A_526 : vector<16xf32>
        %get3A_528 = arith.constant 35 : i32
        %get3A_529 = arith.index_cast %scan3A_41 : i32 to index
        %get3A_530 = arith.index_cast %get3A_528 : i32 to index
        %get3A_531 = arith.constant 0 : index
        %get3A_532 = tpu.vector_load %arg8[%get3A_529, %get3A_530, %get3A_531] {strides = array<i32>} : memref<32x50x32xf32, #tpu.memory_space<vmem>>, vector<1x1x16xf32>,
        %get3A_533 = vector.shape_cast %get3A_532 : vector<1x1x16xf32> to vector<16xf32>
        %add3A_534 = arith.addf %add3A_506, %get3A_533 : vector<16xf32>
        %get3A_535 = arith.constant 35 : i32
        %get3A_536 = arith.index_cast %scan3A_41 : i32 to index
        %get3A_537 = arith.index_cast %get3A_535 : i32 to index
        %get3A_538 = arith.constant 16 : index
        %get3A_539 = tpu.vector_load %arg8[%get3A_536, %get3A_537, %get3A_538] {strides = array<i32>} : memref<32x50x32xf32, #tpu.memory_space<vmem>>, vector<1x1x16xf32>,
        %get3A_540 = vector.shape_cast %get3A_539 : vector<1x1x16xf32> to vector<16xf32>
        %add3A_541 = arith.addf %add3A_513, %get3A_540 : vector<16xf32>
        %get3A_542 = arith.constant 36 : i32
        %get3A_543 = arith.index_cast %scan3A_41 : i32 to index
        %get3A_544 = arith.index_cast %get3A_542 : i32 to index
        %get3A_545 = arith.constant 0 : index
        %get3A_546 = tpu.vector_load %arg8[%get3A_543, %get3A_544, %get3A_545] {strides = array<i32>} : memref<32x50x32xf32, #tpu.memory_space<vmem>>, vector<1x1x16xf32>,
        %get3A_547 = vector.shape_cast %get3A_546 : vector<1x1x16xf32> to vector<16xf32>
        %add3A_548 = arith.addf %add3A_520, %get3A_547 : vector<16xf32>
        %get3A_549 = arith.constant 36 : i32
        %get3A_550 = arith.index_cast %scan3A_41 : i32 to index
        %get3A_551 = arith.index_cast %get3A_549 : i32 to index
        %get3A_552 = arith.constant 16 : index
        %get3A_553 = tpu.vector_load %arg8[%get3A_550, %get3A_551, %get3A_552] {strides = array<i32>} : memref<32x50x32xf32, #tpu.memory_space<vmem>>, vector<1x1x16xf32>,
        %get3A_554 = vector.shape_cast %get3A_553 : vector<1x1x16xf32> to vector<16xf32>
        %add3A_555 = arith.addf %add3A_527, %get3A_554 : vector<16xf32>
        %get3A_556 = arith.constant 37 : i32
        %get3A_557 = arith.index_cast %scan3A_41 : i32 to index
        %get3A_558 = arith.index_cast %get3A_556 : i32 to index
        %get3A_559 = arith.constant 0 : index
        %get3A_560 = tpu.vector_load %arg8[%get3A_557, %get3A_558, %get3A_559] {strides = array<i32>} : memref<32x50x32xf32, #tpu.memory_space<vmem>>, vector<1x1x16xf32>,
        %get3A_561 = vector.shape_cast %get3A_560 : vector<1x1x16xf32> to vector<16xf32>
        %add3A_562 = arith.addf %add3A_534, %get3A_561 : vector<16xf32>
        %get3A_563 = arith.constant 37 : i32
        %get3A_564 = arith.index_cast %scan3A_41 : i32 to index
        %get3A_565 = arith.index_cast %get3A_563 : i32 to index
        %get3A_566 = arith.constant 16 : index
        %get3A_567 = tpu.vector_load %arg8[%get3A_564, %get3A_565, %get3A_566] {strides = array<i32>} : memref<32x50x32xf32, #tpu.memory_space<vmem>>, vector<1x1x16xf32>,
        %get3A_568 = vector.shape_cast %get3A_567 : vector<1x1x16xf32> to vector<16xf32>
        %add3A_569 = arith.addf %add3A_541, %get3A_568 : vector<16xf32>
        %get3A_570 = arith.constant 38 : i32
        %get3A_571 = arith.index_cast %scan3A_41 : i32 to index
        %get3A_572 = arith.index_cast %get3A_570 : i32 to index
        %get3A_573 = arith.constant 0 : index
        %get3A_574 = tpu.vector_load %arg8[%get3A_571, %get3A_572, %get3A_573] {strides = array<i32>} : memref<32x50x32xf32, #tpu.memory_space<vmem>>, vector<1x1x16xf32>,
        %get3A_575 = vector.shape_cast %get3A_574 : vector<1x1x16xf32> to vector<16xf32>
        %add3A_576 = arith.addf %add3A_548, %get3A_575 : vector<16xf32>
        %get3A_577 = arith.constant 38 : i32
        %get3A_578 = arith.index_cast %scan3A_41 : i32 to index
        %get3A_579 = arith.index_cast %get3A_577 : i32 to index
        %get3A_580 = arith.constant 16 : index
        %get3A_581 = tpu.vector_load %arg8[%get3A_578, %get3A_579, %get3A_580] {strides = array<i32>} : memref<32x50x32xf32, #tpu.memory_space<vmem>>, vector<1x1x16xf32>,
        %get3A_582 = vector.shape_cast %get3A_581 : vector<1x1x16xf32> to vector<16xf32>
        %add3A_583 = arith.addf %add3A_555, %get3A_582 : vector<16xf32>
        %get3A_584 = arith.constant 39 : i32
        %get3A_585 = arith.index_cast %scan3A_41 : i32 to index
        %get3A_586 = arith.index_cast %get3A_584 : i32 to index
        %get3A_587 = arith.constant 0 : index
        %get3A_588 = tpu.vector_load %arg8[%get3A_585, %get3A_586, %get3A_587] {strides = array<i32>} : memref<32x50x32xf32, #tpu.memory_space<vmem>>, vector<1x1x16xf32>,
        %get3A_589 = vector.shape_cast %get3A_588 : vector<1x1x16xf32> to vector<16xf32>
        %add3A_590 = arith.addf %add3A_562, %get3A_589 : vector<16xf32>
        %get3A_591 = arith.constant 39 : i32
        %get3A_592 = arith.index_cast %scan3A_41 : i32 to index
        %get3A_593 = arith.index_cast %get3A_591 : i32 to index
        %get3A_594 = arith.constant 16 : index
        %get3A_595 = tpu.vector_load %arg8[%get3A_592, %get3A_593, %get3A_594] {strides = array<i32>} : memref<32x50x32xf32, #tpu.memory_space<vmem>>, vector<1x1x16xf32>,
        %get3A_596 = vector.shape_cast %get3A_595 : vector<1x1x16xf32> to vector<16xf32>
        %add3A_597 = arith.addf %add3A_569, %get3A_596 : vector<16xf32>
        %get3A_598 = arith.constant 40 : i32
        %get3A_599 = arith.index_cast %scan3A_41 : i32 to index
        %get3A_600 = arith.index_cast %get3A_598 : i32 to index
        %get3A_601 = arith.constant 0 : index
        %get3A_602 = tpu.vector_load %arg8[%get3A_599, %get3A_600, %get3A_601] {strides = array<i32>} : memref<32x50x32xf32, #tpu.memory_space<vmem>>, vector<1x1x16xf32>,
        %get3A_603 = vector.shape_cast %get3A_602 : vector<1x1x16xf32> to vector<16xf32>
        %add3A_604 = arith.addf %add3A_576, %get3A_603 : vector<16xf32>
        %get3A_605 = arith.constant 40 : i32
        %get3A_606 = arith.index_cast %scan3A_41 : i32 to index
        %get3A_607 = arith.index_cast %get3A_605 : i32 to index
        %get3A_608 = arith.constant 16 : index
        %get3A_609 = tpu.vector_load %arg8[%get3A_606, %get3A_607, %get3A_608] {strides = array<i32>} : memref<32x50x32xf32, #tpu.memory_space<vmem>>, vector<1x1x16xf32>,
        %get3A_610 = vector.shape_cast %get3A_609 : vector<1x1x16xf32> to vector<16xf32>
        %add3A_611 = arith.addf %add3A_583, %get3A_610 : vector<16xf32>
        %get3A_612 = arith.constant 41 : i32
        %get3A_613 = arith.index_cast %scan3A_41 : i32 to index
        %get3A_614 = arith.index_cast %get3A_612 : i32 to index
        %get3A_615 = arith.constant 0 : index
        %get3A_616 = tpu.vector_load %arg8[%get3A_613, %get3A_614, %get3A_615] {strides = array<i32>} : memref<32x50x32xf32, #tpu.memory_space<vmem>>, vector<1x1x16xf32>,
        %get3A_617 = vector.shape_cast %get3A_616 : vector<1x1x16xf32> to vector<16xf32>
        %add3A_618 = arith.addf %add3A_590, %get3A_617 : vector<16xf32>
        %get3A_619 = arith.constant 41 : i32
        %get3A_620 = arith.index_cast %scan3A_41 : i32 to index
        %get3A_621 = arith.index_cast %get3A_619 : i32 to index
        %get3A_622 = arith.constant 16 : index
        %get3A_623 = tpu.vector_load %arg8[%get3A_620, %get3A_621, %get3A_622] {strides = array<i32>} : memref<32x50x32xf32, #tpu.memory_space<vmem>>, vector<1x1x16xf32>,
        %get3A_624 = vector.shape_cast %get3A_623 : vector<1x1x16xf32> to vector<16xf32>
        %add3A_625 = arith.addf %add3A_597, %get3A_624 : vector<16xf32>
        %get3A_626 = arith.constant 42 : i32
        %get3A_627 = arith.index_cast %scan3A_41 : i32 to index
        %get3A_628 = arith.index_cast %get3A_626 : i32 to index
        %get3A_629 = arith.constant 0 : index
        %get3A_630 = tpu.vector_load %arg8[%get3A_627, %get3A_628, %get3A_629] {strides = array<i32>} : memref<32x50x32xf32, #tpu.memory_space<vmem>>, vector<1x1x16xf32>,
        %get3A_631 = vector.shape_cast %get3A_630 : vector<1x1x16xf32> to vector<16xf32>
        %add3A_632 = arith.addf %add3A_604, %get3A_631 : vector<16xf32>
        %get3A_633 = arith.constant 42 : i32
        %get3A_634 = arith.index_cast %scan3A_41 : i32 to index
        %get3A_635 = arith.index_cast %get3A_633 : i32 to index
        %get3A_636 = arith.constant 16 : index
        %get3A_637 = tpu.vector_load %arg8[%get3A_634, %get3A_635, %get3A_636] {strides = array<i32>} : memref<32x50x32xf32, #tpu.memory_space<vmem>>, vector<1x1x16xf32>,
        %get3A_638 = vector.shape_cast %get3A_637 : vector<1x1x16xf32> to vector<16xf32>
        %add3A_639 = arith.addf %add3A_611, %get3A_638 : vector<16xf32>
        %get3A_640 = arith.constant 43 : i32
        %get3A_641 = arith.index_cast %scan3A_41 : i32 to index
        %get3A_642 = arith.index_cast %get3A_640 : i32 to index
        %get3A_643 = arith.constant 0 : index
        %get3A_644 = tpu.vector_load %arg8[%get3A_641, %get3A_642, %get3A_643] {strides = array<i32>} : memref<32x50x32xf32, #tpu.memory_space<vmem>>, vector<1x1x16xf32>,
        %get3A_645 = vector.shape_cast %get3A_644 : vector<1x1x16xf32> to vector<16xf32>
        %add3A_646 = arith.addf %add3A_618, %get3A_645 : vector<16xf32>
        %get3A_647 = arith.constant 43 : i32
        %get3A_648 = arith.index_cast %scan3A_41 : i32 to index
        %get3A_649 = arith.index_cast %get3A_647 : i32 to index
        %get3A_650 = arith.constant 16 : index
        %get3A_651 = tpu.vector_load %arg8[%get3A_648, %get3A_649, %get3A_650] {strides = array<i32>} : memref<32x50x32xf32, #tpu.memory_space<vmem>>, vector<1x1x16xf32>,
        %get3A_652 = vector.shape_cast %get3A_651 : vector<1x1x16xf32> to vector<16xf32>
        %add3A_653 = arith.addf %add3A_625, %get3A_652 : vector<16xf32>
        %get3A_654 = arith.constant 44 : i32
        %get3A_655 = arith.index_cast %scan3A_41 : i32 to index
        %get3A_656 = arith.index_cast %get3A_654 : i32 to index
        %get3A_657 = arith.constant 0 : index
        %get3A_658 = tpu.vector_load %arg8[%get3A_655, %get3A_656, %get3A_657] {strides = array<i32>} : memref<32x50x32xf32, #tpu.memory_space<vmem>>, vector<1x1x16xf32>,
        %get3A_659 = vector.shape_cast %get3A_658 : vector<1x1x16xf32> to vector<16xf32>
        %add3A_660 = arith.addf %add3A_632, %get3A_659 : vector<16xf32>
        %get3A_661 = arith.constant 44 : i32
        %get3A_662 = arith.index_cast %scan3A_41 : i32 to index
        %get3A_663 = arith.index_cast %get3A_661 : i32 to index
        %get3A_664 = arith.constant 16 : index
        %get3A_665 = tpu.vector_load %arg8[%get3A_662, %get3A_663, %get3A_664] {strides = array<i32>} : memref<32x50x32xf32, #tpu.memory_space<vmem>>, vector<1x1x16xf32>,
        %get3A_666 = vector.shape_cast %get3A_665 : vector<1x1x16xf32> to vector<16xf32>
        %add3A_667 = arith.addf %add3A_639, %get3A_666 : vector<16xf32>
        %get3A_668 = arith.constant 45 : i32
        %get3A_669 = arith.index_cast %scan3A_41 : i32 to index
        %get3A_670 = arith.index_cast %get3A_668 : i32 to index
        %get3A_671 = arith.constant 0 : index
        %get3A_672 = tpu.vector_load %arg8[%get3A_669, %get3A_670, %get3A_671] {strides = array<i32>} : memref<32x50x32xf32, #tpu.memory_space<vmem>>, vector<1x1x16xf32>,
        %get3A_673 = vector.shape_cast %get3A_672 : vector<1x1x16xf32> to vector<16xf32>
        %add3A_674 = arith.addf %add3A_646, %get3A_673 : vector<16xf32>
        %get3A_675 = arith.constant 45 : i32
        %get3A_676 = arith.index_cast %scan3A_41 : i32 to index
        %get3A_677 = arith.index_cast %get3A_675 : i32 to index
        %get3A_678 = arith.constant 16 : index
        %get3A_679 = tpu.vector_load %arg8[%get3A_676, %get3A_677, %get3A_678] {strides = array<i32>} : memref<32x50x32xf32, #tpu.memory_space<vmem>>, vector<1x1x16xf32>,
        %get3A_680 = vector.shape_cast %get3A_679 : vector<1x1x16xf32> to vector<16xf32>
        %add3A_681 = arith.addf %add3A_653, %get3A_680 : vector<16xf32>
        %get3A_682 = arith.constant 46 : i32
        %get3A_683 = arith.index_cast %scan3A_41 : i32 to index
        %get3A_684 = arith.index_cast %get3A_682 : i32 to index
        %get3A_685 = arith.constant 0 : index
        %get3A_686 = tpu.vector_load %arg8[%get3A_683, %get3A_684, %get3A_685] {strides = array<i32>} : memref<32x50x32xf32, #tpu.memory_space<vmem>>, vector<1x1x16xf32>,
        %get3A_687 = vector.shape_cast %get3A_686 : vector<1x1x16xf32> to vector<16xf32>
        %add3A_688 = arith.addf %add3A_660, %get3A_687 : vector<16xf32>
        %get3A_689 = arith.constant 46 : i32
        %get3A_690 = arith.index_cast %scan3A_41 : i32 to index
        %get3A_691 = arith.index_cast %get3A_689 : i32 to index
        %get3A_692 = arith.constant 16 : index
        %get3A_693 = tpu.vector_load %arg8[%get3A_690, %get3A_691, %get3A_692] {strides = array<i32>} : memref<32x50x32xf32, #tpu.memory_space<vmem>>, vector<1x1x16xf32>,
        %get3A_694 = vector.shape_cast %get3A_693 : vector<1x1x16xf32> to vector<16xf32>
        %add3A_695 = arith.addf %add3A_667, %get3A_694 : vector<16xf32>
        %get3A_696 = arith.constant 47 : i32
        %get3A_697 = arith.index_cast %scan3A_41 : i32 to index
        %get3A_698 = arith.index_cast %get3A_696 : i32 to index
        %get3A_699 = arith.constant 0 : index
        %get3A_700 = tpu.vector_load %arg8[%get3A_697, %get3A_698, %get3A_699] {strides = array<i32>} : memref<32x50x32xf32, #tpu.memory_space<vmem>>, vector<1x1x16xf32>,
        %get3A_701 = vector.shape_cast %get3A_700 : vector<1x1x16xf32> to vector<16xf32>
        %add3A_702 = arith.addf %add3A_674, %get3A_701 : vector<16xf32>
        %get3A_703 = arith.constant 47 : i32
        %get3A_704 = arith.index_cast %scan3A_41 : i32 to index
        %get3A_705 = arith.index_cast %get3A_703 : i32 to index
        %get3A_706 = arith.constant 16 : index
        %get3A_707 = tpu.vector_load %arg8[%get3A_704, %get3A_705, %get3A_706] {strides = array<i32>} : memref<32x50x32xf32, #tpu.memory_space<vmem>>, vector<1x1x16xf32>,
        %get3A_708 = vector.shape_cast %get3A_707 : vector<1x1x16xf32> to vector<16xf32>
        %add3A_709 = arith.addf %add3A_681, %get3A_708 : vector<16xf32>
        %get3A_710 = arith.constant 48 : i32
        %get3A_711 = arith.index_cast %scan3A_41 : i32 to index
        %get3A_712 = arith.index_cast %get3A_710 : i32 to index
        %get3A_713 = arith.constant 0 : index
        %get3A_714 = tpu.vector_load %arg8[%get3A_711, %get3A_712, %get3A_713] {strides = array<i32>} : memref<32x50x32xf32, #tpu.memory_space<vmem>>, vector<1x1x16xf32>,
        %get3A_715 = vector.shape_cast %get3A_714 : vector<1x1x16xf32> to vector<16xf32>
        %add3A_716 = arith.addf %add3A_688, %get3A_715 : vector<16xf32>
        %get3A_717 = arith.constant 48 : i32
        %get3A_718 = arith.index_cast %scan3A_41 : i32 to index
        %get3A_719 = arith.index_cast %get3A_717 : i32 to index
        %get3A_720 = arith.constant 16 : index
        %get3A_721 = tpu.vector_load %arg8[%get3A_718, %get3A_719, %get3A_720] {strides = array<i32>} : memref<32x50x32xf32, #tpu.memory_space<vmem>>, vector<1x1x16xf32>,
        %get3A_722 = vector.shape_cast %get3A_721 : vector<1x1x16xf32> to vector<16xf32>
        %add3A_723 = arith.addf %add3A_695, %get3A_722 : vector<16xf32>
        %get3A_724 = arith.constant 49 : i32
        %get3A_725 = arith.index_cast %scan3A_41 : i32 to index
        %get3A_726 = arith.index_cast %get3A_724 : i32 to index
        %get3A_727 = arith.constant 0 : index
        %get3A_728 = tpu.vector_load %arg8[%get3A_725, %get3A_726, %get3A_727] {strides = array<i32>} : memref<32x50x32xf32, #tpu.memory_space<vmem>>, vector<1x1x16xf32>,
        %get3A_729 = vector.shape_cast %get3A_728 : vector<1x1x16xf32> to vector<16xf32>
        %add3A_730 = arith.addf %add3A_702, %get3A_729 : vector<16xf32>
        %get3A_731 = arith.constant 49 : i32
        %get3A_732 = arith.index_cast %scan3A_41 : i32 to index
        %get3A_733 = arith.index_cast %get3A_731 : i32 to index
        %get3A_734 = arith.constant 16 : index
        %get3A_735 = tpu.vector_load %arg8[%get3A_732, %get3A_733, %get3A_734] {strides = array<i32>} : memref<32x50x32xf32, #tpu.memory_space<vmem>>, vector<1x1x16xf32>,
        %get3A_736 = vector.shape_cast %get3A_735 : vector<1x1x16xf32> to vector<16xf32>
        %add3A_737 = arith.addf %add3A_709, %get3A_736 : vector<16xf32>
        %get3A_738 = arith.index_cast %scan3A_41 : i32 to index
        %get3A_739 = arith.constant 0 : index
        %get3A_740 = tpu.vector_load %arg9[%get3A_738, %get3A_739] {strides = array<i32>} : memref<32x32xf32, #tpu.memory_space<vmem>>, vector<1x16xf32>,
        %get3A_741 = vector.shape_cast %get3A_740 : vector<1x16xf32> to vector<16xf32>
        %swap3A = arith.index_cast %scan3A_41 : i32 to index
        %swap3A_742 = arith.constant 0 : index
        %swap3A_743 = tpu.vector_load %arg10[%swap3A, %swap3A_742] {strides = array<i32>} : memref<32x64xf32, #tpu.memory_space<vmem>>, vector<1x16xf32>,
        %swap3A_744 = vector.shape_cast %swap3A_743 : vector<1x16xf32> to vector<16xf32>
        %swap3A_745 = vector.shape_cast %get3A_741 : vector<16xf32> to vector<1x16xf32>
        tpu.vector_store %arg10[%swap3A, %swap3A_742], %swap3A_745 {strides = array<i32>} : memref<32x64xf32, #tpu.memory_space<vmem>>, vector<1x16xf32>,
        %get3A_746 = arith.index_cast %scan3A_41 : i32 to index
        %get3A_747 = arith.constant 16 : index
        %get3A_748 = tpu.vector_load %arg9[%get3A_746, %get3A_747] {strides = array<i32>} : memref<32x32xf32, #tpu.memory_space<vmem>>, vector<1x16xf32>,
        %get3A_749 = vector.shape_cast %get3A_748 : vector<1x16xf32> to vector<16xf32>
        %swap3A_750 = arith.index_cast %scan3A_41 : i32 to index
        %swap3A_751 = arith.constant 16 : index
        %swap3A_752 = tpu.vector_load %arg10[%swap3A_750, %swap3A_751] {strides = array<i32>} : memref<32x64xf32, #tpu.memory_space<vmem>>, vector<1x16xf32>,
        %swap3A_753 = vector.shape_cast %swap3A_752 : vector<1x16xf32> to vector<16xf32>
        %swap3A_754 = vector.shape_cast %get3A_749 : vector<16xf32> to vector<1x16xf32>
        tpu.vector_store %arg10[%swap3A_750, %swap3A_751], %swap3A_754 {strides = array<i32>} : memref<32x64xf32, #tpu.memory_space<vmem>>, vector<1x16xf32>,
        %add3A_755 = arith.addf %add3A_716, %add3A_730 : vector<16xf32>
        %mul3A_756 = vector.broadcast %scan3A : f32 to vector<16xf32>
        %mul3A_757 = arith.mulf %add3A_755, %mul3A_756 : vector<16xf32>
        %swap3A_758 = arith.index_cast %scan3A_41 : i32 to index
        %swap3A_759 = arith.constant 32 : index
        %swap3A_760 = tpu.vector_load %arg10[%swap3A_758, %swap3A_759] {strides = array<i32>} : memref<32x64xf32, #tpu.memory_space<vmem>>, vector<1x16xf32>,
        %swap3A_761 = vector.shape_cast %swap3A_760 : vector<1x16xf32> to vector<16xf32>
        %swap3A_762 = vector.shape_cast %mul3A_757 : vector<16xf32> to vector<1x16xf32>
        tpu.vector_store %arg10[%swap3A_758, %swap3A_759], %swap3A_762 {strides = array<i32>} : memref<32x64xf32, #tpu.memory_space<vmem>>, vector<1x16xf32>,
        %add3A_763 = arith.addf %add3A_723, %add3A_737 : vector<16xf32>
        %mul3A_764 = vector.broadcast %scan3A : f32 to vector<16xf32>
        %mul3A_765 = arith.mulf %add3A_763, %mul3A_764 : vector<16xf32>
        %swap3A_766 = arith.index_cast %scan3A_41 : i32 to index
        %swap3A_767 = arith.constant 48 : index
        %swap3A_768 = tpu.vector_load %arg10[%swap3A_766, %swap3A_767] {strides = array<i32>} : memref<32x64xf32, #tpu.memory_space<vmem>>, vector<1x16xf32>,
        %swap3A_769 = vector.shape_cast %swap3A_768 : vector<1x16xf32> to vector<16xf32>
        %swap3A_770 = vector.shape_cast %mul3A_765 : vector<16xf32> to vector<1x16xf32>
        tpu.vector_store %arg10[%swap3A_766, %swap3A_767], %swap3A_770 {strides = array<i32>} : memref<32x64xf32, #tpu.memory_space<vmem>>, vector<1x16xf32>,
        %scan3A_771 = arith.constant 0 : i32
        scf.yield %scan3A_771 : i32
      }
      %scan3A_39 = arith.constant 32 : i32
      "tpu.region"() ({
        %run_scoped3A = tpu.sem_alloc : memref<!tpu.dma_semaphore, #tpu.memory_space<semaphore_mem>>
        %dma_start3A_41 = arith.constant 0 : i32
        %dma_start3A_42 = tpu.memref_slice %arg5[%mul3A_14, %dma_start3A_41] : memref<16384x64xf32, #tpu.memory_space<hbm>> -> memref<32x64xf32, #tpu.memory_space<hbm>>
        %dma_start3A_43 = arith.constant 0 : i32
        %dma_start3A_44 = tpu.memref_slice %arg5[%mul3A_14, %dma_start3A_43] : memref<16384x64xf32, #tpu.memory_space<hbm>> -> memref<32x64xf32, #tpu.memory_space<hbm>>
        tpu.enqueue_dma source(%arg10 : memref<32x64xf32, #tpu.memory_space<vmem>>) target(%dma_start3A_44 : memref<32x64xf32, #tpu.memory_space<hbm>>) target_semaphore(%run_scoped3A : memref<!tpu.dma_semaphore, #tpu.memory_space<semaphore_mem>>)
        %dma_wait3A_45 = arith.constant 0 : i32
        %dma_wait3A_46 = tpu.memref_slice %arg5[%mul3A_14, %dma_wait3A_45] : memref<16384x64xf32, #tpu.memory_space<hbm>> -> memref<32x64xf32, #tpu.memory_space<hbm>>
        %dma_wait3A_47 = arith.constant 0 : i32
        %dma_wait3A_48 = tpu.memref_slice %arg5[%mul3A_14, %dma_wait3A_47] : memref<16384x64xf32, #tpu.memory_space<hbm>> -> memref<32x64xf32, #tpu.memory_space<hbm>>
        tpu.wait_dma2 semaphore(%run_scoped3A : memref<!tpu.dma_semaphore, #tpu.memory_space<semaphore_mem>>) src(%arg10 : memref<32x64xf32, #tpu.memory_space<vmem>>) dst(%dma_wait3A_48 : memref<32x64xf32, #tpu.memory_space<hbm>>)
        tpu.yield
      }) : () -> ()
      %scan3A_40 = arith.constant 0 : i32
      scf.yield %scan3A_40 : i32
    }
    %scan3A_7 = arith.constant 16 : i32
    return
  }
}

module attributes {stable_mosaic.version = 14 : i64} {
  func.func @_tr_body(%arg0: i32, %arg1: memref<32x16384xf32, #tpu.memory_space<vmem>>, %arg2: memref<4096x128xf32, #tpu.memory_space<vmem>>) attributes {dimension_semantics = [#tpu.dimension_semantics<arbitrary>], iteration_bounds = array<i64: 62>, scalar_prefetch = 0 : i64, scratch_operands = 0 : i64, tpu.core_type = #tpu.core_type<tc>, window_params = [{transform_indices = @transform_0, window_bounds = array<i64: 32, 16384>}, {transform_indices = @transform_1, window_bounds = array<i64: 4096, 128>}]} {
    %iota3A = tpu.iota {dimensions = array<i32: 0>} : vector<32x128xi32>
    %iota3A_0 = tpu.iota {dimensions = array<i32: 1>} : vector<32x128xi32>
    %ne3A = arith.constant 61 : i32
    %ne3A_1 = arith.cmpi ne, %arg0, %ne3A : i32
    %convert_element_type3A = arith.extui %ne3A_1 : i1 to i32
    %cond3A = arith.constant 0 : i32
    %cond3A_2 = arith.cmpi ne, %convert_element_type3A, %cond3A : i32
    scf.if %cond3A_2 {
      %get3A = arith.constant 0 : index
      %get3A_7 = arith.constant 0 : index
      %get3A_8 = vector.load %arg1[%get3A, %get3A_7] : memref<32x16384xf32, #tpu.memory_space<vmem>>, vector<32x4096xf32>
      %add3A = arith.constant 0 : i32
      %add3A_9 = vector.broadcast %add3A : i32 to vector<32x128xi32>
      %add3A_10 = arith.addi %iota3A, %add3A_9 : vector<32x128xi32>
      %eq3A_11 = arith.cmpi eq, %iota3A_0, %add3A_10 : vector<32x128xi32>
      %convert_element_type3A_12 = arith.extui %eq3A_11 : vector<32x128xi1> to vector<32x128xi32>
      %convert_element_type3A_13 = arith.sitofp %convert_element_type3A_12 : vector<32x128xi32> to vector<32x128xf32>
      %dot_general3A = arith.constant dense<0.000000e+00> : vector<4096x128xf32>
      %dot_general3A_14 = tpu.matmul %get3A_8, %convert_element_type3A_13, %dot_general3A {dimension_numbers = #tpu.dot_dimension_numbers<[0], [0], [1], [1], [0, 1, 1, 1], [], []>, transpose_lhs_hint = true} : vector<32x4096xf32>, vector<32x128xf32>, vector<4096x128xf32> -> vector<4096x128xf32>
      %get3A_15 = arith.constant 0 : index
      %get3A_16 = arith.constant 4096 : index
      %get3A_17 = vector.load %arg1[%get3A_15, %get3A_16] : memref<32x16384xf32, #tpu.memory_space<vmem>>, vector<32x4096xf32>
      %add3A_18 = arith.constant 32 : i32
      %add3A_19 = vector.broadcast %add3A_18 : i32 to vector<32x128xi32>
      %add3A_20 = arith.addi %iota3A, %add3A_19 : vector<32x128xi32>
      %eq3A_21 = arith.cmpi eq, %iota3A_0, %add3A_20 : vector<32x128xi32>
      %convert_element_type3A_22 = arith.extui %eq3A_21 : vector<32x128xi1> to vector<32x128xi32>
      %convert_element_type3A_23 = arith.sitofp %convert_element_type3A_22 : vector<32x128xi32> to vector<32x128xf32>
      %dot_general3A_24 = arith.constant dense<0.000000e+00> : vector<4096x128xf32>
      %dot_general3A_25 = tpu.matmul %get3A_17, %convert_element_type3A_23, %dot_general3A_24 {dimension_numbers = #tpu.dot_dimension_numbers<[0], [0], [1], [1], [0, 1, 1, 1], [], []>, transpose_lhs_hint = true} : vector<32x4096xf32>, vector<32x128xf32>, vector<4096x128xf32> -> vector<4096x128xf32>
      %add3A_26 = arith.addf %dot_general3A_14, %dot_general3A_25 : vector<4096x128xf32>
      %get3A_27 = arith.constant 0 : index
      %get3A_28 = arith.constant 8192 : index
      %get3A_29 = vector.load %arg1[%get3A_27, %get3A_28] : memref<32x16384xf32, #tpu.memory_space<vmem>>, vector<32x4096xf32>
      %add3A_30 = arith.constant 64 : i32
      %add3A_31 = vector.broadcast %add3A_30 : i32 to vector<32x128xi32>
      %add3A_32 = arith.addi %iota3A, %add3A_31 : vector<32x128xi32>
      %eq3A_33 = arith.cmpi eq, %iota3A_0, %add3A_32 : vector<32x128xi32>
      %convert_element_type3A_34 = arith.extui %eq3A_33 : vector<32x128xi1> to vector<32x128xi32>
      %convert_element_type3A_35 = arith.sitofp %convert_element_type3A_34 : vector<32x128xi32> to vector<32x128xf32>
      %dot_general3A_36 = arith.constant dense<0.000000e+00> : vector<4096x128xf32>
      %dot_general3A_37 = tpu.matmul %get3A_29, %convert_element_type3A_35, %dot_general3A_36 {dimension_numbers = #tpu.dot_dimension_numbers<[0], [0], [1], [1], [0, 1, 1, 1], [], []>, transpose_lhs_hint = true} : vector<32x4096xf32>, vector<32x128xf32>, vector<4096x128xf32> -> vector<4096x128xf32>
      %add3A_38 = arith.addf %add3A_26, %dot_general3A_37 : vector<4096x128xf32>
      %get3A_39 = arith.constant 0 : index
      %get3A_40 = arith.constant 12288 : index
      %get3A_41 = vector.load %arg1[%get3A_39, %get3A_40] : memref<32x16384xf32, #tpu.memory_space<vmem>>, vector<32x4096xf32>
      %add3A_42 = arith.constant 96 : i32
      %add3A_43 = vector.broadcast %add3A_42 : i32 to vector<32x128xi32>
      %add3A_44 = arith.addi %iota3A, %add3A_43 : vector<32x128xi32>
      %eq3A_45 = arith.cmpi eq, %iota3A_0, %add3A_44 : vector<32x128xi32>
      %convert_element_type3A_46 = arith.extui %eq3A_45 : vector<32x128xi1> to vector<32x128xi32>
      %convert_element_type3A_47 = arith.sitofp %convert_element_type3A_46 : vector<32x128xi32> to vector<32x128xf32>
      %dot_general3A_48 = arith.constant dense<0.000000e+00> : vector<4096x128xf32>
      %dot_general3A_49 = tpu.matmul %get3A_41, %convert_element_type3A_47, %dot_general3A_48 {dimension_numbers = #tpu.dot_dimension_numbers<[0], [0], [1], [1], [0, 1, 1, 1], [], []>, transpose_lhs_hint = true} : vector<32x4096xf32>, vector<32x128xf32>, vector<4096x128xf32> -> vector<4096x128xf32>
      %add3A_50 = arith.addf %add3A_38, %dot_general3A_49 : vector<4096x128xf32>
      %swap3A = arith.constant 0 : index
      %swap3A_51 = arith.constant 0 : index
      %swap3A_52 = vector.load %arg2[%swap3A, %swap3A_51] : memref<4096x128xf32, #tpu.memory_space<vmem>>, vector<4096x128xf32>
      tpu.vector_store %arg2[%swap3A, %swap3A_51], %add3A_50 {strides = array<i32>} : memref<4096x128xf32, #tpu.memory_space<vmem>>, vector<4096x128xf32>,
    } else {
    }
    %eq3A = arith.constant 61 : i32
    %eq3A_3 = arith.cmpi eq, %arg0, %eq3A : i32
    %convert_element_type3A_4 = arith.extui %eq3A_3 : i1 to i32
    %cond3A_5 = arith.constant 0 : i32
    %cond3A_6 = arith.cmpi ne, %convert_element_type3A_4, %cond3A_5 : i32
    scf.if %cond3A_6 {
      %get3A = arith.constant 0 : index
      %get3A_7 = arith.constant 0 : index
      %get3A_8 = vector.load %arg1[%get3A, %get3A_7] : memref<32x16384xf32, #tpu.memory_space<vmem>>, vector<32x4096xf32>
      %iota3A_9 = tpu.iota {dimensions = array<i32: 1>} : vector<32x4096xi32>
      %add3A = arith.constant 0 : i32
      %add3A_10 = vector.broadcast %add3A : i32 to vector<32x4096xi32>
      %add3A_11 = arith.addi %iota3A_9, %add3A_10 : vector<32x4096xi32>
      %lt3A = arith.constant 576 : i32
      %lt3A_12 = vector.broadcast %lt3A : i32 to vector<32x4096xi32>
      %lt3A_13 = arith.cmpi slt, %add3A_11, %lt3A_12 : vector<32x4096xi32>
      %jit3A = arith.constant 0.000000e+00 : f32
      %broadcast_in_dim3A = vector.broadcast %jit3A : f32 to vector<32x4096xf32>
      %select_n3A = arith.select %lt3A_13, %get3A_8, %broadcast_in_dim3A : vector<32x4096xi1>, vector<32x4096xf32>
      %add3A_14 = arith.constant 0 : i32
      %add3A_15 = vector.broadcast %add3A_14 : i32 to vector<32x128xi32>
      %add3A_16 = arith.addi %iota3A, %add3A_15 : vector<32x128xi32>
      %eq3A_17 = arith.cmpi eq, %iota3A_0, %add3A_16 : vector<32x128xi32>
      %convert_element_type3A_18 = arith.extui %eq3A_17 : vector<32x128xi1> to vector<32x128xi32>
      %convert_element_type3A_19 = arith.sitofp %convert_element_type3A_18 : vector<32x128xi32> to vector<32x128xf32>
      %dot_general3A = arith.constant dense<0.000000e+00> : vector<4096x128xf32>
      %dot_general3A_20 = tpu.matmul %select_n3A, %convert_element_type3A_19, %dot_general3A {dimension_numbers = #tpu.dot_dimension_numbers<[0], [0], [1], [1], [0, 1, 1, 1], [], []>, transpose_lhs_hint = true} : vector<32x4096xf32>, vector<32x128xf32>, vector<4096x128xf32> -> vector<4096x128xf32>
      %swap3A = arith.constant 0 : index
      %swap3A_21 = arith.constant 0 : index
      %swap3A_22 = vector.load %arg2[%swap3A, %swap3A_21] : memref<4096x128xf32, #tpu.memory_space<vmem>>, vector<4096x128xf32>
      tpu.vector_store %arg2[%swap3A, %swap3A_21], %dot_general3A_20 {strides = array<i32>} : memref<4096x128xf32, #tpu.memory_space<vmem>>, vector<4096x128xf32>,
    } else {
    }
    return
  }
  func.func @transform_0(%arg0: i32) -> (i32, i32) {
    %c0_i32 = arith.constant 0 : i32
    %c0_i32_0 = arith.constant 0 : i32
    return %c0_i32, %arg0 : i32, i32
  }
  func.func @transform_1(%arg0: i32) -> (i32, i32) {
    %c0_i32 = arith.constant 0 : i32
    %c0_i32_0 = arith.constant 0 : i32
    return %arg0, %c0_i32 : i32, i32
  }
}

module attributes {stable_mosaic.version = 14 : i64} {
  func.func @_tc_body(%arg0: i32, %arg1: memref<2048x64xf32, #tpu.memory_space<vmem>>, %arg2: memref<2048x64xf32, #tpu.memory_space<vmem>>, %arg3: memref<64x32xf32, #tpu.memory_space<vmem>>, %arg4: memref<1x32xf32, #tpu.memory_space<vmem>>, %arg5: memref<64x32xf32, #tpu.memory_space<vmem>>, %arg6: memref<1x32xf32, #tpu.memory_space<vmem>>, %arg7: memref<2048x1xf32, #tpu.memory_space<vmem>>) attributes {dimension_semantics = [#tpu.dimension_semantics<arbitrary>], iteration_bounds = array<i64: 8>, scalar_prefetch = 0 : i64, scratch_operands = 0 : i64, tpu.core_type = #tpu.core_type<tc>, window_params = [{transform_indices = @transform_0, window_bounds = array<i64: 2048, 64>}, {transform_indices = @transform_1, window_bounds = array<i64: 2048, 64>}, {pipeline_mode = #tpu.pipeline_mode<synchronous>, transform_indices = @transform_2, window_bounds = array<i64: 64, 32>}, {pipeline_mode = #tpu.pipeline_mode<synchronous>, transform_indices = @transform_3, window_bounds = array<i64: 1, 32>}, {pipeline_mode = #tpu.pipeline_mode<synchronous>, transform_indices = @transform_4, window_bounds = array<i64: 64, 32>}, {pipeline_mode = #tpu.pipeline_mode<synchronous>, transform_indices = @transform_5, window_bounds = array<i64: 1, 32>}, {transform_indices = @transform_6, window_bounds = array<i64: 2048, 1>}]} {
    %get3A = arith.constant 0 : index
    %get3A_0 = arith.constant 0 : index
    %get3A_1 = vector.load %arg1[%get3A, %get3A_0] : memref<2048x64xf32, #tpu.memory_space<vmem>>, vector<2048x64xf32>
    %get3A_2 = arith.constant 0 : index
    %get3A_3 = arith.constant 0 : index
    %get3A_4 = vector.load %arg3[%get3A_2, %get3A_3] : memref<64x32xf32, #tpu.memory_space<vmem>>, vector<64x32xf32>
    %dot_general3A = arith.constant dense<0.000000e+00> : vector<2048x32xf32>
    %dot_general3A_5 = tpu.matmul %get3A_1, %get3A_4, %dot_general3A {dimension_numbers = #tpu.dot_dimension_numbers<[1], [0], [0], [1], [0, 0, 1, 1], [], []>, transpose_lhs_hint = false} : vector<2048x64xf32>, vector<64x32xf32>, vector<2048x32xf32> -> vector<2048x32xf32>
    %get3A_6 = arith.constant 0 : index
    %get3A_7 = arith.constant 0 : index
    %get3A_8 = vector.load %arg4[%get3A_6, %get3A_7] : memref<1x32xf32, #tpu.memory_space<vmem>>, vector<1x32xf32>
    %add3A = vector.broadcast %get3A_8 : vector<1x32xf32> to vector<2048x32xf32>
    %add3A_9 = arith.addf %dot_general3A_5, %add3A : vector<2048x32xf32>
    %get3A_10 = arith.constant 0 : index
    %get3A_11 = arith.constant 0 : index
    %get3A_12 = vector.load %arg2[%get3A_10, %get3A_11] : memref<2048x64xf32, #tpu.memory_space<vmem>>, vector<2048x64xf32>
    %get3A_13 = arith.constant 0 : index
    %get3A_14 = arith.constant 0 : index
    %get3A_15 = vector.load %arg5[%get3A_13, %get3A_14] : memref<64x32xf32, #tpu.memory_space<vmem>>, vector<64x32xf32>
    %dot_general3A_16 = arith.constant dense<0.000000e+00> : vector<2048x32xf32>
    %dot_general3A_17 = tpu.matmul %get3A_12, %get3A_15, %dot_general3A_16 {dimension_numbers = #tpu.dot_dimension_numbers<[1], [0], [0], [1], [0, 0, 1, 1], [], []>, transpose_lhs_hint = false} : vector<2048x64xf32>, vector<64x32xf32>, vector<2048x32xf32> -> vector<2048x32xf32>
    %get3A_18 = arith.constant 0 : index
    %get3A_19 = arith.constant 0 : index
    %get3A_20 = vector.load %arg6[%get3A_18, %get3A_19] : memref<1x32xf32, #tpu.memory_space<vmem>>, vector<1x32xf32>
    %add3A_21 = vector.broadcast %get3A_20 : vector<1x32xf32> to vector<2048x32xf32>
    %add3A_22 = arith.addf %dot_general3A_17, %add3A_21 : vector<2048x32xf32>
    %mul3A = arith.mulf %add3A_9, %add3A_22 : vector<2048x32xf32>
    %reduce_sum3A = arith.constant dense<0.000000e+00> : vector<2048xf32>
    %reduce_sum3A_23 = vector.multi_reduction <add>, %mul3A, %reduce_sum3A [1] : vector<2048x32xf32> to vector<2048xf32>
    %broadcast_in_dim3A = vector.shape_cast %reduce_sum3A_23 : vector<2048xf32> to vector<2048x1xf32>
    %swap3A = arith.constant 0 : index
    %swap3A_24 = arith.constant 0 : index
    %swap3A_25 = vector.load %arg7[%swap3A, %swap3A_24] : memref<2048x1xf32, #tpu.memory_space<vmem>>, vector<2048x1xf32>
    tpu.vector_store %arg7[%swap3A, %swap3A_24], %broadcast_in_dim3A {strides = array<i32>} : memref<2048x1xf32, #tpu.memory_space<vmem>>, vector<2048x1xf32>,
    return
  }
  func.func @transform_0(%arg0: i32) -> (i32, i32) {
    %c0_i32 = arith.constant 0 : i32
    %c0_i32_0 = arith.constant 0 : i32
    return %arg0, %c0_i32 : i32, i32
  }
  func.func @transform_1(%arg0: i32) -> (i32, i32) {
    %c0_i32 = arith.constant 0 : i32
    %c0_i32_0 = arith.constant 0 : i32
    return %arg0, %c0_i32 : i32, i32
  }
  func.func @transform_2(%arg0: i32) -> (i32, i32) {
    %c0_i32 = arith.constant 0 : i32
    %c0_i32_0 = arith.constant 0 : i32
    %c0_i32_1 = arith.constant 0 : i32
    return %c0_i32, %c0_i32_0 : i32, i32
  }
  func.func @transform_3(%arg0: i32) -> (i32, i32) {
    %c0_i32 = arith.constant 0 : i32
    %c0_i32_0 = arith.constant 0 : i32
    %c0_i32_1 = arith.constant 0 : i32
    return %c0_i32, %c0_i32_0 : i32, i32
  }
  func.func @transform_4(%arg0: i32) -> (i32, i32) {
    %c0_i32 = arith.constant 0 : i32
    %c0_i32_0 = arith.constant 0 : i32
    %c0_i32_1 = arith.constant 0 : i32
    return %c0_i32, %c0_i32_0 : i32, i32
  }
  func.func @transform_5(%arg0: i32) -> (i32, i32) {
    %c0_i32 = arith.constant 0 : i32
    %c0_i32_0 = arith.constant 0 : i32
    %c0_i32_1 = arith.constant 0 : i32
    return %c0_i32, %c0_i32_0 : i32, i32
  }
  func.func @transform_6(%arg0: i32) -> (i32, i32) {
    %c0_i32 = arith.constant 0 : i32
    %c0_i32_0 = arith.constant 0 : i32
    return %arg0, %c0_i32 : i32, i32
  }
}

</mosaic_0001>

<sc_bundles>
// kernel: kernel.10.cloned.1.call-start
scs
__scs_entry_jumppad:
0x0: {  	(pc) =	sbr.rel $0x88, $3  }
0x1: {  	(tag) =	ssettag $0x0;
	lr =	simm.s32 $0x1  }
0x2: {  	[smem:$0x3F97] =	sst lr;
	_ =	strace $0xD0000000  }
0x3: {  	_ = 	snop  }
0x4: {  	_ = 	snop  }
0x5: {  	_ = 	snop  }
0x6: {  	_ = 	snop  }
0x7: {  	_ = 	snop  }
__scs_overlays_trampoline_lowered:
0x8: {  	[smem:$0x3FA6] =	sst s0  }
0x9: {  	[smem:$0x3FA7] =	sst s1  }
0xa: {  	[smem:$0x3FA8] =	sst s2  }
0xb: {  	[smem:$0x3FA9] =	sst s3  }
0xc: {  	[smem:$0x3FAA] =	sst s4  }
0xd: {  	[smem:$0x3FAB] =	sst s5  }
0xe: {  	[smem:$0x3FAC] =	sst s6  }
0xf: {  	[smem:$0x3FAD] =	sst s7  }
0x10: {  	[smem:$0x3FAE] =	sst s8  }
0x11: {  	[smem:$0x3FAF] =	sst s9;
	s0 =	simm.s32 @!p0 $0x0  }
0x12: {  	s1 =	sld [smem:$0x3F95];
	s0 =	simm.s32 @p0 $0x1  }
0x13: {  	[smem:$0x3FB0] =	sst s0;
	s0 =	simm.s32 @!p1 $0x0  }
0x14: {  	s2 =	sld [smem:$0x3F94];
	s0 =	simm.s32 @p1 $0x1  }
0x15: {  	[smem:$0x3FB1] =	sst s0;
	s0 =	simm.s32 @!p2 $0x0  }
0x16: {  	s3 =	sld [smem:$0x3FDB];
	s0 =	simm.s32 @p2 $0x1  }
0x17: {  	s4 =	simm.s32 $0x1BF5;
	[smem:$0x3FB3] =	sst s0  }
0x18: {  	s0 =	sld [smem:$0x3F96];
	_ =	swait.ge [sflag:s4], $0x0  }
0x19: {  	s7 =	sld [smem:$0x3F97]  }
0x1a: {  	s8 =	sadd.s32 $0xFFFFE003, lr  }
0x1b: {  	s9 =	sadd.s32 $0xFFFFFEF7, lr;
	s5 =	simm.s32 $0xFFFFFFFF;
	p2 =	slt.u32 s8, $0xFFFFF086  }
0x1c: {  	p1 =	slt.u32 s9, $0xF7A;
	s5 =	simm.s32 @!p2 $0x0  }
0x1d: {  	s5 =	simm.s32 @p1 $0x1;
	p0 =	seq.s32 s7, s2  }
0x1e: {  	s7 =	smul.u32 @!p0 $0xF7A, s2;
	p2 =	seq.s32 @!p0 s5, $0x0  }
0x1f: {  	s9 =	smul.u32 $0xF7A, s1;
	s8 =	simm.s32 @!p0 $0x1BF5;
	p2 =	por !p2, p0  }
0x20: {  	[sflag:s8] =	ssyncset.s32 @!p0 $0xFFFFF086;
	s6 =	sadd.s32 @!p0 s3, s7;
	s7 =	simm.s32 @!p0 $0x108  }
0x21: {  	s3 =	sadd.s32 s3, s9;
	s6 =	sadd.s32 @!p0 $0x88, s6;
	s7 =	simm.s32 @p2 $0x1082  }
0x22: {  	[simem:s7], [sflag:s8] =	dma.local @!p0 [hbm:s6], $0xF7A  }
0x23: {  	s9 =	sor.u32 $0xD0000000, s2;
	s6 =	simm.s32 $0x108;
	_ =	swait.ge @!p0 [sflag:s8], $0x0  }
0x24: {  	s3 =	sadd.s32 $0x88, s3;
	s6 =	simm.s32 @!p1 $0x1082;
	[sflag:s4] =	ssyncset.s32 $0xFFFFF086  }
0x25: {  	[simem:s6], [sflag:s4] =	dma.local [hbm:s3], $0xF7A  }
0x26: {  	[smem:$0x3F97] =	sst s1;
	(tag) =	ssettag s2;
	_ =	strace s9  }
0x27: {  	s1 =	sld [smem:$0x3FA7]  }
0x28: {  	s2 =	sld [smem:$0x3FA8]  }
0x29: {  	s4 =	sld [smem:$0x3FAA]  }
0x2a: {  	p0 =	seq.s32 s5, $0x0;
	s5 =	sld [smem:$0x3FAB]  }
0x2b: {  	s6 =	sld [smem:$0x3FAC]  }
0x2c: {  	s7 =	sld [smem:$0x3FAD]  }
0x2d: {  	s3 =	simm.s32 $0x108;
	s8 =	sld [smem:$0x3FAE]  }
0x2e: {  	s3 =	simm.s32 @!p0 $0x1082;
	s9 =	sld [smem:$0x3FAF]  }
0x2f: {  	lr =	sadd.s32 s0, s3;
	s0 =	sld [smem:$0x3FA6]  }
0x30: {  	s3 =	sld [smem:$0x3FA9]  }
0x31: {  	[smem:$0x3FB2] =	sst s10  }
0x32: {  	s10 =	sld [smem:$0x3FB0];
	_ =	sdelay $0x3  }
0x33: {  	p0 =	seq.s32 s10, $0x1;
	s10 =	sld [smem:$0x3FB2];
	_ =	sdelay $0x3  }
0x34: {  	[smem:$0x3FB2] =	sst s10  }
0x35: {  	s10 =	sld [smem:$0x3FB1];
	_ =	sdelay $0x3  }
0x36: {  	p1 =	seq.s32 s10, $0x1;
	s10 =	sld [smem:$0x3FB2];
	_ =	sdelay $0x3  }
0x37: {  	[smem:$0x3FB2] =	sst s10  }
0x38: {  	s10 =	sld [smem:$0x3FB3]  }
0x39: {  	_ = 	snop;
	(pc) =	sbr.ind lr, $3  }
0x3a: {  	_ = 	snop  }
0x3b: {  	_ = 	snop  }
0x3c: {  	p2 =	seq.s32 s10, $0x1;
	s10 =	sld [smem:$0x3FB2]  }
0x3d: {  	_ =	shalt  }
0x3e: {  	_ =	shalt  }
0x3f: {  	_ =	shalt  }
0x40: {  	_ =	shalt  }
0x41: {  	_ =	shalt  }
0x42: {  	_ =	shalt  }
0x43: {  	_ =	shalt  }
0x44: {  	_ =	shalt  }
0x45: {  	_ =	shalt  }
0x46: {  	_ =	shalt  }
0x47: {  	_ =	shalt  }
0x48: {  	_ =	shalt  }
0x49: {  	_ =	shalt  }
0x4a: {  	_ =	shalt  }
0x4b: {  	_ =	shalt  }
0x4c: {  	_ =	shalt  }
0x4d: {  	_ =	shalt  }
0x4e: {  	_ =	shalt  }
0x4f: {  	_ =	shalt  }
0x50: {  	_ =	shalt  }
0x51: {  	_ =	shalt  }
0x52: {  	_ =	shalt  }
0x53: {  	_ =	shalt  }
0x54: {  	_ =	shalt  }
0x55: {  	_ =	shalt  }
0x56: {  	_ =	shalt  }
0x57: {  	_ =	shalt  }
0x58: {  	_ =	shalt  }
0x59: {  	_ =	shalt  }
0x5a: {  	_ =	shalt  }
0x5b: {  	_ =	shalt  }
0x5c: {  	_ =	shalt  }
0x5d: {  	_ =	shalt  }
0x5e: {  	_ =	shalt  }
0x5f: {  	_ =	shalt  }
0x60: {  	_ =	shalt  }
0x61: {  	_ =	shalt  }
0x62: {  	_ =	shalt  }
0x63: {  	_ =	shalt  }
0x64: {  	_ =	shalt  }
0x65: {  	_ =	shalt  }
0x66: {  	_ =	shalt  }
0x67: {  	_ =	shalt  }
0x68: {  	_ =	shalt  }
0x69: {  	_ =	shalt  }
0x6a: {  	_ =	shalt  }
0x6b: {  	_ =	shalt  }
0x6c: {  	_ =	shalt  }
0x6d: {  	_ =	shalt  }
0x6e: {  	_ =	shalt  }
0x6f: {  	_ =	shalt  }
0x70: {  	_ =	shalt  }
0x71: {  	_ =	shalt  }
0x72: {  	_ =	shalt  }
0x73: {  	_ =	shalt  }
0x74: {  	_ =	shalt  }
0x75: {  	_ =	shalt  }
0x76: {  	_ =	shalt  }
0x77: {  	_ =	shalt  }
0x78: {  	_ =	shalt  }
0x79: {  	_ =	shalt  }
0x7a: {  	_ =	shalt  }
0x7b: {  	_ =	shalt  }
0x7c: {  	_ =	shalt  }
0x7d: {  	_ =	shalt  }
0x7e: {  	_ =	shalt  }
0x7f: {  	_ =	shalt  }
0x80: {  	_ =	shalt  }
0x81: {  	_ =	shalt  }
0x82: {  	_ =	shalt  }
0x83: {  	_ =	shalt  }
0x84: {  	_ =	shalt  }
0x85: {  	_ =	shalt  }
0x86: {  	_ =	shalt  }
0x87: {  	_ =	shalt  }
.Lfunc_end0:
.L_simem_size_0:
called_computation.1_lowered:
.L_overlay_start_0:
0x88: {  	s2 =	sld [smem:$0x3FD9]  }
0x89: {  	s3 =	sld [smem:$0x3FFE];
	_ =	sdelay $0x1  }
0x8a: {  	s1 =	srdreg.scid  }
0x8b: {  	s0 =	sand.u32 $0x1, s1  }
0x8c: {  	s17 =	sshll.u32 s0, $0xA;
	s2 =	sadd.s32 s3, s2  }
0x8d: {  	s2 =	sadd.s32 s2, s17  }
0x8e: {  	[smem:$0x3FBE] =	sst s2  }
0x8f: {  	_ = 	snop  }
0x90: {  	(tm) =	ssettm $0x1  }
0x91: {  	s18 =	sld [smem:$0x3FFB];
	_ =	sdelay $0x3  }
0x92: {  	_ =	strace s18  }
0x93: {  	s2 =	sld [smem:$0x3FFC];
	_ =	sdelay $0x3  }
0x94: {  	_ =	strace s2  }
0x95: {  	s2 =	sld [smem:$0x3FFD];
	_ =	sdelay $0x3  }
0x96: {  	_ =	strace s2  }
0x97: {  	_ =	strace $0x8FFFFFFF  }
0x98: {  	s19 =	sld [smem:$0x3FDB];
	_ =	sdelay $0x1  }
0x99: {  	s20 =	simm.s32 $_scs_section_size  }
0x9a: {  	s4 =	simm.s32 $_size__tile_overlayer_lowered;
	s5 =	simm.s32 $_tile_overlayer_lowered  }
0x9b: {  	s6 =	simm.s32 $0x1BFF;
	s21 =	sshll.u32 s5, $0x1;
	s3 =	sadd.s32 s20, s19  }
0x9c: {  	s22 =	simm.s32 $0x0;
	s4 =	sshll.u32 s4, $0x1;
	s5 =	sadd.s32 s21, s3  }
0x9d: {  	[timem:s22], [sflag:s6] =	dma.local [hbm:s5], s4  }
0x9e: {  	_ =	swait.ge [sflag:s6], s4  }
0x9f: {  	s4 =	ssub.s32 $0x0, s4;
	[sflag:s6] =	ssyncset.done $0x0  }
0xa0: {  	[sflag:s6] =	ssyncadd.s32 s4;
	_ =	sdelay $0x1  }
0xa1: {  	s23 =	simm.s32 $0x1B8B  }
0xa2: {  	_ =	swait.ge [sflag:s23], $0x1  }
0xa3: {  	[sflag:s23] =	ssyncset.done $0x0  }
0xa4: {  	[sflag:s23] =	ssyncadd.s32 $0xFFFFFFFF  }
0xa5: {  	s4 =	sld [smem:$0x0]  }
0xa6: {  	s5 =	sand.u32 $0xFFFFFFFE, s1  }
0xa7: {  	p0 =	sne.s32 s1, s5  }
0xa8: {  	s5 =	sshll.u32 @p0 s5, $0xE  }
0xa9: {  	s5 =	sadd.s32 @p0 $0x11B8D, s5;
	s6 =	sshll.u32 @p0 s4, $0x11  }
0xaa: {  	s5 =	sor.u32 @p0 s6, s5  }
0xab: {  	[sflag:s5] =	ssyncadd.remote.s32 @p0 $0x1;
	_ =	sdelay $0x1  }
0xac: {  	s5 =	simm.s32 @p0 $0x1B8D  }
0xad: {  	_ =	swait.eq @p0 [sflag:s5], $0x1  }
0xae: {  	[sflag:s5] =	ssyncadd.s32 @p0 $0xFFFFFFFF  }
0xaf: {  	s6 =	sshll.u32 @!p0 s1, $0xE  }
0xb0: {  	s6 =	sor.u32 @!p0 $0x4000, s6;
	s5 =	simm.s32 @!p0 $0x1B8D  }
0xb1: {  	s4 =	sshll.u32 @!p0 s4, $0x11;
	s6 =	sadd.s32 @!p0 $0x11B8D, s6;
	_ =	swait.eq @!p0 [sflag:s5], $0x1  }
0xb2: {  	s4 =	sor.u32 @!p0 s4, s6;
	[sflag:s5] =	ssyncadd.s32 @!p0 $0xFFFFFFFF  }
0xb3: {  	s25 =	simm.s32 $0x1B8E;
	s24 =	sld [smem:$0x3FFE];
	[sflag:s4] =	ssyncadd.remote.s32 @!p0 $0x1  }
0xb4: {  	s26 =	simm.s32 $execute0_lowered;
	[smem:$0x3FD2] =	sst s25  }
0xb5: {  	s5 =	sshll.u32 s26, $0x1;
	_ =	strace $0x80000049;
	[dreg:$0x1] =	wrdreg $0xFFFFFFFF  }
0xb6: {  	s28 =	simm.s32 $_size_execute0_lowered;
	s3 =	sadd.s32 s3, s5;
	[dreg:$0x0] =	wrdreg $0x0  }
0xb7: {  	s5 =	sshll.u32 s28, $0x1;
	[dreg:$0x2] =	wrdreg s3  }
0xb8: {  	[dreg:$0x3] =	wrdreg s5  }
0xb9: {  	[dreg:$0x4] =	wrdreg $0xC0  }
0xba: {  	_ =	task [dreg:s22], $0x5FFFF  }
0xbb: {  	[dreg:$0x1] =	wrdreg $0xFFFFFFFF  }
0xbc: {  	[dreg:$0x0] =	wrdreg $0x60  }
0xbd: {  	[dreg:$0x2] =	wrdreg s24  }
0xbe: {  	[dreg:$0x3] =	wrdreg $0xA  }
0xbf: {  	_ =	task.clear_ibuf [dreg:s22], $0x4FFFF;
	_ =	strace $0x90000049  }
0xc0: {  	s29 =	simm.s32 $0xA;
	_ =	strace $0x8000004B  }
0xc1: {  	_ =	swait.ge [sflag:s29], $0x1  }
0xc2: {  	[sflag:s29] =	ssyncadd.s32 $0xFFFFFFFF  }
0xc3: {  	_ =	strace $0x9000004B  }
0xc4: {  	_ =	sfence  }
0xc5: {  	s30 =	sld [smem:$0x0];
	_ =	sdelay $0x2  }
0xc6: {  	s31 =	sshll.u32 s1, $0xD;
	s1 =	sshrl.u32 s1, $0x2  }
0xc7: {  	s4 =	sand.u32 $0x4000, s31;
	s1 =	sadd.s32 s1, s30  }
0xc8: {  	s0 =	sor.u32 s4, s0;
	s1 =	sshll.u32 s1, $0x11  }
0xc9: {  	s0 =	sor.u32 s1, s0  }
0xca: {  	s0 =	sadd.s32 $0x8F2B, s0  }
0xcb: {  	[sflag:s0] =	ssyncadd.remote.s32 $0x1  }
0xcc: {  	_ =	sfence.sel $0xFFFF  }
0xcd: {  	[dreg:$0x0] =	wrdreg $0xFFFFFFFF;
	(pc) =	sbr.abs _section_cstart, $3  }
0xce: {  	[dreg:$0x1] =	wrdreg $0xFFFFFFFF  }
0xcf: {  	_ =	task.clear_ibuf [dreg:s22], $0x2FFFF;
	_ =	strace $0x9FFFFFFF  }
0xd0: {  	(tm) =	ssettm $0x7FFFFFFF  }
0xd1: {  	_ =	shalt  }
tec
execute0_lowered:
.L_overlay_start_1:
0x0: {  	(tag) =	ssettag $0x1  }
0x1: {  	s0 =	rddreg [dreg:$0x0]  }
0x2: {  	s1 =	simm.s32 $0x0;
	s25 =	srdreg.scid;
	s6 =	stileid.u32  }
0x3: {  	s9 =	simm.s32 $0x3;
	s10 =	simm.s32 $0x20;
	s12 =	simm.s32 $0x32  }
0x4: {  	s16 =	simm.s32 $0x598;
	s17 =	simm.s32 $0xA360;
	s18 =	simm.s32 $0x5D0  }
0x5: {  	s19 =	simm.s32 $0xA9A0;
	s20 =	simm.s32 $0x608;
	s21 =	simm.s32 $0xAFE0  }
0x6: {  	s22 =	simm.s32 $0x640;
	s23 =	simm.s32 $0xB620;
	s24 =	simm.s32 $0x678  }
0x7: {  	s28 =	simm.s32 $0xC2A0;
	s29 =	simm.s32 $0x6E8;
	s30 =	simm.s32 $0xC8E0  }
0x8: {  	s31 =	simm.s32 $0x1;
	[smem:$0x7FF] =	sst s1;
	s3 =	sadd.s32 $0x819000, s0  }
0x9: {  	s4 =	sadd.s32 $0x41D000, s0;
	s1 =	sand.u32 $0x1, s25;
	s5 =	sadd.s32 $0x439000, s0  }
0xa: {  	s8 =	sshll.u32 s6, $0x5;
	s6 =	sadd.s32 $0x819800, s0;
	s2 =	ssub.s32 $0x2, s1  }
0xb: {  	s25 =	simm.s32 $0xBC60;
	s1 =	sshll.u32 s1, $0x4;
	s7 =	sshrl.u32 s2, $0x1  }
0xc: {  	_ =	strace $0x8000004A;
	s26 =	ssub.s32 s2, s7;
	s7 =	sor.u32 s1, s8  }
0xd: {  	s2 =	simm.s32 $0xD320;
	s8 =	simm.s32 $0x0;
	s0 =	smax.u32 s26, $0x1  }
0xe: {  	s26 =	simm.s32 $0x6B0;
	[dreg:$0x2] =	wrdreg s0;
	s0 =	simm.s32 $0x2  }
.LBB2_1:
0xf: {  	[dreg:$0x3] =	wrdreg s8;
	s8 =	simm.s32 $0x0  }
.LBB2_2:
0x10: {  	s1 =	sadd.s32 s7, s8  }
0x11: {  	s11 =	sshll.u32 s1, $0x2  }
0x12: {  	s13 =	sadd.s32 s3, s11;
	s11 =	simm.s32 $0x0  }
0x13: {  	[tilespmem:s11], [sflag:$0x3] =	stream.linear.gather [hbm4b:s13+s11], $0x20, $0x38;
	[tilespmem:$0xDB20] =	vst v63  }
0x14: {  	s14 =	smul.u32 $0xE0, s1;
	_ =	swait.ge [sflag:s9], $0x20  }
0x15: {  	[sflag:s9] =	ssyncset.done $0x0  }
0x16: {  	s13 =	sadd.s32 s4, s14;
	[sflag:s9] =	ssyncadd.s32 $0xFFFFFFE0  }
0x17: {  	[tilespmem:s10], [sflag:$0x3] =	stream.linear.gather [hbm4b:s13+s11], $0x700, $0x38;
	[tilespmem:$0xDB20] =	vst v63  }
0x18: {  	_ =	swait.ge [sflag:s9], $0x700  }
0x19: {  	[sflag:s9] =	ssyncset.done $0x0  }
0x1a: {  	s15 =	simm.s32 $0xCF20;
	[sflag:s9] =	ssyncadd.s32 $0xFFFFF900  }
0x1b: {  	[tilespmem:s15], [sflag:$0x2] =	stream.indirect.gather [hbm4b:s5+s10], $0x20, s11, s10, $0xb8;
	[tilespmem:$0xDB20] =	vst v63  }
0x1c: {  	s14 =	simm.s32 $0x720  }
0x1d: {  	[tilespmem:s14], [sflag:$0x1] =	stream.indirect.gather [hbm4b:s5+s12], $0x20, s10, s12, $0xb8;
	[tilespmem:$0xDB20] =	vst v63  }
0x1e: {  	s15 =	simm.s32 $0x58;
	s14 =	simm.s32 $0xD60  }
0x1f: {  	[tilespmem:s14], [sflag:$0x1] =	stream.indirect.gather [hbm4b:s5+s12], $0x20, s15, s12, $0xb8;
	[tilespmem:$0xDB20] =	vst v63  }
0x20: {  	s14 =	simm.s32 $0x90;
	s15 =	simm.s32 $0x13A0  }
0x21: {  	[tilespmem:s15], [sflag:$0x1] =	stream.indirect.gather [hbm4b:s5+s12], $0x20, s14, s12, $0xb8;
	[tilespmem:$0xDB20] =	vst v63  }
0x22: {  	s14 =	simm.s32 $0xC8;
	s15 =	simm.s32 $0x19E0  }
0x23: {  	[tilespmem:s15], [sflag:$0x1] =	stream.indirect.gather [hbm4b:s5+s12], $0x20, s14, s12, $0xb8;
	[tilespmem:$0xDB20] =	vst v63  }
0x24: {  	s14 =	simm.s32 $0x100;
	s15 =	simm.s32 $0x2020  }
0x25: {  	[tilespmem:s15], [sflag:$0x1] =	stream.indirect.gather [hbm4b:s5+s12], $0x20, s14, s12, $0xb8;
	[tilespmem:$0xDB20] =	vst v63  }
0x26: {  	s14 =	simm.s32 $0x138;
	s15 =	simm.s32 $0x2660  }
0x27: {  	[tilespmem:s15], [sflag:$0x1] =	stream.indirect.gather [hbm4b:s5+s12], $0x20, s14, s12, $0xb8;
	[tilespmem:$0xDB20] =	vst v63  }
0x28: {  	s14 =	simm.s32 $0x170;
	s15 =	simm.s32 $0x2CA0  }
0x29: {  	[tilespmem:s15], [sflag:$0x1] =	stream.indirect.gather [hbm4b:s5+s12], $0x20, s14, s12, $0xb8;
	[tilespmem:$0xDB20] =	vst v63  }
0x2a: {  	s14 =	simm.s32 $0x1A8;
	s15 =	simm.s32 $0x32E0  }
0x2b: {  	[tilespmem:s15], [sflag:$0x1] =	stream.indirect.gather [hbm4b:s5+s12], $0x20, s14, s12, $0xb8;
	[tilespmem:$0xDB20] =	vst v63  }
0x2c: {  	s14 =	simm.s32 $0x1E0;
	s15 =	simm.s32 $0x3920  }
0x2d: {  	[tilespmem:s15], [sflag:$0x1] =	stream.indirect.gather [hbm4b:s5+s12], $0x20, s14, s12, $0xb8;
	[tilespmem:$0xDB20] =	vst v63  }
0x2e: {  	s14 =	simm.s32 $0x218;
	s15 =	simm.s32 $0x3F60  }
0x2f: {  	[tilespmem:s15], [sflag:$0x1] =	stream.indirect.gather [hbm4b:s5+s12], $0x20, s14, s12, $0xb8;
	[tilespmem:$0xDB20] =	vst v63  }
0x30: {  	s14 =	simm.s32 $0x250;
	s15 =	simm.s32 $0x45A0  }
0x31: {  	[tilespmem:s15], [sflag:$0x1] =	stream.indirect.gather [hbm4b:s5+s12], $0x20, s14, s12, $0xb8;
	[tilespmem:$0xDB20] =	vst v63  }
0x32: {  	s14 =	simm.s32 $0x288;
	s15 =	simm.s32 $0x4BE0  }
0x33: {  	[tilespmem:s15], [sflag:$0x1] =	stream.indirect.gather [hbm4b:s5+s12], $0x20, s14, s12, $0xb8;
	[tilespmem:$0xDB20] =	vst v63  }
0x34: {  	s14 =	simm.s32 $0x2C0;
	s15 =	simm.s32 $0x5220  }
0x35: {  	[tilespmem:s15], [sflag:$0x1] =	stream.indirect.gather [hbm4b:s5+s12], $0x20, s14, s12, $0xb8;
	[tilespmem:$0xDB20] =	vst v63  }
0x36: {  	s14 =	simm.s32 $0x2F8;
	s15 =	simm.s32 $0x5860  }
0x37: {  	[tilespmem:s15], [sflag:$0x1] =	stream.indirect.gather [hbm4b:s5+s12], $0x20, s14, s12, $0xb8;
	[tilespmem:$0xDB20] =	vst v63  }
0x38: {  	s14 =	simm.s32 $0x330;
	s15 =	simm.s32 $0x5EA0  }
0x39: {  	[tilespmem:s15], [sflag:$0x1] =	stream.indirect.gather [hbm4b:s5+s12], $0x20, s14, s12, $0xb8;
	[tilespmem:$0xDB20] =	vst v63  }
0x3a: {  	s14 =	simm.s32 $0x368;
	s15 =	simm.s32 $0x64E0  }
0x3b: {  	[tilespmem:s15], [sflag:$0x1] =	stream.indirect.gather [hbm4b:s5+s12], $0x20, s14, s12, $0xb8;
	[tilespmem:$0xDB20] =	vst v63  }
0x3c: {  	s14 =	simm.s32 $0x3A0;
	s15 =	simm.s32 $0x6B20  }
0x3d: {  	[tilespmem:s15], [sflag:$0x1] =	stream.indirect.gather [hbm4b:s5+s12], $0x20, s14, s12, $0xb8;
	[tilespmem:$0xDB20] =	vst v63  }
0x3e: {  	s14 =	simm.s32 $0x3D8;
	s15 =	simm.s32 $0x7160  }
0x3f: {  	[tilespmem:s15], [sflag:$0x1] =	stream.indirect.gather [hbm4b:s5+s12], $0x20, s14, s12, $0xb8;
	[tilespmem:$0xDB20] =	vst v63  }
0x40: {  	s14 =	simm.s32 $0x410;
	s15 =	simm.s32 $0x77A0  }
0x41: {  	[tilespmem:s15], [sflag:$0x1] =	stream.indirect.gather [hbm4b:s5+s12], $0x20, s14, s12, $0xb8;
	[tilespmem:$0xDB20] =	vst v63  }
0x42: {  	s14 =	simm.s32 $0x448;
	s15 =	simm.s32 $0x7DE0  }
0x43: {  	[tilespmem:s15], [sflag:$0x1] =	stream.indirect.gather [hbm4b:s5+s12], $0x20, s14, s12, $0xb8;
	[tilespmem:$0xDB20] =	vst v63  }
0x44: {  	s14 =	simm.s32 $0x480;
	s15 =	simm.s32 $0x8420  }
0x45: {  	[tilespmem:s15], [sflag:$0x1] =	stream.indirect.gather [hbm4b:s5+s12], $0x20, s14, s12, $0xb8;
	[tilespmem:$0xDB20] =	vst v63  }
0x46: {  	s14 =	simm.s32 $0x4B8;
	s15 =	simm.s32 $0x8A60  }
0x47: {  	[tilespmem:s15], [sflag:$0x1] =	stream.indirect.gather [hbm4b:s5+s12], $0x20, s14, s12, $0xb8;
	[tilespmem:$0xDB20] =	vst v63  }
0x48: {  	s14 =	simm.s32 $0x4F0;
	s15 =	simm.s32 $0x90A0  }
0x49: {  	[tilespmem:s15], [sflag:$0x1] =	stream.indirect.gather [hbm4b:s5+s12], $0x20, s14, s12, $0xb8;
	[tilespmem:$0xDB20] =	vst v63  }
0x4a: {  	s14 =	simm.s32 $0x528;
	s15 =	simm.s32 $0x96E0  }
0x4b: {  	[tilespmem:s15], [sflag:$0x1] =	stream.indirect.gather [hbm4b:s5+s12], $0x20, s14, s12, $0xb8;
	[tilespmem:$0xDB20] =	vst v63  }
0x4c: {  	s14 =	simm.s32 $0x560;
	s15 =	simm.s32 $0x9D20  }
0x4d: {  	[tilespmem:s15], [sflag:$0x1] =	stream.indirect.gather [hbm4b:s5+s12], $0x20, s14, s12, $0xb8;
	[tilespmem:$0xDB20] =	vst v63  }
0x4e: {  	_ = 	snop  }
0x4f: {  	[tilespmem:s17], [sflag:$0x1] =	stream.indirect.gather [hbm4b:s5+s12], $0x20, s16, s12, $0xb8;
	[tilespmem:$0xDB20] =	vst v63  }
0x50: {  	_ = 	snop  }
0x51: {  	[tilespmem:s19], [sflag:$0x1] =	stream.indirect.gather [hbm4b:s5+s12], $0x20, s18, s12, $0xb8;
	[tilespmem:$0xDB20] =	vst v63  }
0x52: {  	_ = 	snop  }
0x53: {  	[tilespmem:s21], [sflag:$0x1] =	stream.indirect.gather [hbm4b:s5+s12], $0x20, s20, s12, $0xb8;
	[tilespmem:$0xDB20] =	vst v63  }
0x54: {  	_ = 	snop  }
0x55: {  	[tilespmem:s23], [sflag:$0x1] =	stream.indirect.gather [hbm4b:s5+s12], $0x20, s22, s12, $0xb8;
	[tilespmem:$0xDB20] =	vst v63  }
0x56: {  	_ = 	snop  }
0x57: {  	[tilespmem:s25], [sflag:$0x1] =	stream.indirect.gather [hbm4b:s5+s12], $0x20, s24, s12, $0xb8;
	[tilespmem:$0xDB20] =	vst v63  }
0x58: {  	_ = 	snop  }
0x59: {  	[tilespmem:s28], [sflag:$0x1] =	stream.indirect.gather [hbm4b:s5+s12], $0x20, s26, s12, $0xb8;
	[tilespmem:$0xDB20] =	vst v63  }
0x5a: {  	_ = 	snop  }
0x5b: {  	[tilespmem:s30], [sflag:$0x1] =	stream.indirect.gather [hbm4b:s5+s12], $0x20, s29, s12, $0xb8;
	[tilespmem:$0xDB20] =	vst v63  }
0x5c: {  	_ =	swait.ge [sflag:s31], $0x640  }
0x5d: {  	[sflag:s31] =	ssyncset.done $0x0  }
0x5e: {  	[sflag:s31] =	ssyncadd.s32 $0xFFFFF9C0  }
0x5f: {  	_ =	swait.ge [sflag:s31], $0x640  }
0x60: {  	[sflag:s31] =	ssyncset.done $0x0  }
0x61: {  	[sflag:s31] =	ssyncadd.s32 $0xFFFFF9C0  }
0x62: {  	_ =	swait.ge [sflag:s31], $0x640  }
0x63: {  	[sflag:s31] =	ssyncset.done $0x0  }
0x64: {  	[sflag:s31] =	ssyncadd.s32 $0xFFFFF9C0  }
0x65: {  	_ =	swait.ge [sflag:s31], $0x640  }
0x66: {  	[sflag:s31] =	ssyncset.done $0x0  }
0x67: {  	[sflag:s31] =	ssyncadd.s32 $0xFFFFF9C0  }
0x68: {  	_ =	swait.ge [sflag:s31], $0x640  }
0x69: {  	[sflag:s31] =	ssyncset.done $0x0  }
0x6a: {  	[sflag:s31] =	ssyncadd.s32 $0xFFFFF9C0  }
0x6b: {  	_ =	swait.ge [sflag:s31], $0x640  }
0x6c: {  	[sflag:s31] =	ssyncset.done $0x0  }
0x6d: {  	[sflag:s31] =	ssyncadd.s32 $0xFFFFF9C0  }
0x6e: {  	_ =	swait.ge [sflag:s31], $0x640  }
0x6f: {  	[sflag:s31] =	ssyncset.done $0x0  }
0x70: {  	[sflag:s31] =	ssyncadd.s32 $0xFFFFF9C0  }
0x71: {  	_ =	swait.ge [sflag:s31], $0x640  }
0x72: {  	[sflag:s31] =	ssyncset.done $0x0  }
0x73: {  	[sflag:s31] =	ssyncadd.s32 $0xFFFFF9C0  }
0x74: {  	_ =	swait.ge [sflag:s31], $0x640  }
0x75: {  	[sflag:s31] =	ssyncset.done $0x0  }
0x76: {  	[sflag:s31] =	ssyncadd.s32 $0xFFFFF9C0  }
0x77: {  	_ =	swait.ge [sflag:s31], $0x640  }
0x78: {  	[sflag:s31] =	ssyncset.done $0x0  }
0x79: {  	[sflag:s31] =	ssyncadd.s32 $0xFFFFF9C0  }
0x7a: {  	_ =	swait.ge [sflag:s31], $0x640  }
0x7b: {  	[sflag:s31] =	ssyncset.done $0x0  }
0x7c: {  	[sflag:s31] =	ssyncadd.s32 $0xFFFFF9C0  }
0x7d: {  	_ =	swait.ge [sflag:s31], $0x640  }
0x7e: {  	[sflag:s31] =	ssyncset.done $0x0  }
0x7f: {  	[sflag:s31] =	ssyncadd.s32 $0xFFFFF9C0  }
0x80: {  	_ =	swait.ge [sflag:s31], $0x640  }
0x81: {  	[sflag:s31] =	ssyncset.done $0x0  }
0x82: {  	[sflag:s31] =	ssyncadd.s32 $0xFFFFF9C0  }
0x83: {  	_ =	swait.ge [sflag:s31], $0x640  }
0x84: {  	[sflag:s31] =	ssyncset.done $0x0  }
0x85: {  	[sflag:s31] =	ssyncadd.s32 $0xFFFFF9C0  }
0x86: {  	_ =	swait.ge [sflag:s31], $0x640  }
0x87: {  	[sflag:s31] =	ssyncset.done $0x0  }
0x88: {  	[sflag:s31] =	ssyncadd.s32 $0xFFFFF9C0  }
0x89: {  	_ =	swait.ge [sflag:s31], $0x640  }
0x8a: {  	[sflag:s31] =	ssyncset.done $0x0  }
0x8b: {  	[sflag:s31] =	ssyncadd.s32 $0xFFFFF9C0  }
0x8c: {  	_ =	swait.ge [sflag:s31], $0x640  }
0x8d: {  	[sflag:s31] =	ssyncset.done $0x0  }
0x8e: {  	[sflag:s31] =	ssyncadd.s32 $0xFFFFF9C0  }
0x8f: {  	_ =	swait.ge [sflag:s31], $0x640  }
0x90: {  	[sflag:s31] =	ssyncset.done $0x0  }
0x91: {  	[sflag:s31] =	ssyncadd.s32 $0xFFFFF9C0  }
0x92: {  	_ =	swait.ge [sflag:s31], $0x640  }
0x93: {  	[sflag:s31] =	ssyncset.done $0x0  }
0x94: {  	[sflag:s31] =	ssyncadd.s32 $0xFFFFF9C0  }
0x95: {  	_ =	swait.ge [sflag:s31], $0x640  }
0x96: {  	[sflag:s31] =	ssyncset.done $0x0  }
0x97: {  	[sflag:s31] =	ssyncadd.s32 $0xFFFFF9C0  }
0x98: {  	_ =	swait.ge [sflag:s31], $0x640  }
0x99: {  	[sflag:s31] =	ssyncset.done $0x0  }
0x9a: {  	[sflag:s31] =	ssyncadd.s32 $0xFFFFF9C0  }
0x9b: {  	_ =	swait.ge [sflag:s31], $0x640  }
0x9c: {  	[sflag:s31] =	ssyncset.done $0x0  }
0x9d: {  	[sflag:s31] =	ssyncadd.s32 $0xFFFFF9C0  }
0x9e: {  	_ =	swait.ge [sflag:s31], $0x640  }
0x9f: {  	[sflag:s31] =	ssyncset.done $0x0  }
0xa0: {  	[sflag:s31] =	ssyncadd.s32 $0xFFFFF9C0  }
0xa1: {  	_ =	swait.ge [sflag:s31], $0x640  }
0xa2: {  	[sflag:s31] =	ssyncset.done $0x0  }
0xa3: {  	[sflag:s31] =	ssyncadd.s32 $0xFFFFF9C0  }
0xa4: {  	_ =	swait.ge [sflag:s31], $0x640  }
0xa5: {  	[sflag:s31] =	ssyncset.done $0x0  }
0xa6: {  	[sflag:s31] =	ssyncadd.s32 $0xFFFFF9C0  }
0xa7: {  	_ =	swait.ge [sflag:s31], $0x640  }
0xa8: {  	[sflag:s31] =	ssyncset.done $0x0  }
0xa9: {  	[sflag:s31] =	ssyncadd.s32 $0xFFFFF9C0  }
0xaa: {  	_ =	swait.ge [sflag:s31], $0x640  }
0xab: {  	[sflag:s31] =	ssyncset.done $0x0  }
0xac: {  	[sflag:s31] =	ssyncadd.s32 $0xFFFFF9C0  }
0xad: {  	_ =	swait.ge [sflag:s31], $0x640  }
0xae: {  	[sflag:s31] =	ssyncset.done $0x0  }
0xaf: {  	[sflag:s31] =	ssyncadd.s32 $0xFFFFF9C0  }
0xb0: {  	_ =	swait.ge [sflag:s31], $0x640  }
0xb1: {  	[sflag:s31] =	ssyncset.done $0x0  }
0xb2: {  	[sflag:s31] =	ssyncadd.s32 $0xFFFFF9C0  }
0xb3: {  	_ =	swait.ge [sflag:s31], $0x640  }
0xb4: {  	[sflag:s31] =	ssyncset.done $0x0  }
0xb5: {  	[sflag:s31] =	ssyncadd.s32 $0xFFFFF9C0  }
0xb6: {  	_ =	swait.ge [sflag:s31], $0x640  }
0xb7: {  	[sflag:s31] =	ssyncset.done $0x0  }
0xb8: {  	[sflag:s31] =	ssyncadd.s32 $0xFFFFF9C0  }
0xb9: {  	_ =	swait.ge [sflag:s31], $0x640  }
0xba: {  	[sflag:s31] =	ssyncset.done $0x0  }
0xbb: {  	[sflag:s31] =	ssyncadd.s32 $0xFFFFF9C0  }
0xbc: {  	_ =	swait.ge [sflag:s0], $0x400  }
0xbd: {  	[sflag:s0] =	ssyncset.done $0x0  }
0xbe: {  	s13 =	simm.s32 $0xD340;
	s14 =	simm.s32 $0xA40;
	[sflag:s0] =	ssyncadd.s32 $0xFFFFFC00  }
.LBB2_3:
0xbf: {  	v0 =	vld [tilespmem:s14+$0xFFFFFCE0]  }
0xc0: {  	v1 =	vld [tilespmem:s14+$0xFFFFFCF0]  }
0xc1: {  	v2 =	vld [tilespmem:s14+$0xFFFFFD00]  }
0xc2: {  	v3 =	vld [tilespmem:s14+$0xFFFFFD10]  }
0xc3: {  	v4 =	vld [tilespmem:s14+$0xFFFFFD20]  }
0xc4: {  	v5 =	vld [tilespmem:s14+$0xFFFFFD30]  }
0xc5: {  	v6 =	vld [tilespmem:s14+$0xFFFFFD40]  }
0xc6: {  	v7 =	vld [tilespmem:s14+$0xFFFFFD50]  }
0xc7: {  	v8 =	vld [tilespmem:s14+$0xFFFFFD60]  }
0xc8: {  	v9 =	vld [tilespmem:s14+$0xFFFFFD70]  }
0xc9: {  	v10 =	vld [tilespmem:s14+$0xFFFFFD80]  }
0xca: {  	v11 =	vld [tilespmem:s14+$0xFFFFFD90]  }
0xcb: {  	v12 =	vld [tilespmem:s14+$0xFFFFFDA0]  }
0xcc: {  	v13 =	vld [tilespmem:s14+$0xFFFFFDB0]  }
0xcd: {  	v14 =	vld [tilespmem:s14+$0xFFFFFDC0]  }
0xce: {  	v15 =	vld [tilespmem:s14+$0xFFFFFDD0]  }
0xcf: {  	v16 =	vld [tilespmem:s14+$0xFFFFFDE0]  }
0xd0: {  	v17 =	vld [tilespmem:s14+$0xFFFFFDF0]  }
0xd1: {  	v18 =	vld [tilespmem:s14+$0xFFFFFE00]  }
0xd2: {  	v19 =	vld [tilespmem:s14+$0xFFFFFE10]  }
0xd3: {  	v20 =	vld [tilespmem:s14+$0xFFFFFE20]  }
0xd4: {  	v21 =	vld [tilespmem:s14+$0xFFFFFE30]  }
0xd5: {  	v22 =	vld [tilespmem:s14+$0xFFFFFE40]  }
0xd6: {  	v23 =	vld [tilespmem:s14+$0xFFFFFE50]  }
0xd7: {  	v24 =	vld [tilespmem:s14+$0xFFFFFE60]  }
0xd8: {  	v25 =	vld [tilespmem:s14+$0xFFFFFE70]  }
0xd9: {  	v26 =	vld [tilespmem:s14+$0xFFFFFE80]  }
0xda: {  	v27 =	vld [tilespmem:s14+$0xFFFFFE90]  }
0xdb: {  	v28 =	vld [tilespmem:s14+$0xFFFFFEA0]  }
0xdc: {  	v29 =	vld [tilespmem:s14+$0xFFFFFEB0]  }
0xdd: {  	v30 =	vld [tilespmem:s14+$0xFFFFFEC0]  }
0xde: {  	v31 =	vld [tilespmem:s14+$0xFFFFFED0]  }
0xdf: {  	v32 =	vld [tilespmem:s14+$0xFFFFFEE0]  }
0xe0: {  	v33 =	vld [tilespmem:s14+$0xFFFFFEF0]  }
0xe1: {  	v34 =	vld [tilespmem:s14+$0xFFFFFF00]  }
0xe2: {  	v35 =	vld [tilespmem:s14+$0xFFFFFF10]  }
0xe3: {  	v36 =	vld [tilespmem:s14+$0xFFFFFF20]  }
0xe4: {  	v37 =	vld [tilespmem:s14+$0xFFFFFF30]  }
0xe5: {  	v38 =	vld [tilespmem:s14+$0xFFFFFF40]  }
0xe6: {  	v39 =	vld [tilespmem:s14+$0xFFFFFF50]  }
0xe7: {  	v40 =	vld [tilespmem:s14+$0xFFFFFF60]  }
0xe8: {  	v41 =	vld [tilespmem:s14+$0xFFFFFF70]  }
0xe9: {  	v42 =	vld [tilespmem:s14+$0xFFFFFF80]  }
0xea: {  	v43 =	vld [tilespmem:s14+$0xFFFFFF90]  }
0xeb: {  	v44 =	vld [tilespmem:s14+$0xFFFFFFA0]  }
0xec: {  	v45 =	vld [tilespmem:s14+$0xFFFFFFB0]  }
0xed: {  	v46 =	vld [tilespmem:s14+$0xFFFFFFC0]  }
0xee: {  	v47 =	vld [tilespmem:s14+$0xFFFFFFD0]  }
0xef: {  	v48 =	vld [tilespmem:s14+$0xFFFFFFE0]  }
0xf0: {  	v49 =	vld [tilespmem:s14+$0xFFFFFFF0]  }
0xf1: {  	v50 =	vld [tilespmem:s14+$0x0]  }
0xf2: {  	v51 =	vld [tilespmem:s14+$0x10]  }
0xf3: {  	v52 =	vld [tilespmem:s14+$0x20]  }
0xf4: {  	v53 =	vld [tilespmem:s14+$0x30]  }
0xf5: {  	v54 =	vld [tilespmem:s14+$0x40]  }
0xf6: {  	v55 =	vld [tilespmem:s14+$0x50]  }
0xf7: {  	v56 =	vld [tilespmem:s14+$0x60]  }
0xf8: {  	v57 =	vld [tilespmem:s14+$0x70]  }
0xf9: {  	v58 =	vld [tilespmem:s14+$0x100];
	v0 =	vadd.f32 v4, v0;
	v2 =	vadd.f32 v6, v2  }
0xfa: {  	v59 =	vld [tilespmem:s14+$0x110];
	v1 =	vadd.f32 v5, v1;
	v3 =	vadd.f32 v7, v3  }
0xfb: {  	v60 =	vld [tilespmem:s14+$0x120];
	v0 =	vadd.f32 v8, v0;
	v2 =	vadd.f32 v10, v2  }
0xfc: {  	v61 =	vld [tilespmem:s14+$0x130];
	v1 =	vadd.f32 v9, v1;
	v3 =	vadd.f32 v11, v3  }
0xfd: {  	v62 =	vld [tilespmem:s14+$0x140];
	v0 =	vadd.f32 v12, v0;
	v2 =	vadd.f32 v14, v2  }
0xfe: {  	v63 =	vld [tilespmem:s14+$0x150];
	v1 =	vadd.f32 v13, v1;
	v3 =	vadd.f32 v15, v3  }
0xff: {  	v4 =	vld [tilespmem:s14+$0x80];
	v0 =	vadd.f32 v16, v0;
	v2 =	vadd.f32 v18, v2  }
0x100: {  	v5 =	vld [tilespmem:s14+$0x90];
	v1 =	vadd.f32 v17, v1;
	v3 =	vadd.f32 v19, v3  }
0x101: {  	v6 =	vld [tilespmem:s14+$0xA0];
	v0 =	vadd.f32 v20, v0;
	v2 =	vadd.f32 v22, v2  }
0x102: {  	v7 =	vld [tilespmem:s14+$0xB0];
	v1 =	vadd.f32 v21, v1;
	v3 =	vadd.f32 v23, v3  }
0x103: {  	v8 =	vld [tilespmem:s14+$0xC0];
	v0 =	vadd.f32 v24, v0;
	v2 =	vadd.f32 v26, v2  }
0x104: {  	v9 =	vld [tilespmem:s14+$0xD0];
	v1 =	vadd.f32 v25, v1;
	v3 =	vadd.f32 v27, v3  }
0x105: {  	v10 =	vld [tilespmem:s14+$0xE0];
	v0 =	vadd.f32 v28, v0;
	v2 =	vadd.f32 v30, v2  }
0x106: {  	v11 =	vld [tilespmem:s14+$0xF0];
	v1 =	vadd.f32 v29, v1;
	v3 =	vadd.f32 v31, v3  }
0x107: {  	v0 =	vadd.f32 v32, v0;
	v2 =	vadd.f32 v34, v2;
	v34 =	vld [tilespmem:s14+$0x160]  }
0x108: {  	v1 =	vadd.f32 v33, v1;
	v3 =	vadd.f32 v35, v3;
	v35 =	vld [tilespmem:s14+$0x170]  }
0x109: {  	v0 =	vadd.f32 v36, v0;
	v2 =	vadd.f32 v38, v2;
	v36 =	vld [tilespmem:s14+$0x180]  }
0x10a: {  	v1 =	vadd.f32 v37, v1;
	v3 =	vadd.f32 v39, v3;
	v38 =	vld [tilespmem:s14+$0x190]  }
0x10b: {  	v39 =	vld [tilespmem:s14+$0x1A0];
	v0 =	vadd.f32 v40, v0;
	v2 =	vadd.f32 v42, v2  }
0x10c: {  	v1 =	vadd.f32 v41, v1;
	v3 =	vadd.f32 v43, v3;
	v40 =	vld [tilespmem:s14+$0x1B0]  }
0x10d: {  	v41 =	vld [tilespmem:s14+$0x1C0];
	v0 =	vadd.f32 v44, v0;
	v2 =	vadd.f32 v46, v2  }
0x10e: {  	v42 =	vld [tilespmem:s14+$0x1D0];
	v1 =	vadd.f32 v45, v1;
	v3 =	vadd.f32 v47, v3  }
0x10f: {  	v43 =	vld [tilespmem:s14+$0x1E0];
	v0 =	vadd.f32 v48, v0;
	v2 =	vadd.f32 v50, v2  }
0x110: {  	v44 =	vld [tilespmem:s14+$0x1F0];
	v1 =	vadd.f32 v49, v1;
	v3 =	vadd.f32 v51, v3  }
0x111: {  	v45 =	vld [tilespmem:s14+$0x200];
	v0 =	vadd.f32 v52, v0;
	v2 =	vadd.f32 v54, v2  }
0x112: {  	v46 =	vld [tilespmem:s14+$0x210];
	v1 =	vadd.f32 v53, v1;
	v3 =	vadd.f32 v55, v3  }
0x113: {  	v47 =	vld [tilespmem:s14+$0x220];
	v0 =	vadd.f32 v56, v0;
	v2 =	vadd.f32 v4, v2  }
0x114: {  	v48 =	vld [tilespmem:s14+$0x230];
	v1 =	vadd.f32 v57, v1;
	v3 =	vadd.f32 v5, v3  }
0x115: {  	v49 =	vld [tilespmem:s14+$0x240];
	v0 =	vadd.f32 v6, v0;
	v2 =	vadd.f32 v8, v2  }
0x116: {  	v50 =	vld [tilespmem:s14+$0x250];
	v1 =	vadd.f32 v7, v1;
	v3 =	vadd.f32 v9, v3  }
0x117: {  	v51 =	vld [tilespmem:s14+$0x260];
	v0 =	vadd.f32 v10, v0;
	v2 =	vadd.f32 v58, v2  }
0x118: {  	v52 =	vld [tilespmem:s14+$0x270];
	v1 =	vadd.f32 v11, v1;
	v3 =	vadd.f32 v59, v3  }
0x119: {  	v53 =	vld [tilespmem:s14+$0x280];
	v0 =	vadd.f32 v60, v0;
	v2 =	vadd.f32 v62, v2  }
0x11a: {  	v54 =	vld [tilespmem:s14+$0x290];
	v1 =	vadd.f32 v61, v1;
	v3 =	vadd.f32 v63, v3  }
0x11b: {  	v55 =	vld [tilespmem:s14+$0x2A0];
	v0 =	vadd.f32 v34, v0;
	v2 =	vadd.f32 v36, v2  }
0x11c: {  	v56 =	vld [tilespmem:s14+$0x2B0];
	v1 =	vadd.f32 v35, v1;
	v3 =	vadd.f32 v38, v3  }
0x11d: {  	v57 =	vld [tilespmem:s14+$0x2C0];
	v0 =	vadd.f32 v39, v0;
	v2 =	vadd.f32 v41, v2  }
0x11e: {  	v58 =	vld [tilespmem:s14+$0x2D0];
	v1 =	vadd.f32 v40, v1;
	v3 =	vadd.f32 v42, v3  }
0x11f: {  	v59 =	vld [tilespmem:s14+$0x2E0];
	v0 =	vadd.f32 v43, v0;
	v2 =	vadd.f32 v45, v2  }
0x120: {  	s15 =	sshra.s32 s11, $0x2;
	v60 =	vld [tilespmem:s14+$0x2F0];
	v1 =	vadd.f32 v44, v1;
	v3 =	vadd.f32 v46, v3  }
0x121: {  	v61 =	vld [tilespmem:s15+$0xCF20];
	v0 =	vadd.f32 v47, v0;
	v2 =	vadd.f32 v49, v2  }
0x122: {  	v62 =	vld [tilespmem:s14+$0x300];
	v1 =	vadd.f32 v48, v1;
	v3 =	vadd.f32 v50, v3  }
0x123: {  	v63 =	vld [tilespmem:s14+$0x310];
	v0 =	vadd.f32 v51, v0;
	v2 =	vadd.f32 v53, v2  }
0x124: {  	v1 =	vadd.f32 v52, v1;
	v3 =	vadd.f32 v54, v3  }
0x125: {  	v0 =	vadd.f32 v55, v0;
	v2 =	vadd.f32 v57, v2  }
0x126: {  	[tilespmem:s13+$0xFFFFFFE0] =	vst v61;
	v1 =	vadd.f32 v56, v1;
	v3 =	vadd.f32 v58, v3  }
0x127: {  	v4 =	vld [tilespmem:s15+$0xCF30];
	v0 =	vadd.f32 v59, v0;
	v2 =	vadd.f32 v62, v2  }
0x128: {  	v1 =	vadd.f32 v60, v1;
	v3 =	vadd.f32 v63, v3  }
0x129: {  	p0 =	sne.s32 s11, $0xF80;
	v0 =	vadd.f32 v2, v0  }
.Ltmp0:
0x12a: {  	v1 =	vadd.f32 v3, v1;
	(pc) =	sbr.rel @p0 .LBB2_3-.Ltmp0, $4  }
0x12b: {  	v0 =	vmul.f32 $1.999999960e-02, v0  }
0x12c: {  	[tilespmem:s13+$0xFFFFFFF0] =	vst v4;
	v1 =	vmul.f32 $1.999999960e-02, v1  }
0x12d: {  	[tilespmem:s13+$0x0] =	vst v0  }
0x12e: {  	s11 =	sadd.s32 $0x80, s11;
	s14 =	sadd.s32 $0x640, s14;
	[tilespmem:s13+$0x10] =	vst v1;
	s13 =	sadd.s32 $0x40, s13  }
0x12f: {  	s8 =	sadd.s32 $0x1, s8  }
0x130: {  	s1 =	sshll.u32 s1, $0x8;
	p0 =	sne.s32 s8, $0x10  }
.Ltmp1:
0x131: {  	s11 =	simm.s32 $0x0;
	s1 =	sadd.s32 s6, s1;
	(pc) =	sbr.rel @p0 .LBB2_2-.Ltmp1, $4  }
0x132: {  	[hbm4b:s1+s11] =	stream.linear.scatter [tilespmem:s2], [sflag:$0x3], $0x800, $0x38;
	[tilespmem:$0xDB20] =	vst v63  }
0x133: {  	_ =	swait.ge [sflag:s9], $0x800  }
0x134: {  	[sflag:s9] =	ssyncset.done $0x0  }
0x135: {  	[sflag:s9] =	ssyncadd.s32 $0xFFFFF800  }
0x136: {  	s8 =	rddreg [dreg:$0x3]  }
0x137: {  	s1 =	rddreg [dreg:$0x2];
	s8 =	sadd.s32 $0x1, s8  }
0x138: {  	p0 =	sne.s32 s8, s1  }
.Ltmp2:
0x139: {  	_ = 	snop;
	(pc) =	sbr.rel @p0 .LBB2_1-.Ltmp2, $1  }
0x13a: {  	_ =	sdelay $0x3  }
0x13b: {  	_ =	sfence.sel $0x180000  }
0x13c: {  	[bflag:$0x0] =	sbarrier.arrive $0xFFFF  }
0x13d: {  	_ =	strace $0x9000004A  }
0x13e: {  	s0 =	stileid.u32;
	[bflag:$0x2] =	sbarrier.arrive $0xFFFF  }
0x13f: {  	p0 =	sne.s32 s0, $0x0;
	s0 =	rddreg [dreg:$0x1]  }
0x140: {  	s0 =	sadd.s32 @!p0 $0x100000, s0  }
0x141: {  	[sflag:s0] =	ssyncadd.tile.s32 @!p0 $0x1;
	_ =	shalt  }
.Lfunc_end2:
_tile_overlayer_lowered:
.L_overlay_start_2:
0x142: {  	(tag) =	ssettag $0x2  }
0x143: {  	s0 =	rddreg [dreg:$0x0];
	s2 =	stileid.u32  }
0x144: {  	s1 =	rddreg [dreg:$0x1];
	p0 =	sne.s32 s2, $0x0  }
0x145: {  	s3 =	rddreg [dreg:$0x2];
	[bflag:$0x3] =	sbarrier.arrive $0xFFFF;
	s2 =	simm.s32 @!p0 $0x1C03  }
0x146: {  	[timem:s3], [sflag:s2] =	dma.local @!p0 [hbm:s0], s1  }
0x147: {  	s0 =	simm.s32 @!p0 $0x3  }
0x148: {  	_ =	swait.ge @!p0 [sflag:s0], s1  }
0x149: {  	s1 =	ssub.s32 @!p0 $0x0, s1;
	[sflag:s0] =	ssyncset.done @!p0 $0x0  }
0x14a: {  	[sflag:s0] =	ssyncadd.s32 @!p0 s1  }
0x14b: {  	[bflag:$0x3] =	sbarrier.arrive $0xFFFF  }
0x14c: {  	_ =	shalt  }

// kernel: kernel.7.cloned.1.call-start
scs
__scs_entry_jumppad:
0x0: {  	(pc) =	sbr.rel $0x88, $3  }
0x1: {  	(tag) =	ssettag $0x0;
	lr =	simm.s32 $0x1  }
0x2: {  	[smem:$0x3F97] =	sst lr;
	_ =	strace $0xD0000000  }
0x3: {  	_ = 	snop  }
0x4: {  	_ = 	snop  }
0x5: {  	_ = 	snop  }
0x6: {  	_ = 	snop  }
0x7: {  	_ = 	snop  }
__scs_overlays_trampoline_lowered:
0x8: {  	[smem:$0x3FA6] =	sst s0  }
0x9: {  	[smem:$0x3FA7] =	sst s1  }
0xa: {  	[smem:$0x3FA8] =	sst s2  }
0xb: {  	[smem:$0x3FA9] =	sst s3  }
0xc: {  	[smem:$0x3FAA] =	sst s4  }
0xd: {  	[smem:$0x3FAB] =	sst s5  }
0xe: {  	[smem:$0x3FAC] =	sst s6  }
0xf: {  	[smem:$0x3FAD] =	sst s7  }
0x10: {  	[smem:$0x3FAE] =	sst s8  }
0x11: {  	[smem:$0x3FAF] =	sst s9;
	s0 =	simm.s32 @!p0 $0x0  }
0x12: {  	s1 =	sld [smem:$0x3F95];
	s0 =	simm.s32 @p0 $0x1  }
0x13: {  	[smem:$0x3FB0] =	sst s0;
	s0 =	simm.s32 @!p1 $0x0  }
0x14: {  	s2 =	sld [smem:$0x3F94];
	s0 =	simm.s32 @p1 $0x1  }
0x15: {  	[smem:$0x3FB1] =	sst s0;
	s0 =	simm.s32 @!p2 $0x0  }
0x16: {  	s3 =	sld [smem:$0x3FDB];
	s0 =	simm.s32 @p2 $0x1  }
0x17: {  	s4 =	simm.s32 $0x1BF5;
	[smem:$0x3FB3] =	sst s0  }
0x18: {  	s0 =	sld [smem:$0x3F96];
	_ =	swait.ge [sflag:s4], $0x0  }
0x19: {  	s7 =	sld [smem:$0x3F97]  }
0x1a: {  	s8 =	sadd.s32 $0xFFFFE003, lr  }
0x1b: {  	s9 =	sadd.s32 $0xFFFFFEF7, lr;
	s5 =	simm.s32 $0xFFFFFFFF;
	p2 =	slt.u32 s8, $0xFFFFF086  }
0x1c: {  	p1 =	slt.u32 s9, $0xF7A;
	s5 =	simm.s32 @!p2 $0x0  }
0x1d: {  	s5 =	simm.s32 @p1 $0x1;
	p0 =	seq.s32 s7, s2  }
0x1e: {  	s7 =	smul.u32 @!p0 $0xF7A, s2;
	p2 =	seq.s32 @!p0 s5, $0x0  }
0x1f: {  	s9 =	smul.u32 $0xF7A, s1;
	s8 =	simm.s32 @!p0 $0x1BF5;
	p2 =	por !p2, p0  }
0x20: {  	[sflag:s8] =	ssyncset.s32 @!p0 $0xFFFFF086;
	s6 =	sadd.s32 @!p0 s3, s7;
	s7 =	simm.s32 @!p0 $0x108  }
0x21: {  	s3 =	sadd.s32 s3, s9;
	s6 =	sadd.s32 @!p0 $0x88, s6;
	s7 =	simm.s32 @p2 $0x1082  }
0x22: {  	[simem:s7], [sflag:s8] =	dma.local @!p0 [hbm:s6], $0xF7A  }
0x23: {  	s9 =	sor.u32 $0xD0000000, s2;
	s6 =	simm.s32 $0x108;
	_ =	swait.ge @!p0 [sflag:s8], $0x0  }
0x24: {  	s3 =	sadd.s32 $0x88, s3;
	s6 =	simm.s32 @!p1 $0x1082;
	[sflag:s4] =	ssyncset.s32 $0xFFFFF086  }
0x25: {  	[simem:s6], [sflag:s4] =	dma.local [hbm:s3], $0xF7A  }
0x26: {  	[smem:$0x3F97] =	sst s1;
	(tag) =	ssettag s2;
	_ =	strace s9  }
0x27: {  	s1 =	sld [smem:$0x3FA7]  }
0x28: {  	s2 =	sld [smem:$0x3FA8]  }
0x29: {  	s4 =	sld [smem:$0x3FAA]  }
0x2a: {  	p0 =	seq.s32 s5, $0x0;
	s5 =	sld [smem:$0x3FAB]  }
0x2b: {  	s6 =	sld [smem:$0x3FAC]  }
0x2c: {  	s7 =	sld [smem:$0x3FAD]  }
0x2d: {  	s3 =	simm.s32 $0x108;
	s8 =	sld [smem:$0x3FAE]  }
0x2e: {  	s3 =	simm.s32 @!p0 $0x1082;
	s9 =	sld [smem:$0x3FAF]  }
0x2f: {  	lr =	sadd.s32 s0, s3;
	s0 =	sld [smem:$0x3FA6]  }
0x30: {  	s3 =	sld [smem:$0x3FA9]  }
0x31: {  	[smem:$0x3FB2] =	sst s10  }
0x32: {  	s10 =	sld [smem:$0x3FB0];
	_ =	sdelay $0x3  }
0x33: {  	p0 =	seq.s32 s10, $0x1;
	s10 =	sld [smem:$0x3FB2];
	_ =	sdelay $0x3  }
0x34: {  	[smem:$0x3FB2] =	sst s10  }
0x35: {  	s10 =	sld [smem:$0x3FB1];
	_ =	sdelay $0x3  }
0x36: {  	p1 =	seq.s32 s10, $0x1;
	s10 =	sld [smem:$0x3FB2];
	_ =	sdelay $0x3  }
0x37: {  	[smem:$0x3FB2] =	sst s10  }
0x38: {  	s10 =	sld [smem:$0x3FB3]  }
0x39: {  	_ = 	snop;
	(pc) =	sbr.ind lr, $3  }
0x3a: {  	_ = 	snop  }
0x3b: {  	_ = 	snop  }
0x3c: {  	p2 =	seq.s32 s10, $0x1;
	s10 =	sld [smem:$0x3FB2]  }
0x3d: {  	_ =	shalt  }
0x3e: {  	_ =	shalt  }
0x3f: {  	_ =	shalt  }
0x40: {  	_ =	shalt  }
0x41: {  	_ =	shalt  }
0x42: {  	_ =	shalt  }
0x43: {  	_ =	shalt  }
0x44: {  	_ =	shalt  }
0x45: {  	_ =	shalt  }
0x46: {  	_ =	shalt  }
0x47: {  	_ =	shalt  }
0x48: {  	_ =	shalt  }
0x49: {  	_ =	shalt  }
0x4a: {  	_ =	shalt  }
0x4b: {  	_ =	shalt  }
0x4c: {  	_ =	shalt  }
0x4d: {  	_ =	shalt  }
0x4e: {  	_ =	shalt  }
0x4f: {  	_ =	shalt  }
0x50: {  	_ =	shalt  }
0x51: {  	_ =	shalt  }
0x52: {  	_ =	shalt  }
0x53: {  	_ =	shalt  }
0x54: {  	_ =	shalt  }
0x55: {  	_ =	shalt  }
0x56: {  	_ =	shalt  }
0x57: {  	_ =	shalt  }
0x58: {  	_ =	shalt  }
0x59: {  	_ =	shalt  }
0x5a: {  	_ =	shalt  }
0x5b: {  	_ =	shalt  }
0x5c: {  	_ =	shalt  }
0x5d: {  	_ =	shalt  }
0x5e: {  	_ =	shalt  }
0x5f: {  	_ =	shalt  }
0x60: {  	_ =	shalt  }
0x61: {  	_ =	shalt  }
0x62: {  	_ =	shalt  }
0x63: {  	_ =	shalt  }
0x64: {  	_ =	shalt  }
0x65: {  	_ =	shalt  }
0x66: {  	_ =	shalt  }
0x67: {  	_ =	shalt  }
0x68: {  	_ =	shalt  }
0x69: {  	_ =	shalt  }
0x6a: {  	_ =	shalt  }
0x6b: {  	_ =	shalt  }
0x6c: {  	_ =	shalt  }
0x6d: {  	_ =	shalt  }
0x6e: {  	_ =	shalt  }
0x6f: {  	_ =	shalt  }
0x70: {  	_ =	shalt  }
0x71: {  	_ =	shalt  }
0x72: {  	_ =	shalt  }
0x73: {  	_ =	shalt  }
0x74: {  	_ =	shalt  }
0x75: {  	_ =	shalt  }
0x76: {  	_ =	shalt  }
0x77: {  	_ =	shalt  }
0x78: {  	_ =	shalt  }
0x79: {  	_ =	shalt  }
0x7a: {  	_ =	shalt  }
0x7b: {  	_ =	shalt  }
0x7c: {  	_ =	shalt  }
0x7d: {  	_ =	shalt  }
0x7e: {  	_ =	shalt  }
0x7f: {  	_ =	shalt  }
0x80: {  	_ =	shalt  }
0x81: {  	_ =	shalt  }
0x82: {  	_ =	shalt  }
0x83: {  	_ =	shalt  }
0x84: {  	_ =	shalt  }
0x85: {  	_ =	shalt  }
0x86: {  	_ =	shalt  }
0x87: {  	_ =	shalt  }
.Lfunc_end0:
.L_simem_size_0:
called_computation_lowered:
.L_overlay_start_0:
0x88: {  	s2 =	sld [smem:$0x3FD9]  }
0x89: {  	s3 =	sld [smem:$0x3FFE];
	_ =	sdelay $0x1  }
0x8a: {  	s1 =	srdreg.scid  }
0x8b: {  	s0 =	sand.u32 $0x1, s1  }
0x8c: {  	s17 =	sshll.u32 s0, $0xA;
	s2 =	sadd.s32 s3, s2  }
0x8d: {  	s2 =	sadd.s32 s2, s17  }
0x8e: {  	[smem:$0x3FBE] =	sst s2  }
0x8f: {  	_ = 	snop  }
0x90: {  	s2 =	sld [smem:$0x3FD0];
	(tm) =	ssettm $0x1  }
0x91: {  	s18 =	sld [smem:$0x3FFB];
	_ =	sdelay $0x3  }
0x92: {  	_ =	strace s18  }
0x93: {  	s3 =	sld [smem:$0x3FFC];
	_ =	sdelay $0x3  }
0x94: {  	_ =	strace s3  }
0x95: {  	s3 =	sld [smem:$0x3FFD];
	_ =	sdelay $0x3  }
0x96: {  	_ =	strace s3  }
0x97: {  	_ =	strace $0x8FFFFFFF  }
0x98: {  	s19 =	sld [smem:$0x3FDB];
	_ =	sdelay $0x1  }
0x99: {  	s4 =	simm.s32 $_scs_section_size  }
0x9a: {  	s5 =	simm.s32 $_size__tile_overlayer_lowered;
	s6 =	simm.s32 $_tile_overlayer_lowered  }
0x9b: {  	s22 =	simm.s32 $0x1BFF;
	s21 =	sshll.u32 s6, $0x1;
	s3 =	sadd.s32 s4, s19  }
0x9c: {  	s7 =	simm.s32 $0x0;
	s20 =	sshll.u32 s5, $0x1;
	s5 =	sadd.s32 s21, s3  }
0x9d: {  	[timem:s7], [sflag:s22] =	dma.local [hbm:s5], s20  }
0x9e: {  	_ =	swait.ge [sflag:s22], s20  }
0x9f: {  	s4 =	ssub.s32 $0x0, s20;
	[sflag:s22] =	ssyncset.done $0x0  }
0xa0: {  	[sflag:s22] =	ssyncadd.s32 s4;
	_ =	sdelay $0x1  }
0xa1: {  	s23 =	simm.s32 $0x1B8B  }
0xa2: {  	_ =	swait.ge [sflag:s23], $0x1  }
0xa3: {  	[sflag:s23] =	ssyncset.done $0x0  }
0xa4: {  	s25 =	simm.s32 $0x1B8E;
	s24 =	sld [smem:$0x3FFE];
	[sflag:s23] =	ssyncadd.s32 $0xFFFFFFFF  }
0xa5: {  	s26 =	simm.s32 $execute0_lowered;
	[smem:$0x3FD2] =	sst s25  }
0xa6: {  	s5 =	sshll.u32 s26, $0x1;
	_ =	strace $0x80000046;
	[dreg:$0x1] =	wrdreg $0xFFFFFFFF  }
0xa7: {  	s28 =	simm.s32 $_size_execute0_lowered;
	s3 =	sadd.s32 s3, s5;
	[dreg:$0x0] =	wrdreg $0x0  }
0xa8: {  	s5 =	sshll.u32 s28, $0x1;
	[dreg:$0x2] =	wrdreg s3  }
0xa9: {  	[dreg:$0x3] =	wrdreg s5  }
0xaa: {  	[dreg:$0x4] =	wrdreg $0xC0  }
0xab: {  	_ =	task [dreg:s7], $0x5FFFF  }
0xac: {  	[dreg:$0x1] =	wrdreg $0xFFFFFFFF  }
0xad: {  	[dreg:$0x0] =	wrdreg $0x60  }
0xae: {  	[dreg:$0x2] =	wrdreg s2  }
0xaf: {  	[dreg:$0x3] =	wrdreg s24  }
0xb0: {  	[dreg:$0x4] =	wrdreg $0x9  }
0xb1: {  	_ =	task.clear_ibuf [dreg:s7], $0x5FFFF;
	_ =	strace $0x90000046  }
0xb2: {  	s29 =	simm.s32 $0x9;
	_ =	strace $0x80000048  }
0xb3: {  	_ =	swait.ge [sflag:s29], $0x1  }
0xb4: {  	[sflag:s29] =	ssyncadd.s32 $0xFFFFFFFF  }
0xb5: {  	_ =	strace $0x90000048  }
0xb6: {  	_ =	sfence  }
0xb7: {  	s30 =	sld [smem:$0x0];
	_ =	sdelay $0x2  }
0xb8: {  	s31 =	sshll.u32 s1, $0xD;
	s1 =	sshrl.u32 s1, $0x2  }
0xb9: {  	s3 =	sand.u32 $0x4000, s31;
	s1 =	sadd.s32 s1, s30  }
0xba: {  	s0 =	sor.u32 s3, s0;
	s1 =	sshll.u32 s1, $0x11  }
0xbb: {  	s0 =	sor.u32 s1, s0  }
0xbc: {  	s0 =	sadd.s32 $0x8F2B, s0  }
0xbd: {  	[sflag:s0] =	ssyncadd.remote.s32 $0x1  }
0xbe: {  	_ =	sfence.sel $0xFFFF  }
0xbf: {  	[dreg:$0x0] =	wrdreg $0xFFFFFFFF;
	(pc) =	sbr.abs _section_cstart, $3  }
0xc0: {  	[dreg:$0x1] =	wrdreg $0xFFFFFFFF  }
0xc1: {  	_ =	task.clear_ibuf [dreg:s7], $0x2FFFF;
	_ =	strace $0x9FFFFFFF  }
0xc2: {  	(tm) =	ssettm $0x7FFFFFFF  }
0xc3: {  	_ =	shalt  }
tec
execute0_lowered:
.L_overlay_start_1:
0x0: {  	(tag) =	ssettag $0x1  }
0x1: {  	s0 =	rddreg [dreg:$0x1]  }
0x2: {  	s1 =	simm.s32 $0x0;
	s25 =	srdreg.scid;
	s6 =	stileid.u32  }
0x3: {  	s9 =	simm.s32 $0x3;
	s10 =	simm.s32 $0x20;
	s12 =	simm.s32 $0x32  }
0x4: {  	s13 =	simm.s32 $0x9D20;
	s14 =	simm.s32 $0x598;
	s15 =	simm.s32 $0xA360  }
0x5: {  	s16 =	simm.s32 $0x5D0;
	s17 =	simm.s32 $0xA9A0;
	s18 =	simm.s32 $0x608  }
0x6: {  	s19 =	simm.s32 $0xAFE0;
	s20 =	simm.s32 $0x640;
	s21 =	simm.s32 $0xB620  }
0x7: {  	s22 =	simm.s32 $0x678;
	s23 =	simm.s32 $0xBC60;
	s24 =	simm.s32 $0x6B0  }
0x8: {  	s28 =	simm.s32 $0xC8E0;
	s29 =	simm.s32 $0x1;
	s30 =	simm.s32 $0x2  }
0x9: {  	s31 =	simm.s32 $0xD320;
	[smem:$0x7FF] =	sst s1;
	s1 =	sand.u32 $0x1, s25  }
0xa: {  	s4 =	sadd.s32 $0x1000, s0;
	s5 =	sadd.s32 $0x1D000, s0;
	s2 =	ssub.s32 $0x2, s1  }
0xb: {  	s7 =	sshll.u32 s6, $0x5;
	s6 =	sadd.s32 $0x3FD000, s0;
	s3 =	sshrl.u32 s2, $0x1  }
0xc: {  	s25 =	simm.s32 $0xC2A0;
	s1 =	sshll.u32 s1, $0x4;
	s26 =	ssub.s32 s2, s3  }
0xd: {  	_ =	strace $0x80000047;
	s7 =	sor.u32 s1, s7;
	s0 =	smax.u32 s26, $0x1  }
0xe: {  	s1 =	simm.s32 $0x0;
	s26 =	simm.s32 $0x6E8;
	[dreg:$0x3] =	wrdreg s0  }
.LBB2_1:
0xf: {  	[dreg:$0x4] =	wrdreg s1;
	s0 =	simm.s32 $0x0  }
.LBB2_2:
0x10: {  	s3 =	sadd.s32 s7, s0  }
0x11: {  	s2 =	rddreg [dreg:$0x0];
	s1 =	sshll.u32 s3, $0x2  }
0x12: {  	s8 =	simm.s32 $0x0;
	s1 =	sadd.s32 s2, s1  }
0x13: {  	[tilespmem:s8], [sflag:$0x3] =	stream.linear.gather [hbm4b:s1+s8], $0x20, $0x38;
	[tilespmem:$0xDB20] =	vst v63  }
0x14: {  	s11 =	smul.u32 $0xE0, s3;
	_ =	swait.ge [sflag:s9], $0x20  }
0x15: {  	[sflag:s9] =	ssyncset.done $0x0  }
0x16: {  	s1 =	sadd.s32 s4, s11;
	[sflag:s9] =	ssyncadd.s32 $0xFFFFFFE0  }
0x17: {  	[tilespmem:s10], [sflag:$0x3] =	stream.linear.gather [hbm4b:s1+s8], $0x700, $0x38;
	[tilespmem:$0xDB20] =	vst v63  }
0x18: {  	_ =	swait.ge [sflag:s9], $0x700  }
0x19: {  	[sflag:s9] =	ssyncset.done $0x0  }
0x1a: {  	s2 =	simm.s32 $0xCF20;
	[sflag:s9] =	ssyncadd.s32 $0xFFFFF900  }
0x1b: {  	[tilespmem:s2], [sflag:$0x2] =	stream.indirect.gather [hbm4b:s5+s10], $0x20, s8, s10, $0xb8;
	[tilespmem:$0xDB20] =	vst v63  }
0x1c: {  	s11 =	simm.s32 $0x720  }
0x1d: {  	[tilespmem:s11], [sflag:$0x1] =	stream.indirect.gather [hbm4b:s5+s12], $0x20, s10, s12, $0xb8;
	[tilespmem:$0xDB20] =	vst v63  }
0x1e: {  	s2 =	simm.s32 $0x58;
	s11 =	simm.s32 $0xD60  }
0x1f: {  	[tilespmem:s11], [sflag:$0x1] =	stream.indirect.gather [hbm4b:s5+s12], $0x20, s2, s12, $0xb8;
	[tilespmem:$0xDB20] =	vst v63  }
0x20: {  	s2 =	simm.s32 $0x90;
	s11 =	simm.s32 $0x13A0  }
0x21: {  	[tilespmem:s11], [sflag:$0x1] =	stream.indirect.gather [hbm4b:s5+s12], $0x20, s2, s12, $0xb8;
	[tilespmem:$0xDB20] =	vst v63  }
0x22: {  	s2 =	simm.s32 $0xC8;
	s11 =	simm.s32 $0x19E0  }
0x23: {  	[tilespmem:s11], [sflag:$0x1] =	stream.indirect.gather [hbm4b:s5+s12], $0x20, s2, s12, $0xb8;
	[tilespmem:$0xDB20] =	vst v63  }
0x24: {  	s2 =	simm.s32 $0x100;
	s11 =	simm.s32 $0x2020  }
0x25: {  	[tilespmem:s11], [sflag:$0x1] =	stream.indirect.gather [hbm4b:s5+s12], $0x20, s2, s12, $0xb8;
	[tilespmem:$0xDB20] =	vst v63  }
0x26: {  	s2 =	simm.s32 $0x138;
	s11 =	simm.s32 $0x2660  }
0x27: {  	[tilespmem:s11], [sflag:$0x1] =	stream.indirect.gather [hbm4b:s5+s12], $0x20, s2, s12, $0xb8;
	[tilespmem:$0xDB20] =	vst v63  }
0x28: {  	s2 =	simm.s32 $0x170;
	s11 =	simm.s32 $0x2CA0  }
0x29: {  	[tilespmem:s11], [sflag:$0x1] =	stream.indirect.gather [hbm4b:s5+s12], $0x20, s2, s12, $0xb8;
	[tilespmem:$0xDB20] =	vst v63  }
0x2a: {  	s2 =	simm.s32 $0x1A8;
	s11 =	simm.s32 $0x32E0  }
0x2b: {  	[tilespmem:s11], [sflag:$0x1] =	stream.indirect.gather [hbm4b:s5+s12], $0x20, s2, s12, $0xb8;
	[tilespmem:$0xDB20] =	vst v63  }
0x2c: {  	s2 =	simm.s32 $0x1E0;
	s11 =	simm.s32 $0x3920  }
0x2d: {  	[tilespmem:s11], [sflag:$0x1] =	stream.indirect.gather [hbm4b:s5+s12], $0x20, s2, s12, $0xb8;
	[tilespmem:$0xDB20] =	vst v63  }
0x2e: {  	s2 =	simm.s32 $0x218;
	s11 =	simm.s32 $0x3F60  }
0x2f: {  	[tilespmem:s11], [sflag:$0x1] =	stream.indirect.gather [hbm4b:s5+s12], $0x20, s2, s12, $0xb8;
	[tilespmem:$0xDB20] =	vst v63  }
0x30: {  	s2 =	simm.s32 $0x250;
	s11 =	simm.s32 $0x45A0  }
0x31: {  	[tilespmem:s11], [sflag:$0x1] =	stream.indirect.gather [hbm4b:s5+s12], $0x20, s2, s12, $0xb8;
	[tilespmem:$0xDB20] =	vst v63  }
0x32: {  	s2 =	simm.s32 $0x288;
	s11 =	simm.s32 $0x4BE0  }
0x33: {  	[tilespmem:s11], [sflag:$0x1] =	stream.indirect.gather [hbm4b:s5+s12], $0x20, s2, s12, $0xb8;
	[tilespmem:$0xDB20] =	vst v63  }
0x34: {  	s2 =	simm.s32 $0x2C0;
	s11 =	simm.s32 $0x5220  }
0x35: {  	[tilespmem:s11], [sflag:$0x1] =	stream.indirect.gather [hbm4b:s5+s12], $0x20, s2, s12, $0xb8;
	[tilespmem:$0xDB20] =	vst v63  }
0x36: {  	s2 =	simm.s32 $0x2F8;
	s11 =	simm.s32 $0x5860  }
0x37: {  	[tilespmem:s11], [sflag:$0x1] =	stream.indirect.gather [hbm4b:s5+s12], $0x20, s2, s12, $0xb8;
	[tilespmem:$0xDB20] =	vst v63  }
0x38: {  	s2 =	simm.s32 $0x330;
	s11 =	simm.s32 $0x5EA0  }
0x39: {  	[tilespmem:s11], [sflag:$0x1] =	stream.indirect.gather [hbm4b:s5+s12], $0x20, s2, s12, $0xb8;
	[tilespmem:$0xDB20] =	vst v63  }
0x3a: {  	s2 =	simm.s32 $0x368;
	s11 =	simm.s32 $0x64E0  }
0x3b: {  	[tilespmem:s11], [sflag:$0x1] =	stream.indirect.gather [hbm4b:s5+s12], $0x20, s2, s12, $0xb8;
	[tilespmem:$0xDB20] =	vst v63  }
0x3c: {  	s2 =	simm.s32 $0x3A0;
	s11 =	simm.s32 $0x6B20  }
0x3d: {  	[tilespmem:s11], [sflag:$0x1] =	stream.indirect.gather [hbm4b:s5+s12], $0x20, s2, s12, $0xb8;
	[tilespmem:$0xDB20] =	vst v63  }
0x3e: {  	s2 =	simm.s32 $0x3D8;
	s11 =	simm.s32 $0x7160  }
0x3f: {  	[tilespmem:s11], [sflag:$0x1] =	stream.indirect.gather [hbm4b:s5+s12], $0x20, s2, s12, $0xb8;
	[tilespmem:$0xDB20] =	vst v63  }
0x40: {  	s2 =	simm.s32 $0x410;
	s11 =	simm.s32 $0x77A0  }
0x41: {  	[tilespmem:s11], [sflag:$0x1] =	stream.indirect.gather [hbm4b:s5+s12], $0x20, s2, s12, $0xb8;
	[tilespmem:$0xDB20] =	vst v63  }
0x42: {  	s2 =	simm.s32 $0x448;
	s11 =	simm.s32 $0x7DE0  }
0x43: {  	[tilespmem:s11], [sflag:$0x1] =	stream.indirect.gather [hbm4b:s5+s12], $0x20, s2, s12, $0xb8;
	[tilespmem:$0xDB20] =	vst v63  }
0x44: {  	s2 =	simm.s32 $0x480;
	s11 =	simm.s32 $0x8420  }
0x45: {  	[tilespmem:s11], [sflag:$0x1] =	stream.indirect.gather [hbm4b:s5+s12], $0x20, s2, s12, $0xb8;
	[tilespmem:$0xDB20] =	vst v63  }
0x46: {  	s2 =	simm.s32 $0x4B8;
	s11 =	simm.s32 $0x8A60  }
0x47: {  	[tilespmem:s11], [sflag:$0x1] =	stream.indirect.gather [hbm4b:s5+s12], $0x20, s2, s12, $0xb8;
	[tilespmem:$0xDB20] =	vst v63  }
0x48: {  	s2 =	simm.s32 $0x4F0;
	s11 =	simm.s32 $0x90A0  }
0x49: {  	[tilespmem:s11], [sflag:$0x1] =	stream.indirect.gather [hbm4b:s5+s12], $0x20, s2, s12, $0xb8;
	[tilespmem:$0xDB20] =	vst v63  }
0x4a: {  	s2 =	simm.s32 $0x528;
	s11 =	simm.s32 $0x96E0  }
0x4b: {  	[tilespmem:s11], [sflag:$0x1] =	stream.indirect.gather [hbm4b:s5+s12], $0x20, s2, s12, $0xb8;
	[tilespmem:$0xDB20] =	vst v63  }
0x4c: {  	s11 =	simm.s32 $0x560  }
0x4d: {  	[tilespmem:s13], [sflag:$0x1] =	stream.indirect.gather [hbm4b:s5+s12], $0x20, s11, s12, $0xb8;
	[tilespmem:$0xDB20] =	vst v63  }
0x4e: {  	_ = 	snop  }
0x4f: {  	[tilespmem:s15], [sflag:$0x1] =	stream.indirect.gather [hbm4b:s5+s12], $0x20, s14, s12, $0xb8;
	[tilespmem:$0xDB20] =	vst v63  }
0x50: {  	_ = 	snop  }
0x51: {  	[tilespmem:s17], [sflag:$0x1] =	stream.indirect.gather [hbm4b:s5+s12], $0x20, s16, s12, $0xb8;
	[tilespmem:$0xDB20] =	vst v63  }
0x52: {  	_ = 	snop  }
0x53: {  	[tilespmem:s19], [sflag:$0x1] =	stream.indirect.gather [hbm4b:s5+s12], $0x20, s18, s12, $0xb8;
	[tilespmem:$0xDB20] =	vst v63  }
0x54: {  	_ = 	snop  }
0x55: {  	[tilespmem:s21], [sflag:$0x1] =	stream.indirect.gather [hbm4b:s5+s12], $0x20, s20, s12, $0xb8;
	[tilespmem:$0xDB20] =	vst v63  }
0x56: {  	_ = 	snop  }
0x57: {  	[tilespmem:s23], [sflag:$0x1] =	stream.indirect.gather [hbm4b:s5+s12], $0x20, s22, s12, $0xb8;
	[tilespmem:$0xDB20] =	vst v63  }
0x58: {  	_ = 	snop  }
0x59: {  	[tilespmem:s25], [sflag:$0x1] =	stream.indirect.gather [hbm4b:s5+s12], $0x20, s24, s12, $0xb8;
	[tilespmem:$0xDB20] =	vst v63  }
0x5a: {  	_ = 	snop  }
0x5b: {  	[tilespmem:s28], [sflag:$0x1] =	stream.indirect.gather [hbm4b:s5+s12], $0x20, s26, s12, $0xb8;
	[tilespmem:$0xDB20] =	vst v63  }
0x5c: {  	_ =	swait.ge [sflag:s29], $0x640  }
0x5d: {  	[sflag:s29] =	ssyncset.done $0x0  }
0x5e: {  	[sflag:s29] =	ssyncadd.s32 $0xFFFFF9C0  }
0x5f: {  	_ =	swait.ge [sflag:s29], $0x640  }
0x60: {  	[sflag:s29] =	ssyncset.done $0x0  }
0x61: {  	[sflag:s29] =	ssyncadd.s32 $0xFFFFF9C0  }
0x62: {  	_ =	swait.ge [sflag:s29], $0x640  }
0x63: {  	[sflag:s29] =	ssyncset.done $0x0  }
0x64: {  	[sflag:s29] =	ssyncadd.s32 $0xFFFFF9C0  }
0x65: {  	_ =	swait.ge [sflag:s29], $0x640  }
0x66: {  	[sflag:s29] =	ssyncset.done $0x0  }
0x67: {  	[sflag:s29] =	ssyncadd.s32 $0xFFFFF9C0  }
0x68: {  	_ =	swait.ge [sflag:s29], $0x640  }
0x69: {  	[sflag:s29] =	ssyncset.done $0x0  }
0x6a: {  	[sflag:s29] =	ssyncadd.s32 $0xFFFFF9C0  }
0x6b: {  	_ =	swait.ge [sflag:s29], $0x640  }
0x6c: {  	[sflag:s29] =	ssyncset.done $0x0  }
0x6d: {  	[sflag:s29] =	ssyncadd.s32 $0xFFFFF9C0  }
0x6e: {  	_ =	swait.ge [sflag:s29], $0x640  }
0x6f: {  	[sflag:s29] =	ssyncset.done $0x0  }
0x70: {  	[sflag:s29] =	ssyncadd.s32 $0xFFFFF9C0  }
0x71: {  	_ =	swait.ge [sflag:s29], $0x640  }
0x72: {  	[sflag:s29] =	ssyncset.done $0x0  }
0x73: {  	[sflag:s29] =	ssyncadd.s32 $0xFFFFF9C0  }
0x74: {  	_ =	swait.ge [sflag:s29], $0x640  }
0x75: {  	[sflag:s29] =	ssyncset.done $0x0  }
0x76: {  	[sflag:s29] =	ssyncadd.s32 $0xFFFFF9C0  }
0x77: {  	_ =	swait.ge [sflag:s29], $0x640  }
0x78: {  	[sflag:s29] =	ssyncset.done $0x0  }
0x79: {  	[sflag:s29] =	ssyncadd.s32 $0xFFFFF9C0  }
0x7a: {  	_ =	swait.ge [sflag:s29], $0x640  }
0x7b: {  	[sflag:s29] =	ssyncset.done $0x0  }
0x7c: {  	[sflag:s29] =	ssyncadd.s32 $0xFFFFF9C0  }
0x7d: {  	_ =	swait.ge [sflag:s29], $0x640  }
0x7e: {  	[sflag:s29] =	ssyncset.done $0x0  }
0x7f: {  	[sflag:s29] =	ssyncadd.s32 $0xFFFFF9C0  }
0x80: {  	_ =	swait.ge [sflag:s29], $0x640  }
0x81: {  	[sflag:s29] =	ssyncset.done $0x0  }
0x82: {  	[sflag:s29] =	ssyncadd.s32 $0xFFFFF9C0  }
0x83: {  	_ =	swait.ge [sflag:s29], $0x640  }
0x84: {  	[sflag:s29] =	ssyncset.done $0x0  }
0x85: {  	[sflag:s29] =	ssyncadd.s32 $0xFFFFF9C0  }
0x86: {  	_ =	swait.ge [sflag:s29], $0x640  }
0x87: {  	[sflag:s29] =	ssyncset.done $0x0  }
0x88: {  	[sflag:s29] =	ssyncadd.s32 $0xFFFFF9C0  }
0x89: {  	_ =	swait.ge [sflag:s29], $0x640  }
0x8a: {  	[sflag:s29] =	ssyncset.done $0x0  }
0x8b: {  	[sflag:s29] =	ssyncadd.s32 $0xFFFFF9C0  }
0x8c: {  	_ =	swait.ge [sflag:s29], $0x640  }
0x8d: {  	[sflag:s29] =	ssyncset.done $0x0  }
0x8e: {  	[sflag:s29] =	ssyncadd.s32 $0xFFFFF9C0  }
0x8f: {  	_ =	swait.ge [sflag:s29], $0x640  }
0x90: {  	[sflag:s29] =	ssyncset.done $0x0  }
0x91: {  	[sflag:s29] =	ssyncadd.s32 $0xFFFFF9C0  }
0x92: {  	_ =	swait.ge [sflag:s29], $0x640  }
0x93: {  	[sflag:s29] =	ssyncset.done $0x0  }
0x94: {  	[sflag:s29] =	ssyncadd.s32 $0xFFFFF9C0  }
0x95: {  	_ =	swait.ge [sflag:s29], $0x640  }
0x96: {  	[sflag:s29] =	ssyncset.done $0x0  }
0x97: {  	[sflag:s29] =	ssyncadd.s32 $0xFFFFF9C0  }
0x98: {  	_ =	swait.ge [sflag:s29], $0x640  }
0x99: {  	[sflag:s29] =	ssyncset.done $0x0  }
0x9a: {  	[sflag:s29] =	ssyncadd.s32 $0xFFFFF9C0  }
0x9b: {  	_ =	swait.ge [sflag:s29], $0x640  }
0x9c: {  	[sflag:s29] =	ssyncset.done $0x0  }
0x9d: {  	[sflag:s29] =	ssyncadd.s32 $0xFFFFF9C0  }
0x9e: {  	_ =	swait.ge [sflag:s29], $0x640  }
0x9f: {  	[sflag:s29] =	ssyncset.done $0x0  }
0xa0: {  	[sflag:s29] =	ssyncadd.s32 $0xFFFFF9C0  }
0xa1: {  	_ =	swait.ge [sflag:s29], $0x640  }
0xa2: {  	[sflag:s29] =	ssyncset.done $0x0  }
0xa3: {  	[sflag:s29] =	ssyncadd.s32 $0xFFFFF9C0  }
0xa4: {  	_ =	swait.ge [sflag:s29], $0x640  }
0xa5: {  	[sflag:s29] =	ssyncset.done $0x0  }
0xa6: {  	[sflag:s29] =	ssyncadd.s32 $0xFFFFF9C0  }
0xa7: {  	_ =	swait.ge [sflag:s29], $0x640  }
0xa8: {  	[sflag:s29] =	ssyncset.done $0x0  }
0xa9: {  	[sflag:s29] =	ssyncadd.s32 $0xFFFFF9C0  }
0xaa: {  	_ =	swait.ge [sflag:s29], $0x640  }
0xab: {  	[sflag:s29] =	ssyncset.done $0x0  }
0xac: {  	[sflag:s29] =	ssyncadd.s32 $0xFFFFF9C0  }
0xad: {  	_ =	swait.ge [sflag:s29], $0x640  }
0xae: {  	[sflag:s29] =	ssyncset.done $0x0  }
0xaf: {  	[sflag:s29] =	ssyncadd.s32 $0xFFFFF9C0  }
0xb0: {  	_ =	swait.ge [sflag:s29], $0x640  }
0xb1: {  	[sflag:s29] =	ssyncset.done $0x0  }
0xb2: {  	[sflag:s29] =	ssyncadd.s32 $0xFFFFF9C0  }
0xb3: {  	_ =	swait.ge [sflag:s29], $0x640  }
0xb4: {  	[sflag:s29] =	ssyncset.done $0x0  }
0xb5: {  	[sflag:s29] =	ssyncadd.s32 $0xFFFFF9C0  }
0xb6: {  	_ =	swait.ge [sflag:s29], $0x640  }
0xb7: {  	[sflag:s29] =	ssyncset.done $0x0  }
0xb8: {  	[sflag:s29] =	ssyncadd.s32 $0xFFFFF9C0  }
0xb9: {  	_ =	swait.ge [sflag:s29], $0x640  }
0xba: {  	[sflag:s29] =	ssyncset.done $0x0  }
0xbb: {  	[sflag:s29] =	ssyncadd.s32 $0xFFFFF9C0  }
0xbc: {  	_ =	swait.ge [sflag:s30], $0x400  }
0xbd: {  	[sflag:s30] =	ssyncset.done $0x0  }
0xbe: {  	s1 =	simm.s32 $0xD340;
	s2 =	simm.s32 $0xA40;
	[sflag:s30] =	ssyncadd.s32 $0xFFFFFC00  }
.LBB2_3:
0xbf: {  	v0 =	vld [tilespmem:s2+$0xFFFFFCE0]  }
0xc0: {  	v1 =	vld [tilespmem:s2+$0xFFFFFCF0]  }
0xc1: {  	v2 =	vld [tilespmem:s2+$0xFFFFFD00]  }
0xc2: {  	v3 =	vld [tilespmem:s2+$0xFFFFFD10]  }
0xc3: {  	v4 =	vld [tilespmem:s2+$0xFFFFFD20]  }
0xc4: {  	v5 =	vld [tilespmem:s2+$0xFFFFFD30]  }
0xc5: {  	v6 =	vld [tilespmem:s2+$0xFFFFFD40]  }
0xc6: {  	v7 =	vld [tilespmem:s2+$0xFFFFFD50]  }
0xc7: {  	v8 =	vld [tilespmem:s2+$0xFFFFFD60]  }
0xc8: {  	v9 =	vld [tilespmem:s2+$0xFFFFFD70]  }
0xc9: {  	v10 =	vld [tilespmem:s2+$0xFFFFFD80]  }
0xca: {  	v11 =	vld [tilespmem:s2+$0xFFFFFD90]  }
0xcb: {  	v12 =	vld [tilespmem:s2+$0xFFFFFDA0]  }
0xcc: {  	v13 =	vld [tilespmem:s2+$0xFFFFFDB0]  }
0xcd: {  	v14 =	vld [tilespmem:s2+$0xFFFFFDC0]  }
0xce: {  	v15 =	vld [tilespmem:s2+$0xFFFFFDD0]  }
0xcf: {  	v16 =	vld [tilespmem:s2+$0xFFFFFDE0]  }
0xd0: {  	v17 =	vld [tilespmem:s2+$0xFFFFFDF0]  }
0xd1: {  	v18 =	vld [tilespmem:s2+$0xFFFFFE00]  }
0xd2: {  	v19 =	vld [tilespmem:s2+$0xFFFFFE10]  }
0xd3: {  	v20 =	vld [tilespmem:s2+$0xFFFFFE20]  }
0xd4: {  	v21 =	vld [tilespmem:s2+$0xFFFFFE30]  }
0xd5: {  	v22 =	vld [tilespmem:s2+$0xFFFFFE40]  }
0xd6: {  	v23 =	vld [tilespmem:s2+$0xFFFFFE50]  }
0xd7: {  	v24 =	vld [tilespmem:s2+$0xFFFFFE60]  }
0xd8: {  	v25 =	vld [tilespmem:s2+$0xFFFFFE70]  }
0xd9: {  	v26 =	vld [tilespmem:s2+$0xFFFFFE80]  }
0xda: {  	v27 =	vld [tilespmem:s2+$0xFFFFFE90]  }
0xdb: {  	v28 =	vld [tilespmem:s2+$0xFFFFFEA0]  }
0xdc: {  	v29 =	vld [tilespmem:s2+$0xFFFFFEB0]  }
0xdd: {  	v30 =	vld [tilespmem:s2+$0xFFFFFEC0]  }
0xde: {  	v31 =	vld [tilespmem:s2+$0xFFFFFED0]  }
0xdf: {  	v32 =	vld [tilespmem:s2+$0xFFFFFEE0]  }
0xe0: {  	v33 =	vld [tilespmem:s2+$0xFFFFFEF0]  }
0xe1: {  	v34 =	vld [tilespmem:s2+$0xFFFFFF00]  }
0xe2: {  	v35 =	vld [tilespmem:s2+$0xFFFFFF10]  }
0xe3: {  	v36 =	vld [tilespmem:s2+$0xFFFFFF20]  }
0xe4: {  	v37 =	vld [tilespmem:s2+$0xFFFFFF30]  }
0xe5: {  	v38 =	vld [tilespmem:s2+$0xFFFFFF40]  }
0xe6: {  	v39 =	vld [tilespmem:s2+$0xFFFFFF50]  }
0xe7: {  	v40 =	vld [tilespmem:s2+$0xFFFFFF60]  }
0xe8: {  	v41 =	vld [tilespmem:s2+$0xFFFFFF70]  }
0xe9: {  	v42 =	vld [tilespmem:s2+$0xFFFFFF80]  }
0xea: {  	v43 =	vld [tilespmem:s2+$0xFFFFFF90]  }
0xeb: {  	v44 =	vld [tilespmem:s2+$0xFFFFFFA0]  }
0xec: {  	v45 =	vld [tilespmem:s2+$0xFFFFFFB0]  }
0xed: {  	v46 =	vld [tilespmem:s2+$0xFFFFFFC0]  }
0xee: {  	v47 =	vld [tilespmem:s2+$0xFFFFFFD0]  }
0xef: {  	v48 =	vld [tilespmem:s2+$0xFFFFFFE0]  }
0xf0: {  	v49 =	vld [tilespmem:s2+$0xFFFFFFF0]  }
0xf1: {  	v50 =	vld [tilespmem:s2+$0x0]  }
0xf2: {  	v51 =	vld [tilespmem:s2+$0x10]  }
0xf3: {  	v52 =	vld [tilespmem:s2+$0x20]  }
0xf4: {  	v53 =	vld [tilespmem:s2+$0x30]  }
0xf5: {  	v54 =	vld [tilespmem:s2+$0x40]  }
0xf6: {  	v55 =	vld [tilespmem:s2+$0x50]  }
0xf7: {  	v56 =	vld [tilespmem:s2+$0x60]  }
0xf8: {  	v57 =	vld [tilespmem:s2+$0x70]  }
0xf9: {  	v58 =	vld [tilespmem:s2+$0x100];
	v0 =	vadd.f32 v4, v0;
	v2 =	vadd.f32 v6, v2  }
0xfa: {  	v59 =	vld [tilespmem:s2+$0x110];
	v1 =	vadd.f32 v5, v1;
	v3 =	vadd.f32 v7, v3  }
0xfb: {  	v60 =	vld [tilespmem:s2+$0x120];
	v0 =	vadd.f32 v8, v0;
	v2 =	vadd.f32 v10, v2  }
0xfc: {  	v61 =	vld [tilespmem:s2+$0x130];
	v1 =	vadd.f32 v9, v1;
	v3 =	vadd.f32 v11, v3  }
0xfd: {  	v62 =	vld [tilespmem:s2+$0x140];
	v0 =	vadd.f32 v12, v0;
	v2 =	vadd.f32 v14, v2  }
0xfe: {  	v63 =	vld [tilespmem:s2+$0x150];
	v1 =	vadd.f32 v13, v1;
	v3 =	vadd.f32 v15, v3  }
0xff: {  	v4 =	vld [tilespmem:s2+$0x80];
	v0 =	vadd.f32 v16, v0;
	v2 =	vadd.f32 v18, v2  }
0x100: {  	v5 =	vld [tilespmem:s2+$0x90];
	v1 =	vadd.f32 v17, v1;
	v3 =	vadd.f32 v19, v3  }
0x101: {  	v6 =	vld [tilespmem:s2+$0xA0];
	v0 =	vadd.f32 v20, v0;
	v2 =	vadd.f32 v22, v2  }
0x102: {  	v7 =	vld [tilespmem:s2+$0xB0];
	v1 =	vadd.f32 v21, v1;
	v3 =	vadd.f32 v23, v3  }
0x103: {  	v8 =	vld [tilespmem:s2+$0xC0];
	v0 =	vadd.f32 v24, v0;
	v2 =	vadd.f32 v26, v2  }
0x104: {  	v9 =	vld [tilespmem:s2+$0xD0];
	v1 =	vadd.f32 v25, v1;
	v3 =	vadd.f32 v27, v3  }
0x105: {  	v10 =	vld [tilespmem:s2+$0xE0];
	v0 =	vadd.f32 v28, v0;
	v2 =	vadd.f32 v30, v2  }
0x106: {  	v11 =	vld [tilespmem:s2+$0xF0];
	v1 =	vadd.f32 v29, v1;
	v3 =	vadd.f32 v31, v3  }
0x107: {  	v0 =	vadd.f32 v32, v0;
	v2 =	vadd.f32 v34, v2;
	v34 =	vld [tilespmem:s2+$0x160]  }
0x108: {  	v1 =	vadd.f32 v33, v1;
	v3 =	vadd.f32 v35, v3;
	v35 =	vld [tilespmem:s2+$0x170]  }
0x109: {  	v0 =	vadd.f32 v36, v0;
	v2 =	vadd.f32 v38, v2;
	v36 =	vld [tilespmem:s2+$0x180]  }
0x10a: {  	v1 =	vadd.f32 v37, v1;
	v3 =	vadd.f32 v39, v3;
	v38 =	vld [tilespmem:s2+$0x190]  }
0x10b: {  	v39 =	vld [tilespmem:s2+$0x1A0];
	v0 =	vadd.f32 v40, v0;
	v2 =	vadd.f32 v42, v2  }
0x10c: {  	v1 =	vadd.f32 v41, v1;
	v3 =	vadd.f32 v43, v3;
	v40 =	vld [tilespmem:s2+$0x1B0]  }
0x10d: {  	v41 =	vld [tilespmem:s2+$0x1C0];
	v0 =	vadd.f32 v44, v0;
	v2 =	vadd.f32 v46, v2  }
0x10e: {  	v42 =	vld [tilespmem:s2+$0x1D0];
	v1 =	vadd.f32 v45, v1;
	v3 =	vadd.f32 v47, v3  }
0x10f: {  	v43 =	vld [tilespmem:s2+$0x1E0];
	v0 =	vadd.f32 v48, v0;
	v2 =	vadd.f32 v50, v2  }
0x110: {  	v44 =	vld [tilespmem:s2+$0x1F0];
	v1 =	vadd.f32 v49, v1;
	v3 =	vadd.f32 v51, v3  }
0x111: {  	v45 =	vld [tilespmem:s2+$0x200];
	v0 =	vadd.f32 v52, v0;
	v2 =	vadd.f32 v54, v2  }
0x112: {  	v46 =	vld [tilespmem:s2+$0x210];
	v1 =	vadd.f32 v53, v1;
	v3 =	vadd.f32 v55, v3  }
0x113: {  	v47 =	vld [tilespmem:s2+$0x220];
	v0 =	vadd.f32 v56, v0;
	v2 =	vadd.f32 v4, v2  }
0x114: {  	v48 =	vld [tilespmem:s2+$0x230];
	v1 =	vadd.f32 v57, v1;
	v3 =	vadd.f32 v5, v3  }
0x115: {  	v49 =	vld [tilespmem:s2+$0x240];
	v0 =	vadd.f32 v6, v0;
	v2 =	vadd.f32 v8, v2  }
0x116: {  	v50 =	vld [tilespmem:s2+$0x250];
	v1 =	vadd.f32 v7, v1;
	v3 =	vadd.f32 v9, v3  }
0x117: {  	v51 =	vld [tilespmem:s2+$0x260];
	v0 =	vadd.f32 v10, v0;
	v2 =	vadd.f32 v58, v2  }
0x118: {  	v52 =	vld [tilespmem:s2+$0x270];
	v1 =	vadd.f32 v11, v1;
	v3 =	vadd.f32 v59, v3  }
0x119: {  	v53 =	vld [tilespmem:s2+$0x280];
	v0 =	vadd.f32 v60, v0;
	v2 =	vadd.f32 v62, v2  }
0x11a: {  	v54 =	vld [tilespmem:s2+$0x290];
	v1 =	vadd.f32 v61, v1;
	v3 =	vadd.f32 v63, v3  }
0x11b: {  	v55 =	vld [tilespmem:s2+$0x2A0];
	v0 =	vadd.f32 v34, v0;
	v2 =	vadd.f32 v36, v2  }
0x11c: {  	v56 =	vld [tilespmem:s2+$0x2B0];
	v1 =	vadd.f32 v35, v1;
	v3 =	vadd.f32 v38, v3  }
0x11d: {  	v57 =	vld [tilespmem:s2+$0x2C0];
	v0 =	vadd.f32 v39, v0;
	v2 =	vadd.f32 v41, v2  }
0x11e: {  	v58 =	vld [tilespmem:s2+$0x2D0];
	v1 =	vadd.f32 v40, v1;
	v3 =	vadd.f32 v42, v3  }
0x11f: {  	v59 =	vld [tilespmem:s2+$0x2E0];
	v0 =	vadd.f32 v43, v0;
	v2 =	vadd.f32 v45, v2  }
0x120: {  	s11 =	sshra.s32 s8, $0x2;
	v60 =	vld [tilespmem:s2+$0x2F0];
	v1 =	vadd.f32 v44, v1;
	v3 =	vadd.f32 v46, v3  }
0x121: {  	v61 =	vld [tilespmem:s11+$0xCF20];
	v0 =	vadd.f32 v47, v0;
	v2 =	vadd.f32 v49, v2  }
0x122: {  	v62 =	vld [tilespmem:s2+$0x300];
	v1 =	vadd.f32 v48, v1;
	v3 =	vadd.f32 v50, v3  }
0x123: {  	v63 =	vld [tilespmem:s2+$0x310];
	v0 =	vadd.f32 v51, v0;
	v2 =	vadd.f32 v53, v2  }
0x124: {  	v1 =	vadd.f32 v52, v1;
	v3 =	vadd.f32 v54, v3  }
0x125: {  	v0 =	vadd.f32 v55, v0;
	v2 =	vadd.f32 v57, v2  }
0x126: {  	[tilespmem:s1+$0xFFFFFFE0] =	vst v61;
	v1 =	vadd.f32 v56, v1;
	v3 =	vadd.f32 v58, v3  }
0x127: {  	v4 =	vld [tilespmem:s11+$0xCF30];
	v0 =	vadd.f32 v59, v0;
	v2 =	vadd.f32 v62, v2  }
0x128: {  	v1 =	vadd.f32 v60, v1;
	v3 =	vadd.f32 v63, v3  }
0x129: {  	p0 =	sne.s32 s8, $0xF80;
	v0 =	vadd.f32 v2, v0  }
.Ltmp0:
0x12a: {  	v1 =	vadd.f32 v3, v1;
	(pc) =	sbr.rel @p0 .LBB2_3-.Ltmp0, $4  }
0x12b: {  	v0 =	vmul.f32 $1.999999960e-02, v0  }
0x12c: {  	[tilespmem:s1+$0xFFFFFFF0] =	vst v4;
	v1 =	vmul.f32 $1.999999960e-02, v1  }
0x12d: {  	[tilespmem:s1+$0x0] =	vst v0  }
0x12e: {  	s8 =	sadd.s32 $0x80, s8;
	s2 =	sadd.s32 $0x640, s2;
	[tilespmem:s1+$0x10] =	vst v1;
	s1 =	sadd.s32 $0x40, s1  }
0x12f: {  	s0 =	sadd.s32 $0x1, s0  }
0x130: {  	s1 =	sshll.u32 s3, $0x8;
	p0 =	sne.s32 s0, $0x10  }
.Ltmp1:
0x131: {  	s2 =	simm.s32 $0x0;
	s1 =	sadd.s32 s6, s1;
	(pc) =	sbr.rel @p0 .LBB2_2-.Ltmp1, $4  }
0x132: {  	[hbm4b:s1+s2] =	stream.linear.scatter [tilespmem:s31], [sflag:$0x3], $0x800, $0x38;
	[tilespmem:$0xDB20] =	vst v63  }
0x133: {  	_ =	swait.ge [sflag:s9], $0x800  }
0x134: {  	[sflag:s9] =	ssyncset.done $0x0  }
0x135: {  	[sflag:s9] =	ssyncadd.s32 $0xFFFFF800  }
0x136: {  	s1 =	rddreg [dreg:$0x4]  }
0x137: {  	s0 =	rddreg [dreg:$0x3];
	s1 =	sadd.s32 $0x1, s1  }
0x138: {  	p0 =	sne.s32 s1, s0  }
.Ltmp2:
0x139: {  	_ = 	snop;
	(pc) =	sbr.rel @p0 .LBB2_1-.Ltmp2, $1  }
0x13a: {  	_ =	sdelay $0x3  }
0x13b: {  	_ =	sfence.sel $0x180000  }
0x13c: {  	[bflag:$0x0] =	sbarrier.arrive $0xFFFF  }
0x13d: {  	_ =	strace $0x90000047  }
0x13e: {  	s0 =	stileid.u32;
	[bflag:$0x2] =	sbarrier.arrive $0xFFFF  }
0x13f: {  	p0 =	sne.s32 s0, $0x0;
	s0 =	rddreg [dreg:$0x2]  }
0x140: {  	s0 =	sadd.s32 @!p0 $0x100000, s0  }
0x141: {  	[sflag:s0] =	ssyncadd.tile.s32 @!p0 $0x1;
	_ =	shalt  }
.Lfunc_end2:
_tile_overlayer_lowered:
.L_overlay_start_2:
0x142: {  	(tag) =	ssettag $0x2  }
0x143: {  	s0 =	rddreg [dreg:$0x0];
	s2 =	stileid.u32  }
0x144: {  	s1 =	rddreg [dreg:$0x1];
	p0 =	sne.s32 s2, $0x0  }
0x145: {  	s3 =	rddreg [dreg:$0x2];
	[bflag:$0x3] =	sbarrier.arrive $0xFFFF;
	s2 =	simm.s32 @!p0 $0x1C03  }
0x146: {  	[timem:s3], [sflag:s2] =	dma.local @!p0 [hbm:s0], s1  }
0x147: {  	s0 =	simm.s32 @!p0 $0x3  }
0x148: {  	_ =	swait.ge @!p0 [sflag:s0], s1  }
0x149: {  	s1 =	ssub.s32 @!p0 $0x0, s1;
	[sflag:s0] =	ssyncset.done @!p0 $0x0  }
0x14a: {  	[sflag:s0] =	ssyncadd.s32 @!p0 s1  }
0x14b: {  	[bflag:$0x3] =	sbarrier.arrive $0xFFFF  }
0x14c: {  	_ =	shalt  }

</sc_bundles>
